<compile_context>
chip_gen: v7x
topology: tpu7x:2x2x1
jax: 0.10.2.dev20260603
libtpu: 0.0.44.dev20260713+nightly
codegen_flags: <defaults>
</compile_context>

<pallas_src>
import functools

import jax
import jax.numpy as jnp
from jax import lax
from jax.experimental import pallas as pl
from jax.experimental.pallas import tpu as pltpu
from jax.experimental.pallas import tpu_sc as plsc

_NC = 2
_NS = 16
_NW = _NC * _NS
_K = 128
_BLK = 128


def _sc_agg(m, src_r, dst_r, zeros, n_agg, n_pad, d, chunks):
    mesh = plsc.VectorSubcoreMesh(core_axis_name="c", subcore_axis_name="s")

    @functools.partial(
        pl.kernel,
        mesh=mesh,
        out_type=jax.ShapeDtypeStruct((_NC, n_pad, d), jnp.float32),
        scratch_types=[
            pltpu.VMEM((chunks, _K), jnp.int32),
            pltpu.VMEM((chunks, _K), jnp.int32),
            pltpu.VMEM((_K, d), jnp.float32),
            pltpu.VMEM_SHARED((n_agg, d), jnp.float32),
            pltpu.SemaphoreType.DMA,
        ],
    )
    def body(m_hbm, src_hbm, dst_hbm, z_hbm, out_hbm, src_v, dst_v,
             rows_v, agg_sh, g0):
        c = lax.axis_index("c")
        s = lax.axis_index("s")
        wid = s * _NC + c
        zrows = n_agg // 10

        @pl.when(s < 10)
        def _():
            sl = pl.ds(s * zrows, zrows)
            pltpu.sync_copy(z_hbm.at[sl], agg_sh.at[sl])

        pltpu.sync_copy(src_hbm.at[wid], src_v)
        pltpu.sync_copy(dst_hbm.at[wid], dst_v)
        plsc.subcore_barrier()

        def step(j, carry):
            pltpu.async_copy(m_hbm.at[src_v.at[j]], rows_v, g0).wait()
            pltpu.sync_copy(rows_v, agg_sh.at[dst_v.at[j]], add=True)
            return carry

        lax.fori_loop(0, chunks, step, 0)
        plsc.subcore_barrier()

        @pl.when(s < 10)
        def _():
            sl = pl.ds(s * zrows, zrows)
            pltpu.sync_copy(agg_sh.at[sl], out_hbm.at[c].at[sl])

    return body(m, src_r, dst_r, zeros)


def _mm_body(h_ref, w_ref, o_ref):
    o_ref[...] = jnp.dot(h_ref[...], w_ref[...],
                         preferred_element_type=jnp.float32)


def _mm(h, w, n_pad, d):
    grid = n_pad // _BLK
    return pl.pallas_call(
        _mm_body,
        grid=(grid,),
        in_specs=[
            pl.BlockSpec((_BLK, d), lambda i: (i, 0)),
            pl.BlockSpec((d, d), lambda i: (0, 0)),
        ],
        out_specs=pl.BlockSpec((_BLK, d), lambda i: (i, 0)),
        out_shape=jax.ShapeDtypeStruct((n_pad, d), jnp.float32),
    )(h, w)


def _gru_body(n_nodes, d, parts_ref, h_ref, wih_ref, whh_ref, bih_ref,
              bhh_ref, wnext_ref, h_out_ref, m_out_ref):
    i = pl.program_id(0)
    agg = parts_ref[0] + parts_ref[1]
    h = h_ref[...]
    cdims = (((1,), (1,)), ((), ()))
    gi = lax.dot_general(agg, wih_ref[...], cdims,
                         preferred_element_type=jnp.float32) + bih_ref[...]
    gh = lax.dot_general(h, whh_ref[...], cdims,
                         preferred_element_type=jnp.float32) + bhh_ref[...]
    r = jax.nn.sigmoid(gi[:, :d] + gh[:, :d])
    z = jax.nn.sigmoid(gi[:, d:2 * d] + gh[:, d:2 * d])
    n = jnp.tanh(gi[:, 2 * d:] + r * gh[:, 2 * d:])
    hn = (1.0 - z) * n + z * h
    row = i * _BLK + lax.broadcasted_iota(jnp.int32, (_BLK, 1), 0)
    hn = jnp.where(row < n_nodes, hn, 0.0)
    h_out_ref[...] = hn
    m_out_ref[...] = jnp.dot(hn, wnext_ref[...],
                             preferred_element_type=jnp.float32)


def _gru(parts, h, w_ih, w_hh, b_ih, b_hh, w_next, n_nodes, n_pad, d):
    grid = n_pad // _BLK
    return pl.pallas_call(
        functools.partial(_gru_body, n_nodes, d),
        grid=(grid,),
        in_specs=[
            pl.BlockSpec((2, _BLK, d), lambda i: (0, i, 0)),
            pl.BlockSpec((_BLK, d), lambda i: (i, 0)),
            pl.BlockSpec((3 * d, d), lambda i: (0, 0)),
            pl.BlockSpec((3 * d, d), lambda i: (0, 0)),
            pl.BlockSpec((1, 3 * d), lambda i: (0, 0)),
            pl.BlockSpec((1, 3 * d), lambda i: (0, 0)),
            pl.BlockSpec((d, d), lambda i: (0, 0)),
        ],
        out_specs=[
            pl.BlockSpec((_BLK, d), lambda i: (i, 0)),
            pl.BlockSpec((_BLK, d), lambda i: (i, 0)),
        ],
        out_shape=[
            jax.ShapeDtypeStruct((n_pad, d), jnp.float32),
            jax.ShapeDtypeStruct((n_pad, d), jnp.float32),
        ],
    )(parts, h, w_ih, w_hh, b_ih, b_hh, w_next)


def _pool_body(num_graphs, d, b_ref, h_ref, l1w_ref, l1b_ref, l2w_ref,
               l2b_ref, o_ref, sums_ref, counts_ref):
    i = pl.program_id(0)
    nblk = pl.num_programs(0)

    @pl.when(i == 0)
    def _():
        sums_ref[...] = jnp.zeros_like(sums_ref)
        counts_ref[...] = jnp.zeros_like(counts_ref)

    batch = b_ref[0]
    gids = lax.broadcasted_iota(jnp.int32, (num_graphs, 1), 0)
    onehot = (batch == gids).astype(jnp.float32)
    h = h_ref[...]
    sums_ref[...] += jnp.dot(onehot, h, preferred_element_type=jnp.float32)
    counts_ref[...] = counts_ref[...] + jnp.sum(onehot, axis=1, keepdims=True)

    @pl.when(i == nblk - 1)
    def _():
        gr = sums_ref[...] / jnp.maximum(counts_ref[...], 1.0)
        cdims = (((1,), (1,)), ((), ()))
        hid = lax.dot_general(gr, l1w_ref[...], cdims,
                              preferred_element_type=jnp.float32) + l1b_ref[...]
        hid = jnp.maximum(hid, 0.0)
        logits = lax.dot_general(hid, l2w_ref[...], cdims,
                                 preferred_element_type=jnp.float32) + l2b_ref[...]
        o_ref[...] = jax.nn.sigmoid(logits)


def _pool_mlp(h, batch_r3, l1w, l1b, l2w_pad, l2b_pad, num_graphs, n_pad, d,
              hid_d):
    grid = n_pad // _BLK
    return pl.pallas_call(
        functools.partial(_pool_body, num_graphs, d),
        grid=(grid,),
        in_specs=[
            pl.BlockSpec((1, 1, _BLK), lambda i: (i, 0, 0)),
            pl.BlockSpec((_BLK, d), lambda i: (i, 0)),
            pl.BlockSpec((hid_d, d), lambda i: (0, 0)),
            pl.BlockSpec((1, hid_d), lambda i: (0, 0)),
            pl.BlockSpec((hid_d, hid_d), lambda i: (0, 0)),
            pl.BlockSpec((1, hid_d), lambda i: (0, 0)),
        ],
        out_specs=pl.BlockSpec((num_graphs, hid_d), lambda i: (0, 0)),
        out_shape=jax.ShapeDtypeStruct((num_graphs, hid_d), jnp.float32),
        scratch_shapes=[
            pltpu.VMEM((num_graphs, d), jnp.float32),
            pltpu.VMEM((num_graphs, 1), jnp.float32),
        ],
    )(batch_r3, h, l1w, l1b, l2w_pad, l2b_pad)


def kernel(x, edge_index, batch, ggc_weight, w_ih, w_hh, b_ih, b_hh,
           lin1_w, lin1_b, lin2_w, lin2_b):
    n, d = x.shape
    num_layers = ggc_weight.shape[0]
    e = edge_index.shape[1]
    num_graphs = 256
    hid_d = lin1_w.shape[0]

    n_pad = ((n + _BLK) // _BLK) * _BLK
    chunks = (e + _NW * _K - 1) // (_NW * _K)
    e_pad = chunks * _NW * _K

    src = edge_index[0].astype(jnp.int32)
    dst = edge_index[1].astype(jnp.int32)
    src_r = jnp.concatenate(
        [src, jnp.full((e_pad - e,), n, jnp.int32)]).reshape(_NW, chunks, _K)
    dst_r = jnp.concatenate(
        [dst, jnp.arange(e_pad - e, dtype=jnp.int32) % n]).reshape(
            _NW, chunks, _K)

    zeros = jnp.zeros((n, d), jnp.float32)
    h = jnp.pad(x.astype(jnp.float32), ((0, n_pad - n), (0, 0)))

    batch_pad = jnp.concatenate(
        [batch.astype(jnp.int32),
         jnp.full((n_pad - n,), num_graphs, jnp.int32)]).reshape(
             n_pad // _BLK, 1, _BLK)

    b_ih2 = b_ih.astype(jnp.float32).reshape(1, 3 * d)
    b_hh2 = b_hh.astype(jnp.float32).reshape(1, 3 * d)
    l1b2 = lin1_b.astype(jnp.float32).reshape(1, hid_d)
    l2w_pad = jnp.zeros((hid_d, hid_d), jnp.float32).at[0].set(
        lin2_w[0].astype(jnp.float32))
    l2b_pad = jnp.zeros((1, hid_d), jnp.float32).at[0, 0].set(
        lin2_b[0].astype(jnp.float32))

    m = _mm(h, ggc_weight[0], n_pad, d)
    for i in range(num_layers):
        parts = _sc_agg(m, src_r, dst_r, zeros, n, n_pad, d, chunks)
        w_next = ggc_weight[(i + 1) % num_layers]
        h, m = _gru(parts, h, w_ih, w_hh, b_ih2, b_hh2, w_next,
                    n, n_pad, d)

    probs_pad = _pool_mlp(h, batch_pad, lin1_w, l1b2, l2w_pad, l2b_pad,
                          num_graphs, n_pad, d, hid_d)
    return probs_pad[:, :1]

# --- scband reference (transcript-rebuilt; emitter-appended) ---
"""Pipeline reference for scband-devign1-33243046871386 (READ-ONLY COPY).

The authoritative reference and input builder live on the scoring server;
editing this copy changes nothing except your own understanding.
"""

import jax, jax.numpy as jnp
import numpy as np

N_NODES = 10000
N_EDGES = 320000
D = 128
NUM_LAYERS = 6
NUM_GRAPHS = 256


def setup_inputs(seed: int = 0) -> dict:
    key = jax.random.key(seed)
    ks = jax.random.split(key, 12)
    x = jax.random.normal(ks[0], (N_NODES, D), dtype=jnp.float32)
    edge_index = jax.random.randint(ks[1], (2, N_EDGES), 0, N_NODES, dtype=jnp.int64)
    batch = jnp.sort(jax.random.randint(ks[2], (N_NODES,), 0, NUM_GRAPHS, dtype=jnp.int64))
    ggc_weight = jax.random.normal(ks[3], (NUM_LAYERS, D, D), dtype=jnp.float32) * 0.05
    w_ih = jax.random.normal(ks[4], (3 * D, D), dtype=jnp.float32) * 0.05
    w_hh = jax.random.normal(ks[5], (3 * D, D), dtype=jnp.float32) * 0.05
    b_ih = jax.random.normal(ks[6], (3 * D,), dtype=jnp.float32) * 0.05
    b_hh = jax.random.normal(ks[7], (3 * D,), dtype=jnp.float32) * 0.05
    lin1_w = jax.random.normal(ks[8], (128, D), dtype=jnp.float32) * 0.05
    lin1_b = jnp.zeros((128,), dtype=jnp.float32)
    lin2_w = jax.random.normal(ks[9], (1, 128), dtype=jnp.float32) * 0.05
    lin2_b = jnp.zeros((1,), dtype=jnp.float32)
    return {"x": x, "edge_index": edge_index, "batch": batch,
            "ggc_weight": ggc_weight, "w_ih": w_ih, "w_hh": w_hh,
            "b_ih": b_ih, "b_hh": b_hh, "lin1_w": lin1_w, "lin1_b": lin1_b,
            "lin2_w": lin2_w, "lin2_b": lin2_b}


def reference(x, edge_index, batch, ggc_weight, w_ih, w_hh, b_ih, b_hh,
              lin1_w, lin1_b, lin2_w, lin2_b):
    N = x.shape[0]
    out_ch = ggc_weight.shape[-1]
    h = x
    if h.shape[1] < out_ch:
        h = jnp.concatenate([h, jnp.zeros((N, out_ch - h.shape[1]), h.dtype)], axis=1)
    src = edge_index[0]
    dst = edge_index[1]
    num_layers = ggc_weight.shape[0]
    for i in range(num_layers):
        m = h @ ggc_weight[i]
        # message passing: gather from source, scatter-add to destination
        agg = jax.ops.segment_sum(jnp.take(m, src, axis=0), dst, num_segments=N)
        # torch GRUCell(input=agg, hidden=h)
        gi = agg @ w_ih.T + b_ih
        gh = h @ w_hh.T + b_hh
        i_r, i_z, i_n = jnp.split(gi, 3, axis=1)
        h_r, h_z, h_n = jnp.split(gh, 3, axis=1)
        r = jax.nn.sigmoid(i_r + h_r)
        z = jax.nn.sigmoid(i_z + h_z)
        n = jnp.tanh(i_n + r * h_n)
        h = (1.0 - z) * n + z * h
    # global_mean_pool over batch vector
    sums = jax.ops.segment_sum(h, batch, num_segments=NUM_GRAPHS)
    counts = jax.ops.segment_sum(jnp.ones((N, 1), h.dtype), batch, num_segments=NUM_GRAPHS)
    graph_repr = sums / jnp.clip(counts, 1.0, None)
    hid = jax.nn.relu(graph_repr @ lin1_w.T + lin1_b)
    logits = hid @ lin2_w.T + lin2_b  # dropout is identity at eval
    probs = jax.nn.sigmoid(logits)
    return probs

if __name__ == "__main__":
    import jax
    _d = setup_inputs()
    print(jax.jit(kernel)(*tuple(_d.values())))

</pallas_src>

<mosaic_0001>
#map = affine_map<(d0, d1) -> (0, 0)>
#map1 = affine_map<(d0, d1) -> (0, 0, 0)>
module attributes {stable_mosaic.version = 14 : i64} {
  func.func @body(%arg0: i32, %arg1: i32, %arg2: memref<10112x128xf32, #tpu.memory_space<hbm>>, %arg3: memref<32x79x128xi32, #tpu.memory_space<hbm>>, %arg4: memref<32x79x128xi32, #tpu.memory_space<hbm>>, %arg5: memref<10000x128xf32, #tpu.memory_space<hbm>>, %arg6: memref<2x10112x128xf32, #tpu.memory_space<hbm>>, %arg7: memref<79x128xi32, #tpu.memory_space<vmem>>, %arg8: memref<79x128xi32, #tpu.memory_space<vmem>>, %arg9: memref<128x128xf32, #tpu.memory_space<vmem>>, %arg10: memref<10000x128xf32, #tpu.memory_space<vmem_shared>>, %arg11: memref<!tpu.dma_semaphore, #tpu.memory_space<semaphore_mem>>) attributes {dimension_semantics = [#tpu.dimension_semantics<core_parallel>, #tpu.dimension_semantics<subcore_parallel>], iteration_bounds = array<i64: 2, 16>, scalar_prefetch = 0 : i64, scratch_operands = 5 : i64, tpu.core_type = #tpu.core_type<sc_vector_subcore>, window_params = [{transform_indices = #map}, {transform_indices = #map1}, {transform_indices = #map1}, {transform_indices = #map}, {transform_indices = #map1}]} {
    %mul3A = arith.constant 2 : i32
    %mul3A_0 = arith.muli %arg1, %mul3A : i32
    %add3A = arith.addi %mul3A_0, %arg0 : i32
    %lt3A = arith.constant 10 : i32
    %lt3A_1 = arith.cmpi slt, %arg1, %lt3A : i32
    %convert_element_type3A = arith.extui %lt3A_1 : i1 to i32
    %cond3A = arith.constant 0 : i32
    %cond3A_2 = arith.cmpi ne, %convert_element_type3A, %cond3A : i32
    scf.if %cond3A_2 {
      %mul3A_14 = arith.constant 1000 : i32
      %mul3A_15 = arith.muli %arg1, %mul3A_14 : i32
      "tpu.region"() ({
        %run_scoped3A = tpu.sem_alloc : memref<!tpu.dma_semaphore, #tpu.memory_space<semaphore_mem>>
        %dma_start3A = arith.constant 0 : i32
        %dma_start3A_16 = tpu.memref_slice %arg10[%mul3A_15, %dma_start3A] : memref<10000x128xf32, #tpu.memory_space<vmem_shared>> -> memref<1000x128xf32, #tpu.memory_space<vmem_shared>>
        %dma_start3A_17 = arith.constant 0 : i32
        %dma_start3A_18 = tpu.memref_slice %arg5[%mul3A_15, %dma_start3A_17] : memref<10000x128xf32, #tpu.memory_space<hbm>> -> memref<1000x128xf32, #tpu.memory_space<hbm>>
        tpu.enqueue_dma source(%dma_start3A_18 : memref<1000x128xf32, #tpu.memory_space<hbm>>) target(%dma_start3A_16 : memref<1000x128xf32, #tpu.memory_space<vmem_shared>>) target_semaphore(%run_scoped3A : memref<!tpu.dma_semaphore, #tpu.memory_space<semaphore_mem>>)
        %dma_wait3A = arith.constant 0 : i32
        %dma_wait3A_19 = tpu.memref_slice %arg10[%mul3A_15, %dma_wait3A] : memref<10000x128xf32, #tpu.memory_space<vmem_shared>> -> memref<1000x128xf32, #tpu.memory_space<vmem_shared>>
        %dma_wait3A_20 = arith.constant 0 : i32
        %dma_wait3A_21 = tpu.memref_slice %arg5[%mul3A_15, %dma_wait3A_20] : memref<10000x128xf32, #tpu.memory_space<hbm>> -> memref<1000x128xf32, #tpu.memory_space<hbm>>
        tpu.wait_dma2 semaphore(%run_scoped3A : memref<!tpu.dma_semaphore, #tpu.memory_space<semaphore_mem>>) src(%dma_wait3A_21 : memref<1000x128xf32, #tpu.memory_space<hbm>>) dst(%dma_wait3A_19 : memref<1000x128xf32, #tpu.memory_space<vmem_shared>>)
        tpu.yield
      }) : () -> ()
    } else {
    }
    "tpu.region"() ({
      %run_scoped3A = tpu.sem_alloc : memref<!tpu.dma_semaphore, #tpu.memory_space<semaphore_mem>>
      %dma_start3A = arith.constant 0 : i32
      %dma_start3A_14 = arith.constant 0 : i32
      %dma_start3A_15 = tpu.memref_slice %arg3[%add3A, %dma_start3A, %dma_start3A_14] : memref<32x79x128xi32, #tpu.memory_space<hbm>> -> memref<1x79x128xi32, #tpu.memory_space<hbm>>
      %dma_start3A_16 = tpu.memref_squeeze %dma_start3A_15 : memref<1x79x128xi32, #tpu.memory_space<hbm>> -> memref<79x128xi32, #tpu.memory_space<hbm>>
      %dma_start3A_17 = arith.constant 0 : i32
      %dma_start3A_18 = arith.constant 0 : i32
      %dma_start3A_19 = tpu.memref_slice %arg3[%add3A, %dma_start3A_17, %dma_start3A_18] : memref<32x79x128xi32, #tpu.memory_space<hbm>> -> memref<1x79x128xi32, #tpu.memory_space<hbm>>
      %dma_start3A_20 = tpu.memref_squeeze %dma_start3A_19 : memref<1x79x128xi32, #tpu.memory_space<hbm>> -> memref<79x128xi32, #tpu.memory_space<hbm>>
      tpu.enqueue_dma source(%dma_start3A_20 : memref<79x128xi32, #tpu.memory_space<hbm>>) target(%arg7 : memref<79x128xi32, #tpu.memory_space<vmem>>) target_semaphore(%run_scoped3A : memref<!tpu.dma_semaphore, #tpu.memory_space<semaphore_mem>>)
      %dma_wait3A = arith.constant 0 : i32
      %dma_wait3A_21 = arith.constant 0 : i32
      %dma_wait3A_22 = tpu.memref_slice %arg3[%add3A, %dma_wait3A, %dma_wait3A_21] : memref<32x79x128xi32, #tpu.memory_space<hbm>> -> memref<1x79x128xi32, #tpu.memory_space<hbm>>
      %dma_wait3A_23 = tpu.memref_squeeze %dma_wait3A_22 : memref<1x79x128xi32, #tpu.memory_space<hbm>> -> memref<79x128xi32, #tpu.memory_space<hbm>>
      %dma_wait3A_24 = arith.constant 0 : i32
      %dma_wait3A_25 = arith.constant 0 : i32
      %dma_wait3A_26 = tpu.memref_slice %arg3[%add3A, %dma_wait3A_24, %dma_wait3A_25] : memref<32x79x128xi32, #tpu.memory_space<hbm>> -> memref<1x79x128xi32, #tpu.memory_space<hbm>>
      %dma_wait3A_27 = tpu.memref_squeeze %dma_wait3A_26 : memref<1x79x128xi32, #tpu.memory_space<hbm>> -> memref<79x128xi32, #tpu.memory_space<hbm>>
      tpu.wait_dma2 semaphore(%run_scoped3A : memref<!tpu.dma_semaphore, #tpu.memory_space<semaphore_mem>>) src(%dma_wait3A_27 : memref<79x128xi32, #tpu.memory_space<hbm>>) dst(%arg7 : memref<79x128xi32, #tpu.memory_space<vmem>>)
      tpu.yield
    }) : () -> ()
    "tpu.region"() ({
      %run_scoped3A = tpu.sem_alloc : memref<!tpu.dma_semaphore, #tpu.memory_space<semaphore_mem>>
      %dma_start3A = arith.constant 0 : i32
      %dma_start3A_14 = arith.constant 0 : i32
      %dma_start3A_15 = tpu.memref_slice %arg4[%add3A, %dma_start3A, %dma_start3A_14] : memref<32x79x128xi32, #tpu.memory_space<hbm>> -> memref<1x79x128xi32, #tpu.memory_space<hbm>>
      %dma_start3A_16 = tpu.memref_squeeze %dma_start3A_15 : memref<1x79x128xi32, #tpu.memory_space<hbm>> -> memref<79x128xi32, #tpu.memory_space<hbm>>
      %dma_start3A_17 = arith.constant 0 : i32
      %dma_start3A_18 = arith.constant 0 : i32
      %dma_start3A_19 = tpu.memref_slice %arg4[%add3A, %dma_start3A_17, %dma_start3A_18] : memref<32x79x128xi32, #tpu.memory_space<hbm>> -> memref<1x79x128xi32, #tpu.memory_space<hbm>>
      %dma_start3A_20 = tpu.memref_squeeze %dma_start3A_19 : memref<1x79x128xi32, #tpu.memory_space<hbm>> -> memref<79x128xi32, #tpu.memory_space<hbm>>
      tpu.enqueue_dma source(%dma_start3A_20 : memref<79x128xi32, #tpu.memory_space<hbm>>) target(%arg8 : memref<79x128xi32, #tpu.memory_space<vmem>>) target_semaphore(%run_scoped3A : memref<!tpu.dma_semaphore, #tpu.memory_space<semaphore_mem>>)
      %dma_wait3A = arith.constant 0 : i32
      %dma_wait3A_21 = arith.constant 0 : i32
      %dma_wait3A_22 = tpu.memref_slice %arg4[%add3A, %dma_wait3A, %dma_wait3A_21] : memref<32x79x128xi32, #tpu.memory_space<hbm>> -> memref<1x79x128xi32, #tpu.memory_space<hbm>>
      %dma_wait3A_23 = tpu.memref_squeeze %dma_wait3A_22 : memref<1x79x128xi32, #tpu.memory_space<hbm>> -> memref<79x128xi32, #tpu.memory_space<hbm>>
      %dma_wait3A_24 = arith.constant 0 : i32
      %dma_wait3A_25 = arith.constant 0 : i32
      %dma_wait3A_26 = tpu.memref_slice %arg4[%add3A, %dma_wait3A_24, %dma_wait3A_25] : memref<32x79x128xi32, #tpu.memory_space<hbm>> -> memref<1x79x128xi32, #tpu.memory_space<hbm>>
      %dma_wait3A_27 = tpu.memref_squeeze %dma_wait3A_26 : memref<1x79x128xi32, #tpu.memory_space<hbm>> -> memref<79x128xi32, #tpu.memory_space<hbm>>
      tpu.wait_dma2 semaphore(%run_scoped3A : memref<!tpu.dma_semaphore, #tpu.memory_space<semaphore_mem>>) src(%dma_wait3A_27 : memref<79x128xi32, #tpu.memory_space<hbm>>) dst(%arg8 : memref<79x128xi32, #tpu.memory_space<vmem>>)
      tpu.yield
    }) : () -> ()
    %barrier3A = arith.constant 0 : index
    tpu.barrier barrier_id(%barrier3A)
    %scan3A = arith.constant 0 : i32
    %scan3A_3 = arith.constant 0 : i32
    %scan3A_4 = arith.constant 79 : i32
    %scan3A_5 = arith.addi %scan3A_3, %scan3A_4 : i32
    %scan3A_6 = arith.constant 1 : i32
    scf.for %scan3A_14 = %scan3A_3 to %scan3A_5 step %scan3A_6  : i32 {
      %dma_start3A = arith.constant 0 : i32
      %dma_start3A_15 = tpu.memref_slice %arg7[%scan3A_14, %dma_start3A] : memref<79x128xi32, #tpu.memory_space<vmem>> -> memref<1x128xi32, #tpu.memory_space<vmem>>
      %dma_start3A_16 = tpu.memref_squeeze %dma_start3A_15 : memref<1x128xi32, #tpu.memory_space<vmem>> -> memref<128xi32, #tpu.memory_space<vmem>>
      %dma_start3A_17 = arith.constant 0 : i32
      %dma_start3A_18 = arith.constant 0 : i32
      %dma_start3A_19 = tpu.memref_slice %arg2[%dma_start3A_17, %dma_start3A_18] : memref<10112x128xf32, #tpu.memory_space<hbm>> -> memref<10112x128xf32, #tpu.memory_space<hbm>>
      tpu.enqueue_indirect_dma source(%dma_start3A_19 : memref<10112x128xf32, #tpu.memory_space<hbm>>) target(%arg9 : memref<128x128xf32, #tpu.memory_space<vmem>>) offsets(%dma_start3A_16 : memref<128xi32, #tpu.memory_space<vmem>>) semaphore(%arg11 : memref<!tpu.dma_semaphore, #tpu.memory_space<semaphore_mem>>)
      %dma_wait3A = arith.constant 0 : i32
      %dma_wait3A_20 = tpu.memref_slice %arg7[%scan3A_14, %dma_wait3A] : memref<79x128xi32, #tpu.memory_space<vmem>> -> memref<1x128xi32, #tpu.memory_space<vmem>>
      %dma_wait3A_21 = tpu.memref_squeeze %dma_wait3A_20 : memref<1x128xi32, #tpu.memory_space<vmem>> -> memref<128xi32, #tpu.memory_space<vmem>>
      %dma_wait3A_22 = arith.constant 0 : i32
      %dma_wait3A_23 = arith.constant 0 : i32
      %dma_wait3A_24 = tpu.memref_slice %arg2[%dma_wait3A_22, %dma_wait3A_23] : memref<10112x128xf32, #tpu.memory_space<hbm>> -> memref<10112x128xf32, #tpu.memory_space<hbm>>
      tpu.wait_indirect_dma semaphore(%arg11 : memref<!tpu.dma_semaphore, #tpu.memory_space<semaphore_mem>>) src(%dma_wait3A_24 : memref<10112x128xf32, #tpu.memory_space<hbm>>) dst(%arg9 : memref<128x128xf32, #tpu.memory_space<vmem>>)
      "tpu.region"() ({
        %run_scoped3A = tpu.sem_alloc : memref<!tpu.dma_semaphore, #tpu.memory_space<semaphore_mem>>
        %dma_start3A_25 = arith.constant 0 : i32
        %dma_start3A_26 = tpu.memref_slice %arg8[%scan3A_14, %dma_start3A_25] : memref<79x128xi32, #tpu.memory_space<vmem>> -> memref<1x128xi32, #tpu.memory_space<vmem>>
        %dma_start3A_27 = tpu.memref_squeeze %dma_start3A_26 : memref<1x128xi32, #tpu.memory_space<vmem>> -> memref<128xi32, #tpu.memory_space<vmem>>
        %dma_start3A_28 = arith.constant 0 : i32
        %dma_start3A_29 = arith.constant 0 : i32
        %dma_start3A_30 = tpu.memref_slice %arg10[%dma_start3A_28, %dma_start3A_29] : memref<10000x128xf32, #tpu.memory_space<vmem_shared>> -> memref<10000x128xf32, #tpu.memory_space<vmem_shared>>
        tpu.enqueue_indirect_dma source(%arg9 : memref<128x128xf32, #tpu.memory_space<vmem>>) target(%dma_start3A_30 : memref<10000x128xf32, #tpu.memory_space<vmem_shared>>) offsets(%dma_start3A_27 : memref<128xi32, #tpu.memory_space<vmem>>) semaphore(%run_scoped3A : memref<!tpu.dma_semaphore, #tpu.memory_space<semaphore_mem>>) {add = true}
        %dma_wait3A_31 = arith.constant 0 : i32
        %dma_wait3A_32 = tpu.memref_slice %arg8[%scan3A_14, %dma_wait3A_31] : memref<79x128xi32, #tpu.memory_space<vmem>> -> memref<1x128xi32, #tpu.memory_space<vmem>>
        %dma_wait3A_33 = tpu.memref_squeeze %dma_wait3A_32 : memref<1x128xi32, #tpu.memory_space<vmem>> -> memref<128xi32, #tpu.memory_space<vmem>>
        %dma_wait3A_34 = arith.constant 0 : i32
        %dma_wait3A_35 = arith.constant 0 : i32
        %dma_wait3A_36 = tpu.memref_slice %arg10[%dma_wait3A_34, %dma_wait3A_35] : memref<10000x128xf32, #tpu.memory_space<vmem_shared>> -> memref<10000x128xf32, #tpu.memory_space<vmem_shared>>
        tpu.wait_indirect_dma semaphore(%run_scoped3A : memref<!tpu.dma_semaphore, #tpu.memory_space<semaphore_mem>>) src(%arg9 : memref<128x128xf32, #tpu.memory_space<vmem>>) dst(%dma_wait3A_36 : memref<10000x128xf32, #tpu.memory_space<vmem_shared>>)
        tpu.yield
      }) : () -> ()
    }
    %scan3A_7 = arith.constant 79 : i32
    %barrier3A_8 = arith.constant 0 : index
    tpu.barrier barrier_id(%barrier3A_8)
    %lt3A_9 = arith.constant 10 : i32
    %lt3A_10 = arith.cmpi slt, %arg1, %lt3A_9 : i32
    %convert_element_type3A_11 = arith.extui %lt3A_10 : i1 to i32
    %cond3A_12 = arith.constant 0 : i32
    %cond3A_13 = arith.cmpi ne, %convert_element_type3A_11, %cond3A_12 : i32
    scf.if %cond3A_13 {
      %mul3A_14 = arith.constant 1000 : i32
      %mul3A_15 = arith.muli %arg1, %mul3A_14 : i32
      "tpu.region"() ({
        %run_scoped3A = tpu.sem_alloc : memref<!tpu.dma_semaphore, #tpu.memory_space<semaphore_mem>>
        %dma_start3A = arith.constant 0 : i32
        %dma_start3A_16 = arith.constant 0 : i32
        %dma_start3A_17 = tpu.memref_slice %arg6[%arg0, %dma_start3A, %dma_start3A_16] : memref<2x10112x128xf32, #tpu.memory_space<hbm>> -> memref<1x10112x128xf32, #tpu.memory_space<hbm>>
        %dma_start3A_18 = tpu.memref_squeeze %dma_start3A_17 : memref<1x10112x128xf32, #tpu.memory_space<hbm>> -> memref<10112x128xf32, #tpu.memory_space<hbm>>
        %dma_start3A_19 = arith.constant 0 : i32
        %dma_start3A_20 = tpu.memref_slice %dma_start3A_18[%mul3A_15, %dma_start3A_19] : memref<10112x128xf32, #tpu.memory_space<hbm>> -> memref<1000x128xf32, #tpu.memory_space<hbm>>
        %dma_start3A_21 = arith.constant 0 : i32
        %dma_start3A_22 = tpu.memref_slice %arg10[%mul3A_15, %dma_start3A_21] : memref<10000x128xf32, #tpu.memory_space<vmem_shared>> -> memref<1000x128xf32, #tpu.memory_space<vmem_shared>>
        tpu.enqueue_dma source(%dma_start3A_22 : memref<1000x128xf32, #tpu.memory_space<vmem_shared>>) target(%dma_start3A_20 : memref<1000x128xf32, #tpu.memory_space<hbm>>) target_semaphore(%run_scoped3A : memref<!tpu.dma_semaphore, #tpu.memory_space<semaphore_mem>>)
        %dma_wait3A = arith.constant 0 : i32
        %dma_wait3A_23 = arith.constant 0 : i32
        %dma_wait3A_24 = tpu.memref_slice %arg6[%arg0, %dma_wait3A, %dma_wait3A_23] : memref<2x10112x128xf32, #tpu.memory_space<hbm>> -> memref<1x10112x128xf32, #tpu.memory_space<hbm>>
        %dma_wait3A_25 = tpu.memref_squeeze %dma_wait3A_24 : memref<1x10112x128xf32, #tpu.memory_space<hbm>> -> memref<10112x128xf32, #tpu.memory_space<hbm>>
        %dma_wait3A_26 = arith.constant 0 : i32
        %dma_wait3A_27 = tpu.memref_slice %dma_wait3A_25[%mul3A_15, %dma_wait3A_26] : memref<10112x128xf32, #tpu.memory_space<hbm>> -> memref<1000x128xf32, #tpu.memory_space<hbm>>
        %dma_wait3A_28 = arith.constant 0 : i32
        %dma_wait3A_29 = tpu.memref_slice %arg10[%mul3A_15, %dma_wait3A_28] : memref<10000x128xf32, #tpu.memory_space<vmem_shared>> -> memref<1000x128xf32, #tpu.memory_space<vmem_shared>>
        tpu.wait_dma2 semaphore(%run_scoped3A : memref<!tpu.dma_semaphore, #tpu.memory_space<semaphore_mem>>) src(%dma_wait3A_29 : memref<1000x128xf32, #tpu.memory_space<vmem_shared>>) dst(%dma_wait3A_27 : memref<1000x128xf32, #tpu.memory_space<hbm>>)
        tpu.yield
      }) : () -> ()
    } else {
    }
    return
  }
}

#map = affine_map<(d0, d1) -> (0, 0)>
#map1 = affine_map<(d0, d1) -> (0, 0, 0)>
module attributes {stable_mosaic.version = 14 : i64} {
  func.func @body(%arg0: i32, %arg1: i32, %arg2: memref<10112x128xf32, #tpu.memory_space<hbm>>, %arg3: memref<32x79x128xi32, #tpu.memory_space<hbm>>, %arg4: memref<32x79x128xi32, #tpu.memory_space<hbm>>, %arg5: memref<10000x128xf32, #tpu.memory_space<hbm>>, %arg6: memref<2x10112x128xf32, #tpu.memory_space<hbm>>, %arg7: memref<79x128xi32, #tpu.memory_space<vmem>>, %arg8: memref<79x128xi32, #tpu.memory_space<vmem>>, %arg9: memref<128x128xf32, #tpu.memory_space<vmem>>, %arg10: memref<10000x128xf32, #tpu.memory_space<vmem_shared>>, %arg11: memref<!tpu.dma_semaphore, #tpu.memory_space<semaphore_mem>>) attributes {dimension_semantics = [#tpu.dimension_semantics<core_parallel>, #tpu.dimension_semantics<subcore_parallel>], iteration_bounds = array<i64: 2, 16>, scalar_prefetch = 0 : i64, scratch_operands = 5 : i64, tpu.core_type = #tpu.core_type<sc_vector_subcore>, window_params = [{transform_indices = #map}, {transform_indices = #map1}, {transform_indices = #map1}, {transform_indices = #map}, {transform_indices = #map1}]} {
    %mul3A = arith.constant 2 : i32
    %mul3A_0 = arith.muli %arg1, %mul3A : i32
    %add3A = arith.addi %mul3A_0, %arg0 : i32
    %lt3A = arith.constant 10 : i32
    %lt3A_1 = arith.cmpi slt, %arg1, %lt3A : i32
    %convert_element_type3A = arith.extui %lt3A_1 : i1 to i32
    %cond3A = arith.constant 0 : i32
    %cond3A_2 = arith.cmpi ne, %convert_element_type3A, %cond3A : i32
    scf.if %cond3A_2 {
      %mul3A_14 = arith.constant 1000 : i32
      %mul3A_15 = arith.muli %arg1, %mul3A_14 : i32
      "tpu.region"() ({
        %run_scoped3A = tpu.sem_alloc : memref<!tpu.dma_semaphore, #tpu.memory_space<semaphore_mem>>
        %dma_start3A = arith.constant 0 : i32
        %dma_start3A_16 = tpu.memref_slice %arg10[%mul3A_15, %dma_start3A] : memref<10000x128xf32, #tpu.memory_space<vmem_shared>> -> memref<1000x128xf32, #tpu.memory_space<vmem_shared>>
        %dma_start3A_17 = arith.constant 0 : i32
        %dma_start3A_18 = tpu.memref_slice %arg5[%mul3A_15, %dma_start3A_17] : memref<10000x128xf32, #tpu.memory_space<hbm>> -> memref<1000x128xf32, #tpu.memory_space<hbm>>
        tpu.enqueue_dma source(%dma_start3A_18 : memref<1000x128xf32, #tpu.memory_space<hbm>>) target(%dma_start3A_16 : memref<1000x128xf32, #tpu.memory_space<vmem_shared>>) target_semaphore(%run_scoped3A : memref<!tpu.dma_semaphore, #tpu.memory_space<semaphore_mem>>)
        %dma_wait3A = arith.constant 0 : i32
        %dma_wait3A_19 = tpu.memref_slice %arg10[%mul3A_15, %dma_wait3A] : memref<10000x128xf32, #tpu.memory_space<vmem_shared>> -> memref<1000x128xf32, #tpu.memory_space<vmem_shared>>
        %dma_wait3A_20 = arith.constant 0 : i32
        %dma_wait3A_21 = tpu.memref_slice %arg5[%mul3A_15, %dma_wait3A_20] : memref<10000x128xf32, #tpu.memory_space<hbm>> -> memref<1000x128xf32, #tpu.memory_space<hbm>>
        tpu.wait_dma2 semaphore(%run_scoped3A : memref<!tpu.dma_semaphore, #tpu.memory_space<semaphore_mem>>) src(%dma_wait3A_21 : memref<1000x128xf32, #tpu.memory_space<hbm>>) dst(%dma_wait3A_19 : memref<1000x128xf32, #tpu.memory_space<vmem_shared>>)
        tpu.yield
      }) : () -> ()
    } else {
    }
    "tpu.region"() ({
      %run_scoped3A = tpu.sem_alloc : memref<!tpu.dma_semaphore, #tpu.memory_space<semaphore_mem>>
      %dma_start3A = arith.constant 0 : i32
      %dma_start3A_14 = arith.constant 0 : i32
      %dma_start3A_15 = tpu.memref_slice %arg3[%add3A, %dma_start3A, %dma_start3A_14] : memref<32x79x128xi32, #tpu.memory_space<hbm>> -> memref<1x79x128xi32, #tpu.memory_space<hbm>>
      %dma_start3A_16 = tpu.memref_squeeze %dma_start3A_15 : memref<1x79x128xi32, #tpu.memory_space<hbm>> -> memref<79x128xi32, #tpu.memory_space<hbm>>
      %dma_start3A_17 = arith.constant 0 : i32
      %dma_start3A_18 = arith.constant 0 : i32
      %dma_start3A_19 = tpu.memref_slice %arg3[%add3A, %dma_start3A_17, %dma_start3A_18] : memref<32x79x128xi32, #tpu.memory_space<hbm>> -> memref<1x79x128xi32, #tpu.memory_space<hbm>>
      %dma_start3A_20 = tpu.memref_squeeze %dma_start3A_19 : memref<1x79x128xi32, #tpu.memory_space<hbm>> -> memref<79x128xi32, #tpu.memory_space<hbm>>
      tpu.enqueue_dma source(%dma_start3A_20 : memref<79x128xi32, #tpu.memory_space<hbm>>) target(%arg7 : memref<79x128xi32, #tpu.memory_space<vmem>>) target_semaphore(%run_scoped3A : memref<!tpu.dma_semaphore, #tpu.memory_space<semaphore_mem>>)
      %dma_wait3A = arith.constant 0 : i32
      %dma_wait3A_21 = arith.constant 0 : i32
      %dma_wait3A_22 = tpu.memref_slice %arg3[%add3A, %dma_wait3A, %dma_wait3A_21] : memref<32x79x128xi32, #tpu.memory_space<hbm>> -> memref<1x79x128xi32, #tpu.memory_space<hbm>>
      %dma_wait3A_23 = tpu.memref_squeeze %dma_wait3A_22 : memref<1x79x128xi32, #tpu.memory_space<hbm>> -> memref<79x128xi32, #tpu.memory_space<hbm>>
      %dma_wait3A_24 = arith.constant 0 : i32
      %dma_wait3A_25 = arith.constant 0 : i32
      %dma_wait3A_26 = tpu.memref_slice %arg3[%add3A, %dma_wait3A_24, %dma_wait3A_25] : memref<32x79x128xi32, #tpu.memory_space<hbm>> -> memref<1x79x128xi32, #tpu.memory_space<hbm>>
      %dma_wait3A_27 = tpu.memref_squeeze %dma_wait3A_26 : memref<1x79x128xi32, #tpu.memory_space<hbm>> -> memref<79x128xi32, #tpu.memory_space<hbm>>
      tpu.wait_dma2 semaphore(%run_scoped3A : memref<!tpu.dma_semaphore, #tpu.memory_space<semaphore_mem>>) src(%dma_wait3A_27 : memref<79x128xi32, #tpu.memory_space<hbm>>) dst(%arg7 : memref<79x128xi32, #tpu.memory_space<vmem>>)
      tpu.yield
    }) : () -> ()
    "tpu.region"() ({
      %run_scoped3A = tpu.sem_alloc : memref<!tpu.dma_semaphore, #tpu.memory_space<semaphore_mem>>
      %dma_start3A = arith.constant 0 : i32
      %dma_start3A_14 = arith.constant 0 : i32
      %dma_start3A_15 = tpu.memref_slice %arg4[%add3A, %dma_start3A, %dma_start3A_14] : memref<32x79x128xi32, #tpu.memory_space<hbm>> -> memref<1x79x128xi32, #tpu.memory_space<hbm>>
      %dma_start3A_16 = tpu.memref_squeeze %dma_start3A_15 : memref<1x79x128xi32, #tpu.memory_space<hbm>> -> memref<79x128xi32, #tpu.memory_space<hbm>>
      %dma_start3A_17 = arith.constant 0 : i32
      %dma_start3A_18 = arith.constant 0 : i32
      %dma_start3A_19 = tpu.memref_slice %arg4[%add3A, %dma_start3A_17, %dma_start3A_18] : memref<32x79x128xi32, #tpu.memory_space<hbm>> -> memref<1x79x128xi32, #tpu.memory_space<hbm>>
      %dma_start3A_20 = tpu.memref_squeeze %dma_start3A_19 : memref<1x79x128xi32, #tpu.memory_space<hbm>> -> memref<79x128xi32, #tpu.memory_space<hbm>>
      tpu.enqueue_dma source(%dma_start3A_20 : memref<79x128xi32, #tpu.memory_space<hbm>>) target(%arg8 : memref<79x128xi32, #tpu.memory_space<vmem>>) target_semaphore(%run_scoped3A : memref<!tpu.dma_semaphore, #tpu.memory_space<semaphore_mem>>)
      %dma_wait3A = arith.constant 0 : i32
      %dma_wait3A_21 = arith.constant 0 : i32
      %dma_wait3A_22 = tpu.memref_slice %arg4[%add3A, %dma_wait3A, %dma_wait3A_21] : memref<32x79x128xi32, #tpu.memory_space<hbm>> -> memref<1x79x128xi32, #tpu.memory_space<hbm>>
      %dma_wait3A_23 = tpu.memref_squeeze %dma_wait3A_22 : memref<1x79x128xi32, #tpu.memory_space<hbm>> -> memref<79x128xi32, #tpu.memory_space<hbm>>
      %dma_wait3A_24 = arith.constant 0 : i32
      %dma_wait3A_25 = arith.constant 0 : i32
      %dma_wait3A_26 = tpu.memref_slice %arg4[%add3A, %dma_wait3A_24, %dma_wait3A_25] : memref<32x79x128xi32, #tpu.memory_space<hbm>> -> memref<1x79x128xi32, #tpu.memory_space<hbm>>
      %dma_wait3A_27 = tpu.memref_squeeze %dma_wait3A_26 : memref<1x79x128xi32, #tpu.memory_space<hbm>> -> memref<79x128xi32, #tpu.memory_space<hbm>>
      tpu.wait_dma2 semaphore(%run_scoped3A : memref<!tpu.dma_semaphore, #tpu.memory_space<semaphore_mem>>) src(%dma_wait3A_27 : memref<79x128xi32, #tpu.memory_space<hbm>>) dst(%arg8 : memref<79x128xi32, #tpu.memory_space<vmem>>)
      tpu.yield
    }) : () -> ()
    %barrier3A = arith.constant 0 : index
    tpu.barrier barrier_id(%barrier3A)
    %scan3A = arith.constant 0 : i32
    %scan3A_3 = arith.constant 0 : i32
    %scan3A_4 = arith.constant 79 : i32
    %scan3A_5 = arith.addi %scan3A_3, %scan3A_4 : i32
    %scan3A_6 = arith.constant 1 : i32
    scf.for %scan3A_14 = %scan3A_3 to %scan3A_5 step %scan3A_6  : i32 {
      %dma_start3A = arith.constant 0 : i32
      %dma_start3A_15 = tpu.memref_slice %arg7[%scan3A_14, %dma_start3A] : memref<79x128xi32, #tpu.memory_space<vmem>> -> memref<1x128xi32, #tpu.memory_space<vmem>>
      %dma_start3A_16 = tpu.memref_squeeze %dma_start3A_15 : memref<1x128xi32, #tpu.memory_space<vmem>> -> memref<128xi32, #tpu.memory_space<vmem>>
      %dma_start3A_17 = arith.constant 0 : i32
      %dma_start3A_18 = arith.constant 0 : i32
      %dma_start3A_19 = tpu.memref_slice %arg2[%dma_start3A_17, %dma_start3A_18] : memref<10112x128xf32, #tpu.memory_space<hbm>> -> memref<10112x128xf32, #tpu.memory_space<hbm>>
      tpu.enqueue_indirect_dma source(%dma_start3A_19 : memref<10112x128xf32, #tpu.memory_space<hbm>>) target(%arg9 : memref<128x128xf32, #tpu.memory_space<vmem>>) offsets(%dma_start3A_16 : memref<128xi32, #tpu.memory_space<vmem>>) semaphore(%arg11 : memref<!tpu.dma_semaphore, #tpu.memory_space<semaphore_mem>>)
      %dma_wait3A = arith.constant 0 : i32
      %dma_wait3A_20 = tpu.memref_slice %arg7[%scan3A_14, %dma_wait3A] : memref<79x128xi32, #tpu.memory_space<vmem>> -> memref<1x128xi32, #tpu.memory_space<vmem>>
      %dma_wait3A_21 = tpu.memref_squeeze %dma_wait3A_20 : memref<1x128xi32, #tpu.memory_space<vmem>> -> memref<128xi32, #tpu.memory_space<vmem>>
      %dma_wait3A_22 = arith.constant 0 : i32
      %dma_wait3A_23 = arith.constant 0 : i32
      %dma_wait3A_24 = tpu.memref_slice %arg2[%dma_wait3A_22, %dma_wait3A_23] : memref<10112x128xf32, #tpu.memory_space<hbm>> -> memref<10112x128xf32, #tpu.memory_space<hbm>>
      tpu.wait_indirect_dma semaphore(%arg11 : memref<!tpu.dma_semaphore, #tpu.memory_space<semaphore_mem>>) src(%dma_wait3A_24 : memref<10112x128xf32, #tpu.memory_space<hbm>>) dst(%arg9 : memref<128x128xf32, #tpu.memory_space<vmem>>)
      "tpu.region"() ({
        %run_scoped3A = tpu.sem_alloc : memref<!tpu.dma_semaphore, #tpu.memory_space<semaphore_mem>>
        %dma_start3A_25 = arith.constant 0 : i32
        %dma_start3A_26 = tpu.memref_slice %arg8[%scan3A_14, %dma_start3A_25] : memref<79x128xi32, #tpu.memory_space<vmem>> -> memref<1x128xi32, #tpu.memory_space<vmem>>
        %dma_start3A_27 = tpu.memref_squeeze %dma_start3A_26 : memref<1x128xi32, #tpu.memory_space<vmem>> -> memref<128xi32, #tpu.memory_space<vmem>>
        %dma_start3A_28 = arith.constant 0 : i32
        %dma_start3A_29 = arith.constant 0 : i32
        %dma_start3A_30 = tpu.memref_slice %arg10[%dma_start3A_28, %dma_start3A_29] : memref<10000x128xf32, #tpu.memory_space<vmem_shared>> -> memref<10000x128xf32, #tpu.memory_space<vmem_shared>>
        tpu.enqueue_indirect_dma source(%arg9 : memref<128x128xf32, #tpu.memory_space<vmem>>) target(%dma_start3A_30 : memref<10000x128xf32, #tpu.memory_space<vmem_shared>>) offsets(%dma_start3A_27 : memref<128xi32, #tpu.memory_space<vmem>>) semaphore(%run_scoped3A : memref<!tpu.dma_semaphore, #tpu.memory_space<semaphore_mem>>) {add = true}
        %dma_wait3A_31 = arith.constant 0 : i32
        %dma_wait3A_32 = tpu.memref_slice %arg8[%scan3A_14, %dma_wait3A_31] : memref<79x128xi32, #tpu.memory_space<vmem>> -> memref<1x128xi32, #tpu.memory_space<vmem>>
        %dma_wait3A_33 = tpu.memref_squeeze %dma_wait3A_32 : memref<1x128xi32, #tpu.memory_space<vmem>> -> memref<128xi32, #tpu.memory_space<vmem>>
        %dma_wait3A_34 = arith.constant 0 : i32
        %dma_wait3A_35 = arith.constant 0 : i32
        %dma_wait3A_36 = tpu.memref_slice %arg10[%dma_wait3A_34, %dma_wait3A_35] : memref<10000x128xf32, #tpu.memory_space<vmem_shared>> -> memref<10000x128xf32, #tpu.memory_space<vmem_shared>>
        tpu.wait_indirect_dma semaphore(%run_scoped3A : memref<!tpu.dma_semaphore, #tpu.memory_space<semaphore_mem>>) src(%arg9 : memref<128x128xf32, #tpu.memory_space<vmem>>) dst(%dma_wait3A_36 : memref<10000x128xf32, #tpu.memory_space<vmem_shared>>)
        tpu.yield
      }) : () -> ()
    }
    %scan3A_7 = arith.constant 79 : i32
    %barrier3A_8 = arith.constant 0 : index
    tpu.barrier barrier_id(%barrier3A_8)
    %lt3A_9 = arith.constant 10 : i32
    %lt3A_10 = arith.cmpi slt, %arg1, %lt3A_9 : i32
    %convert_element_type3A_11 = arith.extui %lt3A_10 : i1 to i32
    %cond3A_12 = arith.constant 0 : i32
    %cond3A_13 = arith.cmpi ne, %convert_element_type3A_11, %cond3A_12 : i32
    scf.if %cond3A_13 {
      %mul3A_14 = arith.constant 1000 : i32
      %mul3A_15 = arith.muli %arg1, %mul3A_14 : i32
      "tpu.region"() ({
        %run_scoped3A = tpu.sem_alloc : memref<!tpu.dma_semaphore, #tpu.memory_space<semaphore_mem>>
        %dma_start3A = arith.constant 0 : i32
        %dma_start3A_16 = arith.constant 0 : i32
        %dma_start3A_17 = tpu.memref_slice %arg6[%arg0, %dma_start3A, %dma_start3A_16] : memref<2x10112x128xf32, #tpu.memory_space<hbm>> -> memref<1x10112x128xf32, #tpu.memory_space<hbm>>
        %dma_start3A_18 = tpu.memref_squeeze %dma_start3A_17 : memref<1x10112x128xf32, #tpu.memory_space<hbm>> -> memref<10112x128xf32, #tpu.memory_space<hbm>>
        %dma_start3A_19 = arith.constant 0 : i32
        %dma_start3A_20 = tpu.memref_slice %dma_start3A_18[%mul3A_15, %dma_start3A_19] : memref<10112x128xf32, #tpu.memory_space<hbm>> -> memref<1000x128xf32, #tpu.memory_space<hbm>>
        %dma_start3A_21 = arith.constant 0 : i32
        %dma_start3A_22 = tpu.memref_slice %arg10[%mul3A_15, %dma_start3A_21] : memref<10000x128xf32, #tpu.memory_space<vmem_shared>> -> memref<1000x128xf32, #tpu.memory_space<vmem_shared>>
        tpu.enqueue_dma source(%dma_start3A_22 : memref<1000x128xf32, #tpu.memory_space<vmem_shared>>) target(%dma_start3A_20 : memref<1000x128xf32, #tpu.memory_space<hbm>>) target_semaphore(%run_scoped3A : memref<!tpu.dma_semaphore, #tpu.memory_space<semaphore_mem>>)
        %dma_wait3A = arith.constant 0 : i32
        %dma_wait3A_23 = arith.constant 0 : i32
        %dma_wait3A_24 = tpu.memref_slice %arg6[%arg0, %dma_wait3A, %dma_wait3A_23] : memref<2x10112x128xf32, #tpu.memory_space<hbm>> -> memref<1x10112x128xf32, #tpu.memory_space<hbm>>
        %dma_wait3A_25 = tpu.memref_squeeze %dma_wait3A_24 : memref<1x10112x128xf32, #tpu.memory_space<hbm>> -> memref<10112x128xf32, #tpu.memory_space<hbm>>
        %dma_wait3A_26 = arith.constant 0 : i32
        %dma_wait3A_27 = tpu.memref_slice %dma_wait3A_25[%mul3A_15, %dma_wait3A_26] : memref<10112x128xf32, #tpu.memory_space<hbm>> -> memref<1000x128xf32, #tpu.memory_space<hbm>>
        %dma_wait3A_28 = arith.constant 0 : i32
        %dma_wait3A_29 = tpu.memref_slice %arg10[%mul3A_15, %dma_wait3A_28] : memref<10000x128xf32, #tpu.memory_space<vmem_shared>> -> memref<1000x128xf32, #tpu.memory_space<vmem_shared>>
        tpu.wait_dma2 semaphore(%run_scoped3A : memref<!tpu.dma_semaphore, #tpu.memory_space<semaphore_mem>>) src(%dma_wait3A_29 : memref<1000x128xf32, #tpu.memory_space<vmem_shared>>) dst(%dma_wait3A_27 : memref<1000x128xf32, #tpu.memory_space<hbm>>)
        tpu.yield
      }) : () -> ()
    } else {
    }
    return
  }
}

#map = affine_map<(d0, d1) -> (0, 0)>
#map1 = affine_map<(d0, d1) -> (0, 0, 0)>
module attributes {stable_mosaic.version = 14 : i64} {
  func.func @body(%arg0: i32, %arg1: i32, %arg2: memref<10112x128xf32, #tpu.memory_space<hbm>>, %arg3: memref<32x79x128xi32, #tpu.memory_space<hbm>>, %arg4: memref<32x79x128xi32, #tpu.memory_space<hbm>>, %arg5: memref<10000x128xf32, #tpu.memory_space<hbm>>, %arg6: memref<2x10112x128xf32, #tpu.memory_space<hbm>>, %arg7: memref<79x128xi32, #tpu.memory_space<vmem>>, %arg8: memref<79x128xi32, #tpu.memory_space<vmem>>, %arg9: memref<128x128xf32, #tpu.memory_space<vmem>>, %arg10: memref<10000x128xf32, #tpu.memory_space<vmem_shared>>, %arg11: memref<!tpu.dma_semaphore, #tpu.memory_space<semaphore_mem>>) attributes {dimension_semantics = [#tpu.dimension_semantics<core_parallel>, #tpu.dimension_semantics<subcore_parallel>], iteration_bounds = array<i64: 2, 16>, scalar_prefetch = 0 : i64, scratch_operands = 5 : i64, tpu.core_type = #tpu.core_type<sc_vector_subcore>, window_params = [{transform_indices = #map}, {transform_indices = #map1}, {transform_indices = #map1}, {transform_indices = #map}, {transform_indices = #map1}]} {
    %mul3A = arith.constant 2 : i32
    %mul3A_0 = arith.muli %arg1, %mul3A : i32
    %add3A = arith.addi %mul3A_0, %arg0 : i32
    %lt3A = arith.constant 10 : i32
    %lt3A_1 = arith.cmpi slt, %arg1, %lt3A : i32
    %convert_element_type3A = arith.extui %lt3A_1 : i1 to i32
    %cond3A = arith.constant 0 : i32
    %cond3A_2 = arith.cmpi ne, %convert_element_type3A, %cond3A : i32
    scf.if %cond3A_2 {
      %mul3A_14 = arith.constant 1000 : i32
      %mul3A_15 = arith.muli %arg1, %mul3A_14 : i32
      "tpu.region"() ({
        %run_scoped3A = tpu.sem_alloc : memref<!tpu.dma_semaphore, #tpu.memory_space<semaphore_mem>>
        %dma_start3A = arith.constant 0 : i32
        %dma_start3A_16 = tpu.memref_slice %arg10[%mul3A_15, %dma_start3A] : memref<10000x128xf32, #tpu.memory_space<vmem_shared>> -> memref<1000x128xf32, #tpu.memory_space<vmem_shared>>
        %dma_start3A_17 = arith.constant 0 : i32
        %dma_start3A_18 = tpu.memref_slice %arg5[%mul3A_15, %dma_start3A_17] : memref<10000x128xf32, #tpu.memory_space<hbm>> -> memref<1000x128xf32, #tpu.memory_space<hbm>>
        tpu.enqueue_dma source(%dma_start3A_18 : memref<1000x128xf32, #tpu.memory_space<hbm>>) target(%dma_start3A_16 : memref<1000x128xf32, #tpu.memory_space<vmem_shared>>) target_semaphore(%run_scoped3A : memref<!tpu.dma_semaphore, #tpu.memory_space<semaphore_mem>>)
        %dma_wait3A = arith.constant 0 : i32
        %dma_wait3A_19 = tpu.memref_slice %arg10[%mul3A_15, %dma_wait3A] : memref<10000x128xf32, #tpu.memory_space<vmem_shared>> -> memref<1000x128xf32, #tpu.memory_space<vmem_shared>>
        %dma_wait3A_20 = arith.constant 0 : i32
        %dma_wait3A_21 = tpu.memref_slice %arg5[%mul3A_15, %dma_wait3A_20] : memref<10000x128xf32, #tpu.memory_space<hbm>> -> memref<1000x128xf32, #tpu.memory_space<hbm>>
        tpu.wait_dma2 semaphore(%run_scoped3A : memref<!tpu.dma_semaphore, #tpu.memory_space<semaphore_mem>>) src(%dma_wait3A_21 : memref<1000x128xf32, #tpu.memory_space<hbm>>) dst(%dma_wait3A_19 : memref<1000x128xf32, #tpu.memory_space<vmem_shared>>)
        tpu.yield
      }) : () -> ()
    } else {
    }
    "tpu.region"() ({
      %run_scoped3A = tpu.sem_alloc : memref<!tpu.dma_semaphore, #tpu.memory_space<semaphore_mem>>
      %dma_start3A = arith.constant 0 : i32
      %dma_start3A_14 = arith.constant 0 : i32
      %dma_start3A_15 = tpu.memref_slice %arg3[%add3A, %dma_start3A, %dma_start3A_14] : memref<32x79x128xi32, #tpu.memory_space<hbm>> -> memref<1x79x128xi32, #tpu.memory_space<hbm>>
      %dma_start3A_16 = tpu.memref_squeeze %dma_start3A_15 : memref<1x79x128xi32, #tpu.memory_space<hbm>> -> memref<79x128xi32, #tpu.memory_space<hbm>>
      %dma_start3A_17 = arith.constant 0 : i32
      %dma_start3A_18 = arith.constant 0 : i32
      %dma_start3A_19 = tpu.memref_slice %arg3[%add3A, %dma_start3A_17, %dma_start3A_18] : memref<32x79x128xi32, #tpu.memory_space<hbm>> -> memref<1x79x128xi32, #tpu.memory_space<hbm>>
      %dma_start3A_20 = tpu.memref_squeeze %dma_start3A_19 : memref<1x79x128xi32, #tpu.memory_space<hbm>> -> memref<79x128xi32, #tpu.memory_space<hbm>>
      tpu.enqueue_dma source(%dma_start3A_20 : memref<79x128xi32, #tpu.memory_space<hbm>>) target(%arg7 : memref<79x128xi32, #tpu.memory_space<vmem>>) target_semaphore(%run_scoped3A : memref<!tpu.dma_semaphore, #tpu.memory_space<semaphore_mem>>)
      %dma_wait3A = arith.constant 0 : i32
      %dma_wait3A_21 = arith.constant 0 : i32
      %dma_wait3A_22 = tpu.memref_slice %arg3[%add3A, %dma_wait3A, %dma_wait3A_21] : memref<32x79x128xi32, #tpu.memory_space<hbm>> -> memref<1x79x128xi32, #tpu.memory_space<hbm>>
      %dma_wait3A_23 = tpu.memref_squeeze %dma_wait3A_22 : memref<1x79x128xi32, #tpu.memory_space<hbm>> -> memref<79x128xi32, #tpu.memory_space<hbm>>
      %dma_wait3A_24 = arith.constant 0 : i32
      %dma_wait3A_25 = arith.constant 0 : i32
      %dma_wait3A_26 = tpu.memref_slice %arg3[%add3A, %dma_wait3A_24, %dma_wait3A_25] : memref<32x79x128xi32, #tpu.memory_space<hbm>> -> memref<1x79x128xi32, #tpu.memory_space<hbm>>
      %dma_wait3A_27 = tpu.memref_squeeze %dma_wait3A_26 : memref<1x79x128xi32, #tpu.memory_space<hbm>> -> memref<79x128xi32, #tpu.memory_space<hbm>>
      tpu.wait_dma2 semaphore(%run_scoped3A : memref<!tpu.dma_semaphore, #tpu.memory_space<semaphore_mem>>) src(%dma_wait3A_27 : memref<79x128xi32, #tpu.memory_space<hbm>>) dst(%arg7 : memref<79x128xi32, #tpu.memory_space<vmem>>)
      tpu.yield
    }) : () -> ()
    "tpu.region"() ({
      %run_scoped3A = tpu.sem_alloc : memref<!tpu.dma_semaphore, #tpu.memory_space<semaphore_mem>>
      %dma_start3A = arith.constant 0 : i32
      %dma_start3A_14 = arith.constant 0 : i32
      %dma_start3A_15 = tpu.memref_slice %arg4[%add3A, %dma_start3A, %dma_start3A_14] : memref<32x79x128xi32, #tpu.memory_space<hbm>> -> memref<1x79x128xi32, #tpu.memory_space<hbm>>
      %dma_start3A_16 = tpu.memref_squeeze %dma_start3A_15 : memref<1x79x128xi32, #tpu.memory_space<hbm>> -> memref<79x128xi32, #tpu.memory_space<hbm>>
      %dma_start3A_17 = arith.constant 0 : i32
      %dma_start3A_18 = arith.constant 0 : i32
      %dma_start3A_19 = tpu.memref_slice %arg4[%add3A, %dma_start3A_17, %dma_start3A_18] : memref<32x79x128xi32, #tpu.memory_space<hbm>> -> memref<1x79x128xi32, #tpu.memory_space<hbm>>
      %dma_start3A_20 = tpu.memref_squeeze %dma_start3A_19 : memref<1x79x128xi32, #tpu.memory_space<hbm>> -> memref<79x128xi32, #tpu.memory_space<hbm>>
      tpu.enqueue_dma source(%dma_start3A_20 : memref<79x128xi32, #tpu.memory_space<hbm>>) target(%arg8 : memref<79x128xi32, #tpu.memory_space<vmem>>) target_semaphore(%run_scoped3A : memref<!tpu.dma_semaphore, #tpu.memory_space<semaphore_mem>>)
      %dma_wait3A = arith.constant 0 : i32
      %dma_wait3A_21 = arith.constant 0 : i32
      %dma_wait3A_22 = tpu.memref_slice %arg4[%add3A, %dma_wait3A, %dma_wait3A_21] : memref<32x79x128xi32, #tpu.memory_space<hbm>> -> memref<1x79x128xi32, #tpu.memory_space<hbm>>
      %dma_wait3A_23 = tpu.memref_squeeze %dma_wait3A_22 : memref<1x79x128xi32, #tpu.memory_space<hbm>> -> memref<79x128xi32, #tpu.memory_space<hbm>>
      %dma_wait3A_24 = arith.constant 0 : i32
      %dma_wait3A_25 = arith.constant 0 : i32
      %dma_wait3A_26 = tpu.memref_slice %arg4[%add3A, %dma_wait3A_24, %dma_wait3A_25] : memref<32x79x128xi32, #tpu.memory_space<hbm>> -> memref<1x79x128xi32, #tpu.memory_space<hbm>>
      %dma_wait3A_27 = tpu.memref_squeeze %dma_wait3A_26 : memref<1x79x128xi32, #tpu.memory_space<hbm>> -> memref<79x128xi32, #tpu.memory_space<hbm>>
      tpu.wait_dma2 semaphore(%run_scoped3A : memref<!tpu.dma_semaphore, #tpu.memory_space<semaphore_mem>>) src(%dma_wait3A_27 : memref<79x128xi32, #tpu.memory_space<hbm>>) dst(%arg8 : memref<79x128xi32, #tpu.memory_space<vmem>>)
      tpu.yield
    }) : () -> ()
    %barrier3A = arith.constant 0 : index
    tpu.barrier barrier_id(%barrier3A)
    %scan3A = arith.constant 0 : i32
    %scan3A_3 = arith.constant 0 : i32
    %scan3A_4 = arith.constant 79 : i32
    %scan3A_5 = arith.addi %scan3A_3, %scan3A_4 : i32
    %scan3A_6 = arith.constant 1 : i32
    scf.for %scan3A_14 = %scan3A_3 to %scan3A_5 step %scan3A_6  : i32 {
      %dma_start3A = arith.constant 0 : i32
      %dma_start3A_15 = tpu.memref_slice %arg7[%scan3A_14, %dma_start3A] : memref<79x128xi32, #tpu.memory_space<vmem>> -> memref<1x128xi32, #tpu.memory_space<vmem>>
      %dma_start3A_16 = tpu.memref_squeeze %dma_start3A_15 : memref<1x128xi32, #tpu.memory_space<vmem>> -> memref<128xi32, #tpu.memory_space<vmem>>
      %dma_start3A_17 = arith.constant 0 : i32
      %dma_start3A_18 = arith.constant 0 : i32
      %dma_start3A_19 = tpu.memref_slice %arg2[%dma_start3A_17, %dma_start3A_18] : memref<10112x128xf32, #tpu.memory_space<hbm>> -> memref<10112x128xf32, #tpu.memory_space<hbm>>
      tpu.enqueue_indirect_dma source(%dma_start3A_19 : memref<10112x128xf32, #tpu.memory_space<hbm>>) target(%arg9 : memref<128x128xf32, #tpu.memory_space<vmem>>) offsets(%dma_start3A_16 : memref<128xi32, #tpu.memory_space<vmem>>) semaphore(%arg11 : memref<!tpu.dma_semaphore, #tpu.memory_space<semaphore_mem>>)
      %dma_wait3A = arith.constant 0 : i32
      %dma_wait3A_20 = tpu.memref_slice %arg7[%scan3A_14, %dma_wait3A] : memref<79x128xi32, #tpu.memory_space<vmem>> -> memref<1x128xi32, #tpu.memory_space<vmem>>
      %dma_wait3A_21 = tpu.memref_squeeze %dma_wait3A_20 : memref<1x128xi32, #tpu.memory_space<vmem>> -> memref<128xi32, #tpu.memory_space<vmem>>
      %dma_wait3A_22 = arith.constant 0 : i32
      %dma_wait3A_23 = arith.constant 0 : i32
      %dma_wait3A_24 = tpu.memref_slice %arg2[%dma_wait3A_22, %dma_wait3A_23] : memref<10112x128xf32, #tpu.memory_space<hbm>> -> memref<10112x128xf32, #tpu.memory_space<hbm>>
      tpu.wait_indirect_dma semaphore(%arg11 : memref<!tpu.dma_semaphore, #tpu.memory_space<semaphore_mem>>) src(%dma_wait3A_24 : memref<10112x128xf32, #tpu.memory_space<hbm>>) dst(%arg9 : memref<128x128xf32, #tpu.memory_space<vmem>>)
      "tpu.region"() ({
        %run_scoped3A = tpu.sem_alloc : memref<!tpu.dma_semaphore, #tpu.memory_space<semaphore_mem>>
        %dma_start3A_25 = arith.constant 0 : i32
        %dma_start3A_26 = tpu.memref_slice %arg8[%scan3A_14, %dma_start3A_25] : memref<79x128xi32, #tpu.memory_space<vmem>> -> memref<1x128xi32, #tpu.memory_space<vmem>>
        %dma_start3A_27 = tpu.memref_squeeze %dma_start3A_26 : memref<1x128xi32, #tpu.memory_space<vmem>> -> memref<128xi32, #tpu.memory_space<vmem>>
        %dma_start3A_28 = arith.constant 0 : i32
        %dma_start3A_29 = arith.constant 0 : i32
        %dma_start3A_30 = tpu.memref_slice %arg10[%dma_start3A_28, %dma_start3A_29] : memref<10000x128xf32, #tpu.memory_space<vmem_shared>> -> memref<10000x128xf32, #tpu.memory_space<vmem_shared>>
        tpu.enqueue_indirect_dma source(%arg9 : memref<128x128xf32, #tpu.memory_space<vmem>>) target(%dma_start3A_30 : memref<10000x128xf32, #tpu.memory_space<vmem_shared>>) offsets(%dma_start3A_27 : memref<128xi32, #tpu.memory_space<vmem>>) semaphore(%run_scoped3A : memref<!tpu.dma_semaphore, #tpu.memory_space<semaphore_mem>>) {add = true}
        %dma_wait3A_31 = arith.constant 0 : i32
        %dma_wait3A_32 = tpu.memref_slice %arg8[%scan3A_14, %dma_wait3A_31] : memref<79x128xi32, #tpu.memory_space<vmem>> -> memref<1x128xi32, #tpu.memory_space<vmem>>
        %dma_wait3A_33 = tpu.memref_squeeze %dma_wait3A_32 : memref<1x128xi32, #tpu.memory_space<vmem>> -> memref<128xi32, #tpu.memory_space<vmem>>
        %dma_wait3A_34 = arith.constant 0 : i32
        %dma_wait3A_35 = arith.constant 0 : i32
        %dma_wait3A_36 = tpu.memref_slice %arg10[%dma_wait3A_34, %dma_wait3A_35] : memref<10000x128xf32, #tpu.memory_space<vmem_shared>> -> memref<10000x128xf32, #tpu.memory_space<vmem_shared>>
        tpu.wait_indirect_dma semaphore(%run_scoped3A : memref<!tpu.dma_semaphore, #tpu.memory_space<semaphore_mem>>) src(%arg9 : memref<128x128xf32, #tpu.memory_space<vmem>>) dst(%dma_wait3A_36 : memref<10000x128xf32, #tpu.memory_space<vmem_shared>>)
        tpu.yield
      }) : () -> ()
    }
    %scan3A_7 = arith.constant 79 : i32
    %barrier3A_8 = arith.constant 0 : index
    tpu.barrier barrier_id(%barrier3A_8)
    %lt3A_9 = arith.constant 10 : i32
    %lt3A_10 = arith.cmpi slt, %arg1, %lt3A_9 : i32
    %convert_element_type3A_11 = arith.extui %lt3A_10 : i1 to i32
    %cond3A_12 = arith.constant 0 : i32
    %cond3A_13 = arith.cmpi ne, %convert_element_type3A_11, %cond3A_12 : i32
    scf.if %cond3A_13 {
      %mul3A_14 = arith.constant 1000 : i32
      %mul3A_15 = arith.muli %arg1, %mul3A_14 : i32
      "tpu.region"() ({
        %run_scoped3A = tpu.sem_alloc : memref<!tpu.dma_semaphore, #tpu.memory_space<semaphore_mem>>
        %dma_start3A = arith.constant 0 : i32
        %dma_start3A_16 = arith.constant 0 : i32
        %dma_start3A_17 = tpu.memref_slice %arg6[%arg0, %dma_start3A, %dma_start3A_16] : memref<2x10112x128xf32, #tpu.memory_space<hbm>> -> memref<1x10112x128xf32, #tpu.memory_space<hbm>>
        %dma_start3A_18 = tpu.memref_squeeze %dma_start3A_17 : memref<1x10112x128xf32, #tpu.memory_space<hbm>> -> memref<10112x128xf32, #tpu.memory_space<hbm>>
        %dma_start3A_19 = arith.constant 0 : i32
        %dma_start3A_20 = tpu.memref_slice %dma_start3A_18[%mul3A_15, %dma_start3A_19] : memref<10112x128xf32, #tpu.memory_space<hbm>> -> memref<1000x128xf32, #tpu.memory_space<hbm>>
        %dma_start3A_21 = arith.constant 0 : i32
        %dma_start3A_22 = tpu.memref_slice %arg10[%mul3A_15, %dma_start3A_21] : memref<10000x128xf32, #tpu.memory_space<vmem_shared>> -> memref<1000x128xf32, #tpu.memory_space<vmem_shared>>
        tpu.enqueue_dma source(%dma_start3A_22 : memref<1000x128xf32, #tpu.memory_space<vmem_shared>>) target(%dma_start3A_20 : memref<1000x128xf32, #tpu.memory_space<hbm>>) target_semaphore(%run_scoped3A : memref<!tpu.dma_semaphore, #tpu.memory_space<semaphore_mem>>)
        %dma_wait3A = arith.constant 0 : i32
        %dma_wait3A_23 = arith.constant 0 : i32
        %dma_wait3A_24 = tpu.memref_slice %arg6[%arg0, %dma_wait3A, %dma_wait3A_23] : memref<2x10112x128xf32, #tpu.memory_space<hbm>> -> memref<1x10112x128xf32, #tpu.memory_space<hbm>>
        %dma_wait3A_25 = tpu.memref_squeeze %dma_wait3A_24 : memref<1x10112x128xf32, #tpu.memory_space<hbm>> -> memref<10112x128xf32, #tpu.memory_space<hbm>>
        %dma_wait3A_26 = arith.constant 0 : i32
        %dma_wait3A_27 = tpu.memref_slice %dma_wait3A_25[%mul3A_15, %dma_wait3A_26] : memref<10112x128xf32, #tpu.memory_space<hbm>> -> memref<1000x128xf32, #tpu.memory_space<hbm>>
        %dma_wait3A_28 = arith.constant 0 : i32
        %dma_wait3A_29 = tpu.memref_slice %arg10[%mul3A_15, %dma_wait3A_28] : memref<10000x128xf32, #tpu.memory_space<vmem_shared>> -> memref<1000x128xf32, #tpu.memory_space<vmem_shared>>
        tpu.wait_dma2 semaphore(%run_scoped3A : memref<!tpu.dma_semaphore, #tpu.memory_space<semaphore_mem>>) src(%dma_wait3A_29 : memref<1000x128xf32, #tpu.memory_space<vmem_shared>>) dst(%dma_wait3A_27 : memref<1000x128xf32, #tpu.memory_space<hbm>>)
        tpu.yield
      }) : () -> ()
    } else {
    }
    return
  }
}

#map = affine_map<(d0, d1) -> (0, 0)>
#map1 = affine_map<(d0, d1) -> (0, 0, 0)>
module attributes {stable_mosaic.version = 14 : i64} {
  func.func @body(%arg0: i32, %arg1: i32, %arg2: memref<10112x128xf32, #tpu.memory_space<hbm>>, %arg3: memref<32x79x128xi32, #tpu.memory_space<hbm>>, %arg4: memref<32x79x128xi32, #tpu.memory_space<hbm>>, %arg5: memref<10000x128xf32, #tpu.memory_space<hbm>>, %arg6: memref<2x10112x128xf32, #tpu.memory_space<hbm>>, %arg7: memref<79x128xi32, #tpu.memory_space<vmem>>, %arg8: memref<79x128xi32, #tpu.memory_space<vmem>>, %arg9: memref<128x128xf32, #tpu.memory_space<vmem>>, %arg10: memref<10000x128xf32, #tpu.memory_space<vmem_shared>>, %arg11: memref<!tpu.dma_semaphore, #tpu.memory_space<semaphore_mem>>) attributes {dimension_semantics = [#tpu.dimension_semantics<core_parallel>, #tpu.dimension_semantics<subcore_parallel>], iteration_bounds = array<i64: 2, 16>, scalar_prefetch = 0 : i64, scratch_operands = 5 : i64, tpu.core_type = #tpu.core_type<sc_vector_subcore>, window_params = [{transform_indices = #map}, {transform_indices = #map1}, {transform_indices = #map1}, {transform_indices = #map}, {transform_indices = #map1}]} {
    %mul3A = arith.constant 2 : i32
    %mul3A_0 = arith.muli %arg1, %mul3A : i32
    %add3A = arith.addi %mul3A_0, %arg0 : i32
    %lt3A = arith.constant 10 : i32
    %lt3A_1 = arith.cmpi slt, %arg1, %lt3A : i32
    %convert_element_type3A = arith.extui %lt3A_1 : i1 to i32
    %cond3A = arith.constant 0 : i32
    %cond3A_2 = arith.cmpi ne, %convert_element_type3A, %cond3A : i32
    scf.if %cond3A_2 {
      %mul3A_14 = arith.constant 1000 : i32
      %mul3A_15 = arith.muli %arg1, %mul3A_14 : i32
      "tpu.region"() ({
        %run_scoped3A = tpu.sem_alloc : memref<!tpu.dma_semaphore, #tpu.memory_space<semaphore_mem>>
        %dma_start3A = arith.constant 0 : i32
        %dma_start3A_16 = tpu.memref_slice %arg10[%mul3A_15, %dma_start3A] : memref<10000x128xf32, #tpu.memory_space<vmem_shared>> -> memref<1000x128xf32, #tpu.memory_space<vmem_shared>>
        %dma_start3A_17 = arith.constant 0 : i32
        %dma_start3A_18 = tpu.memref_slice %arg5[%mul3A_15, %dma_start3A_17] : memref<10000x128xf32, #tpu.memory_space<hbm>> -> memref<1000x128xf32, #tpu.memory_space<hbm>>
        tpu.enqueue_dma source(%dma_start3A_18 : memref<1000x128xf32, #tpu.memory_space<hbm>>) target(%dma_start3A_16 : memref<1000x128xf32, #tpu.memory_space<vmem_shared>>) target_semaphore(%run_scoped3A : memref<!tpu.dma_semaphore, #tpu.memory_space<semaphore_mem>>)
        %dma_wait3A = arith.constant 0 : i32
        %dma_wait3A_19 = tpu.memref_slice %arg10[%mul3A_15, %dma_wait3A] : memref<10000x128xf32, #tpu.memory_space<vmem_shared>> -> memref<1000x128xf32, #tpu.memory_space<vmem_shared>>
        %dma_wait3A_20 = arith.constant 0 : i32
        %dma_wait3A_21 = tpu.memref_slice %arg5[%mul3A_15, %dma_wait3A_20] : memref<10000x128xf32, #tpu.memory_space<hbm>> -> memref<1000x128xf32, #tpu.memory_space<hbm>>
        tpu.wait_dma2 semaphore(%run_scoped3A : memref<!tpu.dma_semaphore, #tpu.memory_space<semaphore_mem>>) src(%dma_wait3A_21 : memref<1000x128xf32, #tpu.memory_space<hbm>>) dst(%dma_wait3A_19 : memref<1000x128xf32, #tpu.memory_space<vmem_shared>>)
        tpu.yield
      }) : () -> ()
    } else {
    }
    "tpu.region"() ({
      %run_scoped3A = tpu.sem_alloc : memref<!tpu.dma_semaphore, #tpu.memory_space<semaphore_mem>>
      %dma_start3A = arith.constant 0 : i32
      %dma_start3A_14 = arith.constant 0 : i32
      %dma_start3A_15 = tpu.memref_slice %arg3[%add3A, %dma_start3A, %dma_start3A_14] : memref<32x79x128xi32, #tpu.memory_space<hbm>> -> memref<1x79x128xi32, #tpu.memory_space<hbm>>
      %dma_start3A_16 = tpu.memref_squeeze %dma_start3A_15 : memref<1x79x128xi32, #tpu.memory_space<hbm>> -> memref<79x128xi32, #tpu.memory_space<hbm>>
      %dma_start3A_17 = arith.constant 0 : i32
      %dma_start3A_18 = arith.constant 0 : i32
      %dma_start3A_19 = tpu.memref_slice %arg3[%add3A, %dma_start3A_17, %dma_start3A_18] : memref<32x79x128xi32, #tpu.memory_space<hbm>> -> memref<1x79x128xi32, #tpu.memory_space<hbm>>
      %dma_start3A_20 = tpu.memref_squeeze %dma_start3A_19 : memref<1x79x128xi32, #tpu.memory_space<hbm>> -> memref<79x128xi32, #tpu.memory_space<hbm>>
      tpu.enqueue_dma source(%dma_start3A_20 : memref<79x128xi32, #tpu.memory_space<hbm>>) target(%arg7 : memref<79x128xi32, #tpu.memory_space<vmem>>) target_semaphore(%run_scoped3A : memref<!tpu.dma_semaphore, #tpu.memory_space<semaphore_mem>>)
      %dma_wait3A = arith.constant 0 : i32
      %dma_wait3A_21 = arith.constant 0 : i32
      %dma_wait3A_22 = tpu.memref_slice %arg3[%add3A, %dma_wait3A, %dma_wait3A_21] : memref<32x79x128xi32, #tpu.memory_space<hbm>> -> memref<1x79x128xi32, #tpu.memory_space<hbm>>
      %dma_wait3A_23 = tpu.memref_squeeze %dma_wait3A_22 : memref<1x79x128xi32, #tpu.memory_space<hbm>> -> memref<79x128xi32, #tpu.memory_space<hbm>>
      %dma_wait3A_24 = arith.constant 0 : i32
      %dma_wait3A_25 = arith.constant 0 : i32
      %dma_wait3A_26 = tpu.memref_slice %arg3[%add3A, %dma_wait3A_24, %dma_wait3A_25] : memref<32x79x128xi32, #tpu.memory_space<hbm>> -> memref<1x79x128xi32, #tpu.memory_space<hbm>>
      %dma_wait3A_27 = tpu.memref_squeeze %dma_wait3A_26 : memref<1x79x128xi32, #tpu.memory_space<hbm>> -> memref<79x128xi32, #tpu.memory_space<hbm>>
      tpu.wait_dma2 semaphore(%run_scoped3A : memref<!tpu.dma_semaphore, #tpu.memory_space<semaphore_mem>>) src(%dma_wait3A_27 : memref<79x128xi32, #tpu.memory_space<hbm>>) dst(%arg7 : memref<79x128xi32, #tpu.memory_space<vmem>>)
      tpu.yield
    }) : () -> ()
    "tpu.region"() ({
      %run_scoped3A = tpu.sem_alloc : memref<!tpu.dma_semaphore, #tpu.memory_space<semaphore_mem>>
      %dma_start3A = arith.constant 0 : i32
      %dma_start3A_14 = arith.constant 0 : i32
      %dma_start3A_15 = tpu.memref_slice %arg4[%add3A, %dma_start3A, %dma_start3A_14] : memref<32x79x128xi32, #tpu.memory_space<hbm>> -> memref<1x79x128xi32, #tpu.memory_space<hbm>>
      %dma_start3A_16 = tpu.memref_squeeze %dma_start3A_15 : memref<1x79x128xi32, #tpu.memory_space<hbm>> -> memref<79x128xi32, #tpu.memory_space<hbm>>
      %dma_start3A_17 = arith.constant 0 : i32
      %dma_start3A_18 = arith.constant 0 : i32
      %dma_start3A_19 = tpu.memref_slice %arg4[%add3A, %dma_start3A_17, %dma_start3A_18] : memref<32x79x128xi32, #tpu.memory_space<hbm>> -> memref<1x79x128xi32, #tpu.memory_space<hbm>>
      %dma_start3A_20 = tpu.memref_squeeze %dma_start3A_19 : memref<1x79x128xi32, #tpu.memory_space<hbm>> -> memref<79x128xi32, #tpu.memory_space<hbm>>
      tpu.enqueue_dma source(%dma_start3A_20 : memref<79x128xi32, #tpu.memory_space<hbm>>) target(%arg8 : memref<79x128xi32, #tpu.memory_space<vmem>>) target_semaphore(%run_scoped3A : memref<!tpu.dma_semaphore, #tpu.memory_space<semaphore_mem>>)
      %dma_wait3A = arith.constant 0 : i32
      %dma_wait3A_21 = arith.constant 0 : i32
      %dma_wait3A_22 = tpu.memref_slice %arg4[%add3A, %dma_wait3A, %dma_wait3A_21] : memref<32x79x128xi32, #tpu.memory_space<hbm>> -> memref<1x79x128xi32, #tpu.memory_space<hbm>>
      %dma_wait3A_23 = tpu.memref_squeeze %dma_wait3A_22 : memref<1x79x128xi32, #tpu.memory_space<hbm>> -> memref<79x128xi32, #tpu.memory_space<hbm>>
      %dma_wait3A_24 = arith.constant 0 : i32
      %dma_wait3A_25 = arith.constant 0 : i32
      %dma_wait3A_26 = tpu.memref_slice %arg4[%add3A, %dma_wait3A_24, %dma_wait3A_25] : memref<32x79x128xi32, #tpu.memory_space<hbm>> -> memref<1x79x128xi32, #tpu.memory_space<hbm>>
      %dma_wait3A_27 = tpu.memref_squeeze %dma_wait3A_26 : memref<1x79x128xi32, #tpu.memory_space<hbm>> -> memref<79x128xi32, #tpu.memory_space<hbm>>
      tpu.wait_dma2 semaphore(%run_scoped3A : memref<!tpu.dma_semaphore, #tpu.memory_space<semaphore_mem>>) src(%dma_wait3A_27 : memref<79x128xi32, #tpu.memory_space<hbm>>) dst(%arg8 : memref<79x128xi32, #tpu.memory_space<vmem>>)
      tpu.yield
    }) : () -> ()
    %barrier3A = arith.constant 0 : index
    tpu.barrier barrier_id(%barrier3A)
    %scan3A = arith.constant 0 : i32
    %scan3A_3 = arith.constant 0 : i32
    %scan3A_4 = arith.constant 79 : i32
    %scan3A_5 = arith.addi %scan3A_3, %scan3A_4 : i32
    %scan3A_6 = arith.constant 1 : i32
    scf.for %scan3A_14 = %scan3A_3 to %scan3A_5 step %scan3A_6  : i32 {
      %dma_start3A = arith.constant 0 : i32
      %dma_start3A_15 = tpu.memref_slice %arg7[%scan3A_14, %dma_start3A] : memref<79x128xi32, #tpu.memory_space<vmem>> -> memref<1x128xi32, #tpu.memory_space<vmem>>
      %dma_start3A_16 = tpu.memref_squeeze %dma_start3A_15 : memref<1x128xi32, #tpu.memory_space<vmem>> -> memref<128xi32, #tpu.memory_space<vmem>>
      %dma_start3A_17 = arith.constant 0 : i32
      %dma_start3A_18 = arith.constant 0 : i32
      %dma_start3A_19 = tpu.memref_slice %arg2[%dma_start3A_17, %dma_start3A_18] : memref<10112x128xf32, #tpu.memory_space<hbm>> -> memref<10112x128xf32, #tpu.memory_space<hbm>>
      tpu.enqueue_indirect_dma source(%dma_start3A_19 : memref<10112x128xf32, #tpu.memory_space<hbm>>) target(%arg9 : memref<128x128xf32, #tpu.memory_space<vmem>>) offsets(%dma_start3A_16 : memref<128xi32, #tpu.memory_space<vmem>>) semaphore(%arg11 : memref<!tpu.dma_semaphore, #tpu.memory_space<semaphore_mem>>)
      %dma_wait3A = arith.constant 0 : i32
      %dma_wait3A_20 = tpu.memref_slice %arg7[%scan3A_14, %dma_wait3A] : memref<79x128xi32, #tpu.memory_space<vmem>> -> memref<1x128xi32, #tpu.memory_space<vmem>>
      %dma_wait3A_21 = tpu.memref_squeeze %dma_wait3A_20 : memref<1x128xi32, #tpu.memory_space<vmem>> -> memref<128xi32, #tpu.memory_space<vmem>>
      %dma_wait3A_22 = arith.constant 0 : i32
      %dma_wait3A_23 = arith.constant 0 : i32
      %dma_wait3A_24 = tpu.memref_slice %arg2[%dma_wait3A_22, %dma_wait3A_23] : memref<10112x128xf32, #tpu.memory_space<hbm>> -> memref<10112x128xf32, #tpu.memory_space<hbm>>
      tpu.wait_indirect_dma semaphore(%arg11 : memref<!tpu.dma_semaphore, #tpu.memory_space<semaphore_mem>>) src(%dma_wait3A_24 : memref<10112x128xf32, #tpu.memory_space<hbm>>) dst(%arg9 : memref<128x128xf32, #tpu.memory_space<vmem>>)
      "tpu.region"() ({
        %run_scoped3A = tpu.sem_alloc : memref<!tpu.dma_semaphore, #tpu.memory_space<semaphore_mem>>
        %dma_start3A_25 = arith.constant 0 : i32
        %dma_start3A_26 = tpu.memref_slice %arg8[%scan3A_14, %dma_start3A_25] : memref<79x128xi32, #tpu.memory_space<vmem>> -> memref<1x128xi32, #tpu.memory_space<vmem>>
        %dma_start3A_27 = tpu.memref_squeeze %dma_start3A_26 : memref<1x128xi32, #tpu.memory_space<vmem>> -> memref<128xi32, #tpu.memory_space<vmem>>
        %dma_start3A_28 = arith.constant 0 : i32
        %dma_start3A_29 = arith.constant 0 : i32
        %dma_start3A_30 = tpu.memref_slice %arg10[%dma_start3A_28, %dma_start3A_29] : memref<10000x128xf32, #tpu.memory_space<vmem_shared>> -> memref<10000x128xf32, #tpu.memory_space<vmem_shared>>
        tpu.enqueue_indirect_dma source(%arg9 : memref<128x128xf32, #tpu.memory_space<vmem>>) target(%dma_start3A_30 : memref<10000x128xf32, #tpu.memory_space<vmem_shared>>) offsets(%dma_start3A_27 : memref<128xi32, #tpu.memory_space<vmem>>) semaphore(%run_scoped3A : memref<!tpu.dma_semaphore, #tpu.memory_space<semaphore_mem>>) {add = true}
        %dma_wait3A_31 = arith.constant 0 : i32
        %dma_wait3A_32 = tpu.memref_slice %arg8[%scan3A_14, %dma_wait3A_31] : memref<79x128xi32, #tpu.memory_space<vmem>> -> memref<1x128xi32, #tpu.memory_space<vmem>>
        %dma_wait3A_33 = tpu.memref_squeeze %dma_wait3A_32 : memref<1x128xi32, #tpu.memory_space<vmem>> -> memref<128xi32, #tpu.memory_space<vmem>>
        %dma_wait3A_34 = arith.constant 0 : i32
        %dma_wait3A_35 = arith.constant 0 : i32
        %dma_wait3A_36 = tpu.memref_slice %arg10[%dma_wait3A_34, %dma_wait3A_35] : memref<10000x128xf32, #tpu.memory_space<vmem_shared>> -> memref<10000x128xf32, #tpu.memory_space<vmem_shared>>
        tpu.wait_indirect_dma semaphore(%run_scoped3A : memref<!tpu.dma_semaphore, #tpu.memory_space<semaphore_mem>>) src(%arg9 : memref<128x128xf32, #tpu.memory_space<vmem>>) dst(%dma_wait3A_36 : memref<10000x128xf32, #tpu.memory_space<vmem_shared>>)
        tpu.yield
      }) : () -> ()
    }
    %scan3A_7 = arith.constant 79 : i32
    %barrier3A_8 = arith.constant 0 : index
    tpu.barrier barrier_id(%barrier3A_8)
    %lt3A_9 = arith.constant 10 : i32
    %lt3A_10 = arith.cmpi slt, %arg1, %lt3A_9 : i32
    %convert_element_type3A_11 = arith.extui %lt3A_10 : i1 to i32
    %cond3A_12 = arith.constant 0 : i32
    %cond3A_13 = arith.cmpi ne, %convert_element_type3A_11, %cond3A_12 : i32
    scf.if %cond3A_13 {
      %mul3A_14 = arith.constant 1000 : i32
      %mul3A_15 = arith.muli %arg1, %mul3A_14 : i32
      "tpu.region"() ({
        %run_scoped3A = tpu.sem_alloc : memref<!tpu.dma_semaphore, #tpu.memory_space<semaphore_mem>>
        %dma_start3A = arith.constant 0 : i32
        %dma_start3A_16 = arith.constant 0 : i32
        %dma_start3A_17 = tpu.memref_slice %arg6[%arg0, %dma_start3A, %dma_start3A_16] : memref<2x10112x128xf32, #tpu.memory_space<hbm>> -> memref<1x10112x128xf32, #tpu.memory_space<hbm>>
        %dma_start3A_18 = tpu.memref_squeeze %dma_start3A_17 : memref<1x10112x128xf32, #tpu.memory_space<hbm>> -> memref<10112x128xf32, #tpu.memory_space<hbm>>
        %dma_start3A_19 = arith.constant 0 : i32
        %dma_start3A_20 = tpu.memref_slice %dma_start3A_18[%mul3A_15, %dma_start3A_19] : memref<10112x128xf32, #tpu.memory_space<hbm>> -> memref<1000x128xf32, #tpu.memory_space<hbm>>
        %dma_start3A_21 = arith.constant 0 : i32
        %dma_start3A_22 = tpu.memref_slice %arg10[%mul3A_15, %dma_start3A_21] : memref<10000x128xf32, #tpu.memory_space<vmem_shared>> -> memref<1000x128xf32, #tpu.memory_space<vmem_shared>>
        tpu.enqueue_dma source(%dma_start3A_22 : memref<1000x128xf32, #tpu.memory_space<vmem_shared>>) target(%dma_start3A_20 : memref<1000x128xf32, #tpu.memory_space<hbm>>) target_semaphore(%run_scoped3A : memref<!tpu.dma_semaphore, #tpu.memory_space<semaphore_mem>>)
        %dma_wait3A = arith.constant 0 : i32
        %dma_wait3A_23 = arith.constant 0 : i32
        %dma_wait3A_24 = tpu.memref_slice %arg6[%arg0, %dma_wait3A, %dma_wait3A_23] : memref<2x10112x128xf32, #tpu.memory_space<hbm>> -> memref<1x10112x128xf32, #tpu.memory_space<hbm>>
        %dma_wait3A_25 = tpu.memref_squeeze %dma_wait3A_24 : memref<1x10112x128xf32, #tpu.memory_space<hbm>> -> memref<10112x128xf32, #tpu.memory_space<hbm>>
        %dma_wait3A_26 = arith.constant 0 : i32
        %dma_wait3A_27 = tpu.memref_slice %dma_wait3A_25[%mul3A_15, %dma_wait3A_26] : memref<10112x128xf32, #tpu.memory_space<hbm>> -> memref<1000x128xf32, #tpu.memory_space<hbm>>
        %dma_wait3A_28 = arith.constant 0 : i32
        %dma_wait3A_29 = tpu.memref_slice %arg10[%mul3A_15, %dma_wait3A_28] : memref<10000x128xf32, #tpu.memory_space<vmem_shared>> -> memref<1000x128xf32, #tpu.memory_space<vmem_shared>>
        tpu.wait_dma2 semaphore(%run_scoped3A : memref<!tpu.dma_semaphore, #tpu.memory_space<semaphore_mem>>) src(%dma_wait3A_29 : memref<1000x128xf32, #tpu.memory_space<vmem_shared>>) dst(%dma_wait3A_27 : memref<1000x128xf32, #tpu.memory_space<hbm>>)
        tpu.yield
      }) : () -> ()
    } else {
    }
    return
  }
}

#map = affine_map<(d0, d1) -> (0, 0)>
#map1 = affine_map<(d0, d1) -> (0, 0, 0)>
module attributes {stable_mosaic.version = 14 : i64} {
  func.func @body(%arg0: i32, %arg1: i32, %arg2: memref<10112x128xf32, #tpu.memory_space<hbm>>, %arg3: memref<32x79x128xi32, #tpu.memory_space<hbm>>, %arg4: memref<32x79x128xi32, #tpu.memory_space<hbm>>, %arg5: memref<10000x128xf32, #tpu.memory_space<hbm>>, %arg6: memref<2x10112x128xf32, #tpu.memory_space<hbm>>, %arg7: memref<79x128xi32, #tpu.memory_space<vmem>>, %arg8: memref<79x128xi32, #tpu.memory_space<vmem>>, %arg9: memref<128x128xf32, #tpu.memory_space<vmem>>, %arg10: memref<10000x128xf32, #tpu.memory_space<vmem_shared>>, %arg11: memref<!tpu.dma_semaphore, #tpu.memory_space<semaphore_mem>>) attributes {dimension_semantics = [#tpu.dimension_semantics<core_parallel>, #tpu.dimension_semantics<subcore_parallel>], iteration_bounds = array<i64: 2, 16>, scalar_prefetch = 0 : i64, scratch_operands = 5 : i64, tpu.core_type = #tpu.core_type<sc_vector_subcore>, window_params = [{transform_indices = #map}, {transform_indices = #map1}, {transform_indices = #map1}, {transform_indices = #map}, {transform_indices = #map1}]} {
    %mul3A = arith.constant 2 : i32
    %mul3A_0 = arith.muli %arg1, %mul3A : i32
    %add3A = arith.addi %mul3A_0, %arg0 : i32
    %lt3A = arith.constant 10 : i32
    %lt3A_1 = arith.cmpi slt, %arg1, %lt3A : i32
    %convert_element_type3A = arith.extui %lt3A_1 : i1 to i32
    %cond3A = arith.constant 0 : i32
    %cond3A_2 = arith.cmpi ne, %convert_element_type3A, %cond3A : i32
    scf.if %cond3A_2 {
      %mul3A_14 = arith.constant 1000 : i32
      %mul3A_15 = arith.muli %arg1, %mul3A_14 : i32
      "tpu.region"() ({
        %run_scoped3A = tpu.sem_alloc : memref<!tpu.dma_semaphore, #tpu.memory_space<semaphore_mem>>
        %dma_start3A = arith.constant 0 : i32
        %dma_start3A_16 = tpu.memref_slice %arg10[%mul3A_15, %dma_start3A] : memref<10000x128xf32, #tpu.memory_space<vmem_shared>> -> memref<1000x128xf32, #tpu.memory_space<vmem_shared>>
        %dma_start3A_17 = arith.constant 0 : i32
        %dma_start3A_18 = tpu.memref_slice %arg5[%mul3A_15, %dma_start3A_17] : memref<10000x128xf32, #tpu.memory_space<hbm>> -> memref<1000x128xf32, #tpu.memory_space<hbm>>
        tpu.enqueue_dma source(%dma_start3A_18 : memref<1000x128xf32, #tpu.memory_space<hbm>>) target(%dma_start3A_16 : memref<1000x128xf32, #tpu.memory_space<vmem_shared>>) target_semaphore(%run_scoped3A : memref<!tpu.dma_semaphore, #tpu.memory_space<semaphore_mem>>)
        %dma_wait3A = arith.constant 0 : i32
        %dma_wait3A_19 = tpu.memref_slice %arg10[%mul3A_15, %dma_wait3A] : memref<10000x128xf32, #tpu.memory_space<vmem_shared>> -> memref<1000x128xf32, #tpu.memory_space<vmem_shared>>
        %dma_wait3A_20 = arith.constant 0 : i32
        %dma_wait3A_21 = tpu.memref_slice %arg5[%mul3A_15, %dma_wait3A_20] : memref<10000x128xf32, #tpu.memory_space<hbm>> -> memref<1000x128xf32, #tpu.memory_space<hbm>>
        tpu.wait_dma2 semaphore(%run_scoped3A : memref<!tpu.dma_semaphore, #tpu.memory_space<semaphore_mem>>) src(%dma_wait3A_21 : memref<1000x128xf32, #tpu.memory_space<hbm>>) dst(%dma_wait3A_19 : memref<1000x128xf32, #tpu.memory_space<vmem_shared>>)
        tpu.yield
      }) : () -> ()
    } else {
    }
    "tpu.region"() ({
      %run_scoped3A = tpu.sem_alloc : memref<!tpu.dma_semaphore, #tpu.memory_space<semaphore_mem>>
      %dma_start3A = arith.constant 0 : i32
      %dma_start3A_14 = arith.constant 0 : i32
      %dma_start3A_15 = tpu.memref_slice %arg3[%add3A, %dma_start3A, %dma_start3A_14] : memref<32x79x128xi32, #tpu.memory_space<hbm>> -> memref<1x79x128xi32, #tpu.memory_space<hbm>>
      %dma_start3A_16 = tpu.memref_squeeze %dma_start3A_15 : memref<1x79x128xi32, #tpu.memory_space<hbm>> -> memref<79x128xi32, #tpu.memory_space<hbm>>
      %dma_start3A_17 = arith.constant 0 : i32
      %dma_start3A_18 = arith.constant 0 : i32
      %dma_start3A_19 = tpu.memref_slice %arg3[%add3A, %dma_start3A_17, %dma_start3A_18] : memref<32x79x128xi32, #tpu.memory_space<hbm>> -> memref<1x79x128xi32, #tpu.memory_space<hbm>>
      %dma_start3A_20 = tpu.memref_squeeze %dma_start3A_19 : memref<1x79x128xi32, #tpu.memory_space<hbm>> -> memref<79x128xi32, #tpu.memory_space<hbm>>
      tpu.enqueue_dma source(%dma_start3A_20 : memref<79x128xi32, #tpu.memory_space<hbm>>) target(%arg7 : memref<79x128xi32, #tpu.memory_space<vmem>>) target_semaphore(%run_scoped3A : memref<!tpu.dma_semaphore, #tpu.memory_space<semaphore_mem>>)
      %dma_wait3A = arith.constant 0 : i32
      %dma_wait3A_21 = arith.constant 0 : i32
      %dma_wait3A_22 = tpu.memref_slice %arg3[%add3A, %dma_wait3A, %dma_wait3A_21] : memref<32x79x128xi32, #tpu.memory_space<hbm>> -> memref<1x79x128xi32, #tpu.memory_space<hbm>>
      %dma_wait3A_23 = tpu.memref_squeeze %dma_wait3A_22 : memref<1x79x128xi32, #tpu.memory_space<hbm>> -> memref<79x128xi32, #tpu.memory_space<hbm>>
      %dma_wait3A_24 = arith.constant 0 : i32
      %dma_wait3A_25 = arith.constant 0 : i32
      %dma_wait3A_26 = tpu.memref_slice %arg3[%add3A, %dma_wait3A_24, %dma_wait3A_25] : memref<32x79x128xi32, #tpu.memory_space<hbm>> -> memref<1x79x128xi32, #tpu.memory_space<hbm>>
      %dma_wait3A_27 = tpu.memref_squeeze %dma_wait3A_26 : memref<1x79x128xi32, #tpu.memory_space<hbm>> -> memref<79x128xi32, #tpu.memory_space<hbm>>
      tpu.wait_dma2 semaphore(%run_scoped3A : memref<!tpu.dma_semaphore, #tpu.memory_space<semaphore_mem>>) src(%dma_wait3A_27 : memref<79x128xi32, #tpu.memory_space<hbm>>) dst(%arg7 : memref<79x128xi32, #tpu.memory_space<vmem>>)
      tpu.yield
    }) : () -> ()
    "tpu.region"() ({
      %run_scoped3A = tpu.sem_alloc : memref<!tpu.dma_semaphore, #tpu.memory_space<semaphore_mem>>
      %dma_start3A = arith.constant 0 : i32
      %dma_start3A_14 = arith.constant 0 : i32
      %dma_start3A_15 = tpu.memref_slice %arg4[%add3A, %dma_start3A, %dma_start3A_14] : memref<32x79x128xi32, #tpu.memory_space<hbm>> -> memref<1x79x128xi32, #tpu.memory_space<hbm>>
      %dma_start3A_16 = tpu.memref_squeeze %dma_start3A_15 : memref<1x79x128xi32, #tpu.memory_space<hbm>> -> memref<79x128xi32, #tpu.memory_space<hbm>>
      %dma_start3A_17 = arith.constant 0 : i32
      %dma_start3A_18 = arith.constant 0 : i32
      %dma_start3A_19 = tpu.memref_slice %arg4[%add3A, %dma_start3A_17, %dma_start3A_18] : memref<32x79x128xi32, #tpu.memory_space<hbm>> -> memref<1x79x128xi32, #tpu.memory_space<hbm>>
      %dma_start3A_20 = tpu.memref_squeeze %dma_start3A_19 : memref<1x79x128xi32, #tpu.memory_space<hbm>> -> memref<79x128xi32, #tpu.memory_space<hbm>>
      tpu.enqueue_dma source(%dma_start3A_20 : memref<79x128xi32, #tpu.memory_space<hbm>>) target(%arg8 : memref<79x128xi32, #tpu.memory_space<vmem>>) target_semaphore(%run_scoped3A : memref<!tpu.dma_semaphore, #tpu.memory_space<semaphore_mem>>)
      %dma_wait3A = arith.constant 0 : i32
      %dma_wait3A_21 = arith.constant 0 : i32
      %dma_wait3A_22 = tpu.memref_slice %arg4[%add3A, %dma_wait3A, %dma_wait3A_21] : memref<32x79x128xi32, #tpu.memory_space<hbm>> -> memref<1x79x128xi32, #tpu.memory_space<hbm>>
      %dma_wait3A_23 = tpu.memref_squeeze %dma_wait3A_22 : memref<1x79x128xi32, #tpu.memory_space<hbm>> -> memref<79x128xi32, #tpu.memory_space<hbm>>
      %dma_wait3A_24 = arith.constant 0 : i32
      %dma_wait3A_25 = arith.constant 0 : i32
      %dma_wait3A_26 = tpu.memref_slice %arg4[%add3A, %dma_wait3A_24, %dma_wait3A_25] : memref<32x79x128xi32, #tpu.memory_space<hbm>> -> memref<1x79x128xi32, #tpu.memory_space<hbm>>
      %dma_wait3A_27 = tpu.memref_squeeze %dma_wait3A_26 : memref<1x79x128xi32, #tpu.memory_space<hbm>> -> memref<79x128xi32, #tpu.memory_space<hbm>>
      tpu.wait_dma2 semaphore(%run_scoped3A : memref<!tpu.dma_semaphore, #tpu.memory_space<semaphore_mem>>) src(%dma_wait3A_27 : memref<79x128xi32, #tpu.memory_space<hbm>>) dst(%arg8 : memref<79x128xi32, #tpu.memory_space<vmem>>)
      tpu.yield
    }) : () -> ()
    %barrier3A = arith.constant 0 : index
    tpu.barrier barrier_id(%barrier3A)
    %scan3A = arith.constant 0 : i32
    %scan3A_3 = arith.constant 0 : i32
    %scan3A_4 = arith.constant 79 : i32
    %scan3A_5 = arith.addi %scan3A_3, %scan3A_4 : i32
    %scan3A_6 = arith.constant 1 : i32
    scf.for %scan3A_14 = %scan3A_3 to %scan3A_5 step %scan3A_6  : i32 {
      %dma_start3A = arith.constant 0 : i32
      %dma_start3A_15 = tpu.memref_slice %arg7[%scan3A_14, %dma_start3A] : memref<79x128xi32, #tpu.memory_space<vmem>> -> memref<1x128xi32, #tpu.memory_space<vmem>>
      %dma_start3A_16 = tpu.memref_squeeze %dma_start3A_15 : memref<1x128xi32, #tpu.memory_space<vmem>> -> memref<128xi32, #tpu.memory_space<vmem>>
      %dma_start3A_17 = arith.constant 0 : i32
      %dma_start3A_18 = arith.constant 0 : i32
      %dma_start3A_19 = tpu.memref_slice %arg2[%dma_start3A_17, %dma_start3A_18] : memref<10112x128xf32, #tpu.memory_space<hbm>> -> memref<10112x128xf32, #tpu.memory_space<hbm>>
      tpu.enqueue_indirect_dma source(%dma_start3A_19 : memref<10112x128xf32, #tpu.memory_space<hbm>>) target(%arg9 : memref<128x128xf32, #tpu.memory_space<vmem>>) offsets(%dma_start3A_16 : memref<128xi32, #tpu.memory_space<vmem>>) semaphore(%arg11 : memref<!tpu.dma_semaphore, #tpu.memory_space<semaphore_mem>>)
      %dma_wait3A = arith.constant 0 : i32
      %dma_wait3A_20 = tpu.memref_slice %arg7[%scan3A_14, %dma_wait3A] : memref<79x128xi32, #tpu.memory_space<vmem>> -> memref<1x128xi32, #tpu.memory_space<vmem>>
      %dma_wait3A_21 = tpu.memref_squeeze %dma_wait3A_20 : memref<1x128xi32, #tpu.memory_space<vmem>> -> memref<128xi32, #tpu.memory_space<vmem>>
      %dma_wait3A_22 = arith.constant 0 : i32
      %dma_wait3A_23 = arith.constant 0 : i32
      %dma_wait3A_24 = tpu.memref_slice %arg2[%dma_wait3A_22, %dma_wait3A_23] : memref<10112x128xf32, #tpu.memory_space<hbm>> -> memref<10112x128xf32, #tpu.memory_space<hbm>>
      tpu.wait_indirect_dma semaphore(%arg11 : memref<!tpu.dma_semaphore, #tpu.memory_space<semaphore_mem>>) src(%dma_wait3A_24 : memref<10112x128xf32, #tpu.memory_space<hbm>>) dst(%arg9 : memref<128x128xf32, #tpu.memory_space<vmem>>)
      "tpu.region"() ({
        %run_scoped3A = tpu.sem_alloc : memref<!tpu.dma_semaphore, #tpu.memory_space<semaphore_mem>>
        %dma_start3A_25 = arith.constant 0 : i32
        %dma_start3A_26 = tpu.memref_slice %arg8[%scan3A_14, %dma_start3A_25] : memref<79x128xi32, #tpu.memory_space<vmem>> -> memref<1x128xi32, #tpu.memory_space<vmem>>
        %dma_start3A_27 = tpu.memref_squeeze %dma_start3A_26 : memref<1x128xi32, #tpu.memory_space<vmem>> -> memref<128xi32, #tpu.memory_space<vmem>>
        %dma_start3A_28 = arith.constant 0 : i32
        %dma_start3A_29 = arith.constant 0 : i32
        %dma_start3A_30 = tpu.memref_slice %arg10[%dma_start3A_28, %dma_start3A_29] : memref<10000x128xf32, #tpu.memory_space<vmem_shared>> -> memref<10000x128xf32, #tpu.memory_space<vmem_shared>>
        tpu.enqueue_indirect_dma source(%arg9 : memref<128x128xf32, #tpu.memory_space<vmem>>) target(%dma_start3A_30 : memref<10000x128xf32, #tpu.memory_space<vmem_shared>>) offsets(%dma_start3A_27 : memref<128xi32, #tpu.memory_space<vmem>>) semaphore(%run_scoped3A : memref<!tpu.dma_semaphore, #tpu.memory_space<semaphore_mem>>) {add = true}
        %dma_wait3A_31 = arith.constant 0 : i32
        %dma_wait3A_32 = tpu.memref_slice %arg8[%scan3A_14, %dma_wait3A_31] : memref<79x128xi32, #tpu.memory_space<vmem>> -> memref<1x128xi32, #tpu.memory_space<vmem>>
        %dma_wait3A_33 = tpu.memref_squeeze %dma_wait3A_32 : memref<1x128xi32, #tpu.memory_space<vmem>> -> memref<128xi32, #tpu.memory_space<vmem>>
        %dma_wait3A_34 = arith.constant 0 : i32
        %dma_wait3A_35 = arith.constant 0 : i32
        %dma_wait3A_36 = tpu.memref_slice %arg10[%dma_wait3A_34, %dma_wait3A_35] : memref<10000x128xf32, #tpu.memory_space<vmem_shared>> -> memref<10000x128xf32, #tpu.memory_space<vmem_shared>>
        tpu.wait_indirect_dma semaphore(%run_scoped3A : memref<!tpu.dma_semaphore, #tpu.memory_space<semaphore_mem>>) src(%arg9 : memref<128x128xf32, #tpu.memory_space<vmem>>) dst(%dma_wait3A_36 : memref<10000x128xf32, #tpu.memory_space<vmem_shared>>)
        tpu.yield
      }) : () -> ()
    }
    %scan3A_7 = arith.constant 79 : i32
    %barrier3A_8 = arith.constant 0 : index
    tpu.barrier barrier_id(%barrier3A_8)
    %lt3A_9 = arith.constant 10 : i32
    %lt3A_10 = arith.cmpi slt, %arg1, %lt3A_9 : i32
    %convert_element_type3A_11 = arith.extui %lt3A_10 : i1 to i32
    %cond3A_12 = arith.constant 0 : i32
    %cond3A_13 = arith.cmpi ne, %convert_element_type3A_11, %cond3A_12 : i32
    scf.if %cond3A_13 {
      %mul3A_14 = arith.constant 1000 : i32
      %mul3A_15 = arith.muli %arg1, %mul3A_14 : i32
      "tpu.region"() ({
        %run_scoped3A = tpu.sem_alloc : memref<!tpu.dma_semaphore, #tpu.memory_space<semaphore_mem>>
        %dma_start3A = arith.constant 0 : i32
        %dma_start3A_16 = arith.constant 0 : i32
        %dma_start3A_17 = tpu.memref_slice %arg6[%arg0, %dma_start3A, %dma_start3A_16] : memref<2x10112x128xf32, #tpu.memory_space<hbm>> -> memref<1x10112x128xf32, #tpu.memory_space<hbm>>
        %dma_start3A_18 = tpu.memref_squeeze %dma_start3A_17 : memref<1x10112x128xf32, #tpu.memory_space<hbm>> -> memref<10112x128xf32, #tpu.memory_space<hbm>>
        %dma_start3A_19 = arith.constant 0 : i32
        %dma_start3A_20 = tpu.memref_slice %dma_start3A_18[%mul3A_15, %dma_start3A_19] : memref<10112x128xf32, #tpu.memory_space<hbm>> -> memref<1000x128xf32, #tpu.memory_space<hbm>>
        %dma_start3A_21 = arith.constant 0 : i32
        %dma_start3A_22 = tpu.memref_slice %arg10[%mul3A_15, %dma_start3A_21] : memref<10000x128xf32, #tpu.memory_space<vmem_shared>> -> memref<1000x128xf32, #tpu.memory_space<vmem_shared>>
        tpu.enqueue_dma source(%dma_start3A_22 : memref<1000x128xf32, #tpu.memory_space<vmem_shared>>) target(%dma_start3A_20 : memref<1000x128xf32, #tpu.memory_space<hbm>>) target_semaphore(%run_scoped3A : memref<!tpu.dma_semaphore, #tpu.memory_space<semaphore_mem>>)
        %dma_wait3A = arith.constant 0 : i32
        %dma_wait3A_23 = arith.constant 0 : i32
        %dma_wait3A_24 = tpu.memref_slice %arg6[%arg0, %dma_wait3A, %dma_wait3A_23] : memref<2x10112x128xf32, #tpu.memory_space<hbm>> -> memref<1x10112x128xf32, #tpu.memory_space<hbm>>
        %dma_wait3A_25 = tpu.memref_squeeze %dma_wait3A_24 : memref<1x10112x128xf32, #tpu.memory_space<hbm>> -> memref<10112x128xf32, #tpu.memory_space<hbm>>
        %dma_wait3A_26 = arith.constant 0 : i32
        %dma_wait3A_27 = tpu.memref_slice %dma_wait3A_25[%mul3A_15, %dma_wait3A_26] : memref<10112x128xf32, #tpu.memory_space<hbm>> -> memref<1000x128xf32, #tpu.memory_space<hbm>>
        %dma_wait3A_28 = arith.constant 0 : i32
        %dma_wait3A_29 = tpu.memref_slice %arg10[%mul3A_15, %dma_wait3A_28] : memref<10000x128xf32, #tpu.memory_space<vmem_shared>> -> memref<1000x128xf32, #tpu.memory_space<vmem_shared>>
        tpu.wait_dma2 semaphore(%run_scoped3A : memref<!tpu.dma_semaphore, #tpu.memory_space<semaphore_mem>>) src(%dma_wait3A_29 : memref<1000x128xf32, #tpu.memory_space<vmem_shared>>) dst(%dma_wait3A_27 : memref<1000x128xf32, #tpu.memory_space<hbm>>)
        tpu.yield
      }) : () -> ()
    } else {
    }
    return
  }
}

#map = affine_map<(d0, d1) -> (0, 0)>
#map1 = affine_map<(d0, d1) -> (0, 0, 0)>
module attributes {stable_mosaic.version = 14 : i64} {
  func.func @body(%arg0: i32, %arg1: i32, %arg2: memref<10112x128xf32, #tpu.memory_space<hbm>>, %arg3: memref<32x79x128xi32, #tpu.memory_space<hbm>>, %arg4: memref<32x79x128xi32, #tpu.memory_space<hbm>>, %arg5: memref<10000x128xf32, #tpu.memory_space<hbm>>, %arg6: memref<2x10112x128xf32, #tpu.memory_space<hbm>>, %arg7: memref<79x128xi32, #tpu.memory_space<vmem>>, %arg8: memref<79x128xi32, #tpu.memory_space<vmem>>, %arg9: memref<128x128xf32, #tpu.memory_space<vmem>>, %arg10: memref<10000x128xf32, #tpu.memory_space<vmem_shared>>, %arg11: memref<!tpu.dma_semaphore, #tpu.memory_space<semaphore_mem>>) attributes {dimension_semantics = [#tpu.dimension_semantics<core_parallel>, #tpu.dimension_semantics<subcore_parallel>], iteration_bounds = array<i64: 2, 16>, scalar_prefetch = 0 : i64, scratch_operands = 5 : i64, tpu.core_type = #tpu.core_type<sc_vector_subcore>, window_params = [{transform_indices = #map}, {transform_indices = #map1}, {transform_indices = #map1}, {transform_indices = #map}, {transform_indices = #map1}]} {
    %mul3A = arith.constant 2 : i32
    %mul3A_0 = arith.muli %arg1, %mul3A : i32
    %add3A = arith.addi %mul3A_0, %arg0 : i32
    %lt3A = arith.constant 10 : i32
    %lt3A_1 = arith.cmpi slt, %arg1, %lt3A : i32
    %convert_element_type3A = arith.extui %lt3A_1 : i1 to i32
    %cond3A = arith.constant 0 : i32
    %cond3A_2 = arith.cmpi ne, %convert_element_type3A, %cond3A : i32
    scf.if %cond3A_2 {
      %mul3A_14 = arith.constant 1000 : i32
      %mul3A_15 = arith.muli %arg1, %mul3A_14 : i32
      "tpu.region"() ({
        %run_scoped3A = tpu.sem_alloc : memref<!tpu.dma_semaphore, #tpu.memory_space<semaphore_mem>>
        %dma_start3A = arith.constant 0 : i32
        %dma_start3A_16 = tpu.memref_slice %arg10[%mul3A_15, %dma_start3A] : memref<10000x128xf32, #tpu.memory_space<vmem_shared>> -> memref<1000x128xf32, #tpu.memory_space<vmem_shared>>
        %dma_start3A_17 = arith.constant 0 : i32
        %dma_start3A_18 = tpu.memref_slice %arg5[%mul3A_15, %dma_start3A_17] : memref<10000x128xf32, #tpu.memory_space<hbm>> -> memref<1000x128xf32, #tpu.memory_space<hbm>>
        tpu.enqueue_dma source(%dma_start3A_18 : memref<1000x128xf32, #tpu.memory_space<hbm>>) target(%dma_start3A_16 : memref<1000x128xf32, #tpu.memory_space<vmem_shared>>) target_semaphore(%run_scoped3A : memref<!tpu.dma_semaphore, #tpu.memory_space<semaphore_mem>>)
        %dma_wait3A = arith.constant 0 : i32
        %dma_wait3A_19 = tpu.memref_slice %arg10[%mul3A_15, %dma_wait3A] : memref<10000x128xf32, #tpu.memory_space<vmem_shared>> -> memref<1000x128xf32, #tpu.memory_space<vmem_shared>>
        %dma_wait3A_20 = arith.constant 0 : i32
        %dma_wait3A_21 = tpu.memref_slice %arg5[%mul3A_15, %dma_wait3A_20] : memref<10000x128xf32, #tpu.memory_space<hbm>> -> memref<1000x128xf32, #tpu.memory_space<hbm>>
        tpu.wait_dma2 semaphore(%run_scoped3A : memref<!tpu.dma_semaphore, #tpu.memory_space<semaphore_mem>>) src(%dma_wait3A_21 : memref<1000x128xf32, #tpu.memory_space<hbm>>) dst(%dma_wait3A_19 : memref<1000x128xf32, #tpu.memory_space<vmem_shared>>)
        tpu.yield
      }) : () -> ()
    } else {
    }
    "tpu.region"() ({
      %run_scoped3A = tpu.sem_alloc : memref<!tpu.dma_semaphore, #tpu.memory_space<semaphore_mem>>
      %dma_start3A = arith.constant 0 : i32
      %dma_start3A_14 = arith.constant 0 : i32
      %dma_start3A_15 = tpu.memref_slice %arg3[%add3A, %dma_start3A, %dma_start3A_14] : memref<32x79x128xi32, #tpu.memory_space<hbm>> -> memref<1x79x128xi32, #tpu.memory_space<hbm>>
      %dma_start3A_16 = tpu.memref_squeeze %dma_start3A_15 : memref<1x79x128xi32, #tpu.memory_space<hbm>> -> memref<79x128xi32, #tpu.memory_space<hbm>>
      %dma_start3A_17 = arith.constant 0 : i32
      %dma_start3A_18 = arith.constant 0 : i32
      %dma_start3A_19 = tpu.memref_slice %arg3[%add3A, %dma_start3A_17, %dma_start3A_18] : memref<32x79x128xi32, #tpu.memory_space<hbm>> -> memref<1x79x128xi32, #tpu.memory_space<hbm>>
      %dma_start3A_20 = tpu.memref_squeeze %dma_start3A_19 : memref<1x79x128xi32, #tpu.memory_space<hbm>> -> memref<79x128xi32, #tpu.memory_space<hbm>>
      tpu.enqueue_dma source(%dma_start3A_20 : memref<79x128xi32, #tpu.memory_space<hbm>>) target(%arg7 : memref<79x128xi32, #tpu.memory_space<vmem>>) target_semaphore(%run_scoped3A : memref<!tpu.dma_semaphore, #tpu.memory_space<semaphore_mem>>)
      %dma_wait3A = arith.constant 0 : i32
      %dma_wait3A_21 = arith.constant 0 : i32
      %dma_wait3A_22 = tpu.memref_slice %arg3[%add3A, %dma_wait3A, %dma_wait3A_21] : memref<32x79x128xi32, #tpu.memory_space<hbm>> -> memref<1x79x128xi32, #tpu.memory_space<hbm>>
      %dma_wait3A_23 = tpu.memref_squeeze %dma_wait3A_22 : memref<1x79x128xi32, #tpu.memory_space<hbm>> -> memref<79x128xi32, #tpu.memory_space<hbm>>
      %dma_wait3A_24 = arith.constant 0 : i32
      %dma_wait3A_25 = arith.constant 0 : i32
      %dma_wait3A_26 = tpu.memref_slice %arg3[%add3A, %dma_wait3A_24, %dma_wait3A_25] : memref<32x79x128xi32, #tpu.memory_space<hbm>> -> memref<1x79x128xi32, #tpu.memory_space<hbm>>
      %dma_wait3A_27 = tpu.memref_squeeze %dma_wait3A_26 : memref<1x79x128xi32, #tpu.memory_space<hbm>> -> memref<79x128xi32, #tpu.memory_space<hbm>>
      tpu.wait_dma2 semaphore(%run_scoped3A : memref<!tpu.dma_semaphore, #tpu.memory_space<semaphore_mem>>) src(%dma_wait3A_27 : memref<79x128xi32, #tpu.memory_space<hbm>>) dst(%arg7 : memref<79x128xi32, #tpu.memory_space<vmem>>)
      tpu.yield
    }) : () -> ()
    "tpu.region"() ({
      %run_scoped3A = tpu.sem_alloc : memref<!tpu.dma_semaphore, #tpu.memory_space<semaphore_mem>>
      %dma_start3A = arith.constant 0 : i32
      %dma_start3A_14 = arith.constant 0 : i32
      %dma_start3A_15 = tpu.memref_slice %arg4[%add3A, %dma_start3A, %dma_start3A_14] : memref<32x79x128xi32, #tpu.memory_space<hbm>> -> memref<1x79x128xi32, #tpu.memory_space<hbm>>
      %dma_start3A_16 = tpu.memref_squeeze %dma_start3A_15 : memref<1x79x128xi32, #tpu.memory_space<hbm>> -> memref<79x128xi32, #tpu.memory_space<hbm>>
      %dma_start3A_17 = arith.constant 0 : i32
      %dma_start3A_18 = arith.constant 0 : i32
      %dma_start3A_19 = tpu.memref_slice %arg4[%add3A, %dma_start3A_17, %dma_start3A_18] : memref<32x79x128xi32, #tpu.memory_space<hbm>> -> memref<1x79x128xi32, #tpu.memory_space<hbm>>
      %dma_start3A_20 = tpu.memref_squeeze %dma_start3A_19 : memref<1x79x128xi32, #tpu.memory_space<hbm>> -> memref<79x128xi32, #tpu.memory_space<hbm>>
      tpu.enqueue_dma source(%dma_start3A_20 : memref<79x128xi32, #tpu.memory_space<hbm>>) target(%arg8 : memref<79x128xi32, #tpu.memory_space<vmem>>) target_semaphore(%run_scoped3A : memref<!tpu.dma_semaphore, #tpu.memory_space<semaphore_mem>>)
      %dma_wait3A = arith.constant 0 : i32
      %dma_wait3A_21 = arith.constant 0 : i32
      %dma_wait3A_22 = tpu.memref_slice %arg4[%add3A, %dma_wait3A, %dma_wait3A_21] : memref<32x79x128xi32, #tpu.memory_space<hbm>> -> memref<1x79x128xi32, #tpu.memory_space<hbm>>
      %dma_wait3A_23 = tpu.memref_squeeze %dma_wait3A_22 : memref<1x79x128xi32, #tpu.memory_space<hbm>> -> memref<79x128xi32, #tpu.memory_space<hbm>>
      %dma_wait3A_24 = arith.constant 0 : i32
      %dma_wait3A_25 = arith.constant 0 : i32
      %dma_wait3A_26 = tpu.memref_slice %arg4[%add3A, %dma_wait3A_24, %dma_wait3A_25] : memref<32x79x128xi32, #tpu.memory_space<hbm>> -> memref<1x79x128xi32, #tpu.memory_space<hbm>>
      %dma_wait3A_27 = tpu.memref_squeeze %dma_wait3A_26 : memref<1x79x128xi32, #tpu.memory_space<hbm>> -> memref<79x128xi32, #tpu.memory_space<hbm>>
      tpu.wait_dma2 semaphore(%run_scoped3A : memref<!tpu.dma_semaphore, #tpu.memory_space<semaphore_mem>>) src(%dma_wait3A_27 : memref<79x128xi32, #tpu.memory_space<hbm>>) dst(%arg8 : memref<79x128xi32, #tpu.memory_space<vmem>>)
      tpu.yield
    }) : () -> ()
    %barrier3A = arith.constant 0 : index
    tpu.barrier barrier_id(%barrier3A)
    %scan3A = arith.constant 0 : i32
    %scan3A_3 = arith.constant 0 : i32
    %scan3A_4 = arith.constant 79 : i32
    %scan3A_5 = arith.addi %scan3A_3, %scan3A_4 : i32
    %scan3A_6 = arith.constant 1 : i32
    scf.for %scan3A_14 = %scan3A_3 to %scan3A_5 step %scan3A_6  : i32 {
      %dma_start3A = arith.constant 0 : i32
      %dma_start3A_15 = tpu.memref_slice %arg7[%scan3A_14, %dma_start3A] : memref<79x128xi32, #tpu.memory_space<vmem>> -> memref<1x128xi32, #tpu.memory_space<vmem>>
      %dma_start3A_16 = tpu.memref_squeeze %dma_start3A_15 : memref<1x128xi32, #tpu.memory_space<vmem>> -> memref<128xi32, #tpu.memory_space<vmem>>
      %dma_start3A_17 = arith.constant 0 : i32
      %dma_start3A_18 = arith.constant 0 : i32
      %dma_start3A_19 = tpu.memref_slice %arg2[%dma_start3A_17, %dma_start3A_18] : memref<10112x128xf32, #tpu.memory_space<hbm>> -> memref<10112x128xf32, #tpu.memory_space<hbm>>
      tpu.enqueue_indirect_dma source(%dma_start3A_19 : memref<10112x128xf32, #tpu.memory_space<hbm>>) target(%arg9 : memref<128x128xf32, #tpu.memory_space<vmem>>) offsets(%dma_start3A_16 : memref<128xi32, #tpu.memory_space<vmem>>) semaphore(%arg11 : memref<!tpu.dma_semaphore, #tpu.memory_space<semaphore_mem>>)
      %dma_wait3A = arith.constant 0 : i32
      %dma_wait3A_20 = tpu.memref_slice %arg7[%scan3A_14, %dma_wait3A] : memref<79x128xi32, #tpu.memory_space<vmem>> -> memref<1x128xi32, #tpu.memory_space<vmem>>
      %dma_wait3A_21 = tpu.memref_squeeze %dma_wait3A_20 : memref<1x128xi32, #tpu.memory_space<vmem>> -> memref<128xi32, #tpu.memory_space<vmem>>
      %dma_wait3A_22 = arith.constant 0 : i32
      %dma_wait3A_23 = arith.constant 0 : i32
      %dma_wait3A_24 = tpu.memref_slice %arg2[%dma_wait3A_22, %dma_wait3A_23] : memref<10112x128xf32, #tpu.memory_space<hbm>> -> memref<10112x128xf32, #tpu.memory_space<hbm>>
      tpu.wait_indirect_dma semaphore(%arg11 : memref<!tpu.dma_semaphore, #tpu.memory_space<semaphore_mem>>) src(%dma_wait3A_24 : memref<10112x128xf32, #tpu.memory_space<hbm>>) dst(%arg9 : memref<128x128xf32, #tpu.memory_space<vmem>>)
      "tpu.region"() ({
        %run_scoped3A = tpu.sem_alloc : memref<!tpu.dma_semaphore, #tpu.memory_space<semaphore_mem>>
        %dma_start3A_25 = arith.constant 0 : i32
        %dma_start3A_26 = tpu.memref_slice %arg8[%scan3A_14, %dma_start3A_25] : memref<79x128xi32, #tpu.memory_space<vmem>> -> memref<1x128xi32, #tpu.memory_space<vmem>>
        %dma_start3A_27 = tpu.memref_squeeze %dma_start3A_26 : memref<1x128xi32, #tpu.memory_space<vmem>> -> memref<128xi32, #tpu.memory_space<vmem>>
        %dma_start3A_28 = arith.constant 0 : i32
        %dma_start3A_29 = arith.constant 0 : i32
        %dma_start3A_30 = tpu.memref_slice %arg10[%dma_start3A_28, %dma_start3A_29] : memref<10000x128xf32, #tpu.memory_space<vmem_shared>> -> memref<10000x128xf32, #tpu.memory_space<vmem_shared>>
        tpu.enqueue_indirect_dma source(%arg9 : memref<128x128xf32, #tpu.memory_space<vmem>>) target(%dma_start3A_30 : memref<10000x128xf32, #tpu.memory_space<vmem_shared>>) offsets(%dma_start3A_27 : memref<128xi32, #tpu.memory_space<vmem>>) semaphore(%run_scoped3A : memref<!tpu.dma_semaphore, #tpu.memory_space<semaphore_mem>>) {add = true}
        %dma_wait3A_31 = arith.constant 0 : i32
        %dma_wait3A_32 = tpu.memref_slice %arg8[%scan3A_14, %dma_wait3A_31] : memref<79x128xi32, #tpu.memory_space<vmem>> -> memref<1x128xi32, #tpu.memory_space<vmem>>
        %dma_wait3A_33 = tpu.memref_squeeze %dma_wait3A_32 : memref<1x128xi32, #tpu.memory_space<vmem>> -> memref<128xi32, #tpu.memory_space<vmem>>
        %dma_wait3A_34 = arith.constant 0 : i32
        %dma_wait3A_35 = arith.constant 0 : i32
        %dma_wait3A_36 = tpu.memref_slice %arg10[%dma_wait3A_34, %dma_wait3A_35] : memref<10000x128xf32, #tpu.memory_space<vmem_shared>> -> memref<10000x128xf32, #tpu.memory_space<vmem_shared>>
        tpu.wait_indirect_dma semaphore(%run_scoped3A : memref<!tpu.dma_semaphore, #tpu.memory_space<semaphore_mem>>) src(%arg9 : memref<128x128xf32, #tpu.memory_space<vmem>>) dst(%dma_wait3A_36 : memref<10000x128xf32, #tpu.memory_space<vmem_shared>>)
        tpu.yield
      }) : () -> ()
    }
    %scan3A_7 = arith.constant 79 : i32
    %barrier3A_8 = arith.constant 0 : index
    tpu.barrier barrier_id(%barrier3A_8)
    %lt3A_9 = arith.constant 10 : i32
    %lt3A_10 = arith.cmpi slt, %arg1, %lt3A_9 : i32
    %convert_element_type3A_11 = arith.extui %lt3A_10 : i1 to i32
    %cond3A_12 = arith.constant 0 : i32
    %cond3A_13 = arith.cmpi ne, %convert_element_type3A_11, %cond3A_12 : i32
    scf.if %cond3A_13 {
      %mul3A_14 = arith.constant 1000 : i32
      %mul3A_15 = arith.muli %arg1, %mul3A_14 : i32
      "tpu.region"() ({
        %run_scoped3A = tpu.sem_alloc : memref<!tpu.dma_semaphore, #tpu.memory_space<semaphore_mem>>
        %dma_start3A = arith.constant 0 : i32
        %dma_start3A_16 = arith.constant 0 : i32
        %dma_start3A_17 = tpu.memref_slice %arg6[%arg0, %dma_start3A, %dma_start3A_16] : memref<2x10112x128xf32, #tpu.memory_space<hbm>> -> memref<1x10112x128xf32, #tpu.memory_space<hbm>>
        %dma_start3A_18 = tpu.memref_squeeze %dma_start3A_17 : memref<1x10112x128xf32, #tpu.memory_space<hbm>> -> memref<10112x128xf32, #tpu.memory_space<hbm>>
        %dma_start3A_19 = arith.constant 0 : i32
        %dma_start3A_20 = tpu.memref_slice %dma_start3A_18[%mul3A_15, %dma_start3A_19] : memref<10112x128xf32, #tpu.memory_space<hbm>> -> memref<1000x128xf32, #tpu.memory_space<hbm>>
        %dma_start3A_21 = arith.constant 0 : i32
        %dma_start3A_22 = tpu.memref_slice %arg10[%mul3A_15, %dma_start3A_21] : memref<10000x128xf32, #tpu.memory_space<vmem_shared>> -> memref<1000x128xf32, #tpu.memory_space<vmem_shared>>
        tpu.enqueue_dma source(%dma_start3A_22 : memref<1000x128xf32, #tpu.memory_space<vmem_shared>>) target(%dma_start3A_20 : memref<1000x128xf32, #tpu.memory_space<hbm>>) target_semaphore(%run_scoped3A : memref<!tpu.dma_semaphore, #tpu.memory_space<semaphore_mem>>)
        %dma_wait3A = arith.constant 0 : i32
        %dma_wait3A_23 = arith.constant 0 : i32
        %dma_wait3A_24 = tpu.memref_slice %arg6[%arg0, %dma_wait3A, %dma_wait3A_23] : memref<2x10112x128xf32, #tpu.memory_space<hbm>> -> memref<1x10112x128xf32, #tpu.memory_space<hbm>>
        %dma_wait3A_25 = tpu.memref_squeeze %dma_wait3A_24 : memref<1x10112x128xf32, #tpu.memory_space<hbm>> -> memref<10112x128xf32, #tpu.memory_space<hbm>>
        %dma_wait3A_26 = arith.constant 0 : i32
        %dma_wait3A_27 = tpu.memref_slice %dma_wait3A_25[%mul3A_15, %dma_wait3A_26] : memref<10112x128xf32, #tpu.memory_space<hbm>> -> memref<1000x128xf32, #tpu.memory_space<hbm>>
        %dma_wait3A_28 = arith.constant 0 : i32
        %dma_wait3A_29 = tpu.memref_slice %arg10[%mul3A_15, %dma_wait3A_28] : memref<10000x128xf32, #tpu.memory_space<vmem_shared>> -> memref<1000x128xf32, #tpu.memory_space<vmem_shared>>
        tpu.wait_dma2 semaphore(%run_scoped3A : memref<!tpu.dma_semaphore, #tpu.memory_space<semaphore_mem>>) src(%dma_wait3A_29 : memref<1000x128xf32, #tpu.memory_space<vmem_shared>>) dst(%dma_wait3A_27 : memref<1000x128xf32, #tpu.memory_space<hbm>>)
        tpu.yield
      }) : () -> ()
    } else {
    }
    return
  }
}

module attributes {stable_mosaic.version = 14 : i64} {
  func.func @_mm_body(%arg0: i32, %arg1: memref<128x128xf32, #tpu.memory_space<vmem>>, %arg2: memref<128x128xf32, #tpu.memory_space<vmem>>, %arg3: memref<128x128xf32, #tpu.memory_space<vmem>>) attributes {dimension_semantics = [#tpu.dimension_semantics<arbitrary>], iteration_bounds = array<i64: 79>, scalar_prefetch = 0 : i64, scratch_operands = 0 : i64, tpu.core_type = #tpu.core_type<tc>, window_params = [{transform_indices = @transform_0, window_bounds = array<i64: 128, 128>}, {pipeline_mode = #tpu.pipeline_mode<synchronous>, transform_indices = @transform_1, window_bounds = array<i64: 128, 128>}, {transform_indices = @transform_2, window_bounds = array<i64: 128, 128>}]} {
    %get3A = arith.constant 0 : index
    %get3A_0 = arith.constant 0 : index
    %get3A_1 = vector.load %arg1[%get3A, %get3A_0] : memref<128x128xf32, #tpu.memory_space<vmem>>, vector<128x128xf32>
    %get3A_2 = arith.constant 0 : index
    %get3A_3 = arith.constant 0 : index
    %get3A_4 = vector.load %arg2[%get3A_2, %get3A_3] : memref<128x128xf32, #tpu.memory_space<vmem>>, vector<128x128xf32>
    %dot_general3A = arith.constant dense<0.000000e+00> : vector<128x128xf32>
    %dot_general3A_5 = tpu.matmul %get3A_1, %get3A_4, %dot_general3A {dimension_numbers = #tpu.dot_dimension_numbers<[1], [0], [0], [1], [0, 0, 1, 1], [], []>, transpose_lhs_hint = false} : vector<128x128xf32>, vector<128x128xf32>, vector<128x128xf32> -> vector<128x128xf32>
    %swap3A = arith.constant 0 : index
    %swap3A_6 = arith.constant 0 : index
    %swap3A_7 = vector.load %arg3[%swap3A, %swap3A_6] : memref<128x128xf32, #tpu.memory_space<vmem>>, vector<128x128xf32>
    tpu.vector_store %arg3[%swap3A, %swap3A_6], %dot_general3A_5 {strides = array<i32>} : memref<128x128xf32, #tpu.memory_space<vmem>>, vector<128x128xf32>,
    return
  }
  func.func @transform_0(%arg0: i32) -> (i32, i32) {
    %c0_i32 = arith.constant 0 : i32
    %c0_i32_0 = arith.constant 0 : i32
    return %arg0, %c0_i32 : i32, i32
  }
  func.func @transform_1(%arg0: i32) -> (i32, i32) {
    %c0_i32 = arith.constant 0 : i32
    %c0_i32_0 = arith.constant 0 : i32
    %c0_i32_1 = arith.constant 0 : i32
    return %c0_i32, %c0_i32_0 : i32, i32
  }
  func.func @transform_2(%arg0: i32) -> (i32, i32) {
    %c0_i32 = arith.constant 0 : i32
    %c0_i32_0 = arith.constant 0 : i32
    return %arg0, %c0_i32 : i32, i32
  }
}

module attributes {stable_mosaic.version = 14 : i64} {
  func.func @_gru_body(%arg0: i32, %arg1: memref<2x128x128xf32, #tpu.memory_space<vmem>>, %arg2: memref<128x128xf32, #tpu.memory_space<vmem>>, %arg3: memref<384x128xf32, #tpu.memory_space<vmem>>, %arg4: memref<384x128xf32, #tpu.memory_space<vmem>>, %arg5: memref<1x384xf32, #tpu.memory_space<vmem>>, %arg6: memref<1x384xf32, #tpu.memory_space<vmem>>, %arg7: memref<128x128xf32, #tpu.memory_space<vmem>>, %arg8: memref<128x128xf32, #tpu.memory_space<vmem>>, %arg9: memref<128x128xf32, #tpu.memory_space<vmem>>) attributes {dimension_semantics = [#tpu.dimension_semantics<arbitrary>], iteration_bounds = array<i64: 79>, scalar_prefetch = 0 : i64, scratch_operands = 0 : i64, tpu.core_type = #tpu.core_type<tc>, window_params = [{transform_indices = @transform_0, window_bounds = array<i64: 2, 128, 128>}, {transform_indices = @transform_1, window_bounds = array<i64: 128, 128>}, {pipeline_mode = #tpu.pipeline_mode<synchronous>, transform_indices = @transform_2, window_bounds = array<i64: 384, 128>}, {pipeline_mode = #tpu.pipeline_mode<synchronous>, transform_indices = @transform_3, window_bounds = array<i64: 384, 128>}, {pipeline_mode = #tpu.pipeline_mode<synchronous>, transform_indices = @transform_4, window_bounds = array<i64: 1, 384>}, {pipeline_mode = #tpu.pipeline_mode<synchronous>, transform_indices = @transform_5, window_bounds = array<i64: 1, 384>}, {pipeline_mode = #tpu.pipeline_mode<synchronous>, transform_indices = @transform_6, window_bounds = array<i64: 128, 128>}, {transform_indices = @transform_7, window_bounds = array<i64: 128, 128>}, {transform_indices = @transform_8, window_bounds = array<i64: 128, 128>}]} {
    %get3A = arith.constant 0 : index
    %get3A_0 = arith.constant 0 : index
    %get3A_1 = arith.constant 0 : index
    %get3A_2 = vector.load %arg1[%get3A, %get3A_0, %get3A_1] : memref<2x128x128xf32, #tpu.memory_space<vmem>>, vector<1x128x128xf32>
    %get3A_3 = vector.shape_cast %get3A_2 : vector<1x128x128xf32> to vector<128x128xf32>
    %get3A_4 = arith.constant 1 : index
    %get3A_5 = arith.constant 0 : index
    %get3A_6 = arith.constant 0 : index
    %get3A_7 = vector.load %arg1[%get3A_4, %get3A_5, %get3A_6] : memref<2x128x128xf32, #tpu.memory_space<vmem>>, vector<1x128x128xf32>
    %get3A_8 = vector.shape_cast %get3A_7 : vector<1x128x128xf32> to vector<128x128xf32>
    %add3A = arith.addf %get3A_3, %get3A_8 : vector<128x128xf32>
    %get3A_9 = arith.constant 0 : index
    %get3A_10 = arith.constant 0 : index
    %get3A_11 = vector.load %arg2[%get3A_9, %get3A_10] : memref<128x128xf32, #tpu.memory_space<vmem>>, vector<128x128xf32>
    %get3A_12 = arith.constant 0 : index
    %get3A_13 = arith.constant 0 : index
    %get3A_14 = vector.load %arg3[%get3A_12, %get3A_13] : memref<384x128xf32, #tpu.memory_space<vmem>>, vector<384x128xf32>
    %dot_general3A = arith.constant dense<0.000000e+00> : vector<128x384xf32>
    %dot_general3A_15 = tpu.matmul %add3A, %get3A_14, %dot_general3A {dimension_numbers = #tpu.dot_dimension_numbers<[1], [1], [0], [0], [0, 0, 1, 0], [], []>, transpose_lhs_hint = false} : vector<128x128xf32>, vector<384x128xf32>, vector<128x384xf32> -> vector<128x384xf32>
    %get3A_16 = arith.constant 0 : index
    %get3A_17 = arith.constant 0 : index
    %get3A_18 = vector.load %arg5[%get3A_16, %get3A_17] : memref<1x384xf32, #tpu.memory_space<vmem>>, vector<1x384xf32>
    %add3A_19 = vector.broadcast %get3A_18 : vector<1x384xf32> to vector<128x384xf32>
    %add3A_20 = arith.addf %dot_general3A_15, %add3A_19 : vector<128x384xf32>
    %get3A_21 = arith.constant 0 : index
    %get3A_22 = arith.constant 0 : index
    %get3A_23 = vector.load %arg4[%get3A_21, %get3A_22] : memref<384x128xf32, #tpu.memory_space<vmem>>, vector<384x128xf32>
    %dot_general3A_24 = arith.constant dense<0.000000e+00> : vector<128x384xf32>
    %dot_general3A_25 = tpu.matmul %get3A_11, %get3A_23, %dot_general3A_24 {dimension_numbers = #tpu.dot_dimension_numbers<[1], [1], [0], [0], [0, 0, 1, 0], [], []>, transpose_lhs_hint = false} : vector<128x128xf32>, vector<384x128xf32>, vector<128x384xf32> -> vector<128x384xf32>
    %get3A_26 = arith.constant 0 : index
    %get3A_27 = arith.constant 0 : index
    %get3A_28 = vector.load %arg6[%get3A_26, %get3A_27] : memref<1x384xf32, #tpu.memory_space<vmem>>, vector<1x384xf32>
    %add3A_29 = vector.broadcast %get3A_28 : vector<1x384xf32> to vector<128x384xf32>
    %add3A_30 = arith.addf %dot_general3A_25, %add3A_29 : vector<128x384xf32>
    %slice3A = vector.extract_strided_slice %add3A_20 {offsets = [0, 0], sizes = [128, 128], strides = [1, 1]} : vector<128x384xf32> to vector<128x128xf32>
    %slice3A_31 = vector.extract_strided_slice %add3A_30 {offsets = [0, 0], sizes = [128, 128], strides = [1, 1]} : vector<128x384xf32> to vector<128x128xf32>
    %add3A_32 = arith.addf %slice3A, %slice3A_31 : vector<128x128xf32>
    %logistic3A = arith.negf %add3A_32 : vector<128x128xf32>
    %logistic3A_33 = math.exp %logistic3A : vector<128x128xf32>
    %logistic3A_34 = arith.constant 1.000000e+00 : f32
    %logistic3A_35 = vector.broadcast %logistic3A_34 : f32 to vector<128x128xf32>
    %logistic3A_36 = arith.addf %logistic3A_35, %logistic3A_33 : vector<128x128xf32>
    %logistic3A_37 = arith.divf %logistic3A_35, %logistic3A_36 : vector<128x128xf32>
    %slice3A_38 = vector.extract_strided_slice %add3A_20 {offsets = [0, 128], sizes = [128, 128], strides = [1, 1]} : vector<128x384xf32> to vector<128x128xf32>
    %slice3A_39 = vector.extract_strided_slice %add3A_30 {offsets = [0, 128], sizes = [128, 128], strides = [1, 1]} : vector<128x384xf32> to vector<128x128xf32>
    %add3A_40 = arith.addf %slice3A_38, %slice3A_39 : vector<128x128xf32>
    %logistic3A_41 = arith.negf %add3A_40 : vector<128x128xf32>
    %logistic3A_42 = math.exp %logistic3A_41 : vector<128x128xf32>
    %logistic3A_43 = arith.constant 1.000000e+00 : f32
    %logistic3A_44 = vector.broadcast %logistic3A_43 : f32 to vector<128x128xf32>
    %logistic3A_45 = arith.addf %logistic3A_44, %logistic3A_42 : vector<128x128xf32>
    %logistic3A_46 = arith.divf %logistic3A_44, %logistic3A_45 : vector<128x128xf32>
    %slice3A_47 = vector.extract_strided_slice %add3A_20 {offsets = [0, 256], sizes = [128, 128], strides = [1, 1]} : vector<128x384xf32> to vector<128x128xf32>
    %slice3A_48 = vector.extract_strided_slice %add3A_30 {offsets = [0, 256], sizes = [128, 128], strides = [1, 1]} : vector<128x384xf32> to vector<128x128xf32>
    %mul3A = arith.mulf %logistic3A_37, %slice3A_48 : vector<128x128xf32>
    %add3A_49 = arith.addf %slice3A_47, %mul3A : vector<128x128xf32>
    %tanh3A = math.tanh %add3A_49 : vector<128x128xf32>
    %sub3A = arith.constant 1.000000e+00 : f32
    %sub3A_50 = vector.broadcast %sub3A : f32 to vector<128x128xf32>
    %sub3A_51 = arith.subf %sub3A_50, %logistic3A_46 : vector<128x128xf32>
    %mul3A_52 = arith.mulf %sub3A_51, %tanh3A : vector<128x128xf32>
    %mul3A_53 = arith.mulf %logistic3A_46, %get3A_11 : vector<128x128xf32>
    %add3A_54 = arith.addf %mul3A_52, %mul3A_53 : vector<128x128xf32>
    %mul3A_55 = arith.constant 128 : i32
    %mul3A_56 = arith.muli %arg0, %mul3A_55 : i32
    %iota3A = tpu.iota {dimensions = array<i32: 0>} : vector<128x1xi32>
    %add3A_57 = vector.broadcast %mul3A_56 : i32 to vector<128x1xi32>
    %add3A_58 = arith.addi %add3A_57, %iota3A : vector<128x1xi32>
    %lt3A = arith.constant 10000 : i32
    %lt3A_59 = vector.broadcast %lt3A : i32 to vector<128x1xi32>
    %lt3A_60 = arith.cmpi slt, %add3A_58, %lt3A_59 : vector<128x1xi32>
    %jit3A = arith.constant 0.000000e+00 : f32
    %broadcast_in_dim3A = vector.shape_cast %lt3A_60 : vector<128x1xi1> to vector<128x1xi1>
    %broadcast_in_dim3A_61 = vector.broadcast %broadcast_in_dim3A : vector<128x1xi1> to vector<128x128xi1>
    %broadcast_in_dim3A_62 = vector.broadcast %jit3A : f32 to vector<128x128xf32>
    %select_n3A = arith.select %broadcast_in_dim3A_61, %add3A_54, %broadcast_in_dim3A_62 : vector<128x128xi1>, vector<128x128xf32>
    %swap3A = arith.constant 0 : index
    %swap3A_63 = arith.constant 0 : index
    %swap3A_64 = vector.load %arg8[%swap3A, %swap3A_63] : memref<128x128xf32, #tpu.memory_space<vmem>>, vector<128x128xf32>
    tpu.vector_store %arg8[%swap3A, %swap3A_63], %select_n3A {strides = array<i32>} : memref<128x128xf32, #tpu.memory_space<vmem>>, vector<128x128xf32>,
    %get3A_65 = arith.constant 0 : index
    %get3A_66 = arith.constant 0 : index
    %get3A_67 = vector.load %arg7[%get3A_65, %get3A_66] : memref<128x128xf32, #tpu.memory_space<vmem>>, vector<128x128xf32>
    %dot_general3A_68 = arith.constant dense<0.000000e+00> : vector<128x128xf32>
    %dot_general3A_69 = tpu.matmul %select_n3A, %get3A_67, %dot_general3A_68 {dimension_numbers = #tpu.dot_dimension_numbers<[1], [0], [0], [1], [0, 0, 1, 1], [], []>, transpose_lhs_hint = false} : vector<128x128xf32>, vector<128x128xf32>, vector<128x128xf32> -> vector<128x128xf32>
    %swap3A_70 = arith.constant 0 : index
    %swap3A_71 = arith.constant 0 : index
    %swap3A_72 = vector.load %arg9[%swap3A_70, %swap3A_71] : memref<128x128xf32, #tpu.memory_space<vmem>>, vector<128x128xf32>
    tpu.vector_store %arg9[%swap3A_70, %swap3A_71], %dot_general3A_69 {strides = array<i32>} : memref<128x128xf32, #tpu.memory_space<vmem>>, vector<128x128xf32>,
    return
  }
  func.func @transform_0(%arg0: i32) -> (i32, i32, i32) {
    %c0_i32 = arith.constant 0 : i32
    %c0_i32_0 = arith.constant 0 : i32
    %c0_i32_1 = arith.constant 0 : i32
    return %c0_i32, %arg0, %c0_i32_0 : i32, i32, i32
  }
  func.func @transform_1(%arg0: i32) -> (i32, i32) {
    %c0_i32 = arith.constant 0 : i32
    %c0_i32_0 = arith.constant 0 : i32
    return %arg0, %c0_i32 : i32, i32
  }
  func.func @transform_2(%arg0: i32) -> (i32, i32) {
    %c0_i32 = arith.constant 0 : i32
    %c0_i32_0 = arith.constant 0 : i32
    %c0_i32_1 = arith.constant 0 : i32
    return %c0_i32, %c0_i32_0 : i32, i32
  }
  func.func @transform_3(%arg0: i32) -> (i32, i32) {
    %c0_i32 = arith.constant 0 : i32
    %c0_i32_0 = arith.constant 0 : i32
    %c0_i32_1 = arith.constant 0 : i32
    return %c0_i32, %c0_i32_0 : i32, i32
  }
  func.func @transform_4(%arg0: i32) -> (i32, i32) {
    %c0_i32 = arith.constant 0 : i32
    %c0_i32_0 = arith.constant 0 : i32
    %c0_i32_1 = arith.constant 0 : i32
    return %c0_i32, %c0_i32_0 : i32, i32
  }
  func.func @transform_5(%arg0: i32) -> (i32, i32) {
    %c0_i32 = arith.constant 0 : i32
    %c0_i32_0 = arith.constant 0 : i32
    %c0_i32_1 = arith.constant 0 : i32
    return %c0_i32, %c0_i32_0 : i32, i32
  }
  func.func @transform_6(%arg0: i32) -> (i32, i32) {
    %c0_i32 = arith.constant 0 : i32
    %c0_i32_0 = arith.constant 0 : i32
    %c0_i32_1 = arith.constant 0 : i32
    return %c0_i32, %c0_i32_0 : i32, i32
  }
  func.func @transform_7(%arg0: i32) -> (i32, i32) {
    %c0_i32 = arith.constant 0 : i32
    %c0_i32_0 = arith.constant 0 : i32
    return %arg0, %c0_i32 : i32, i32
  }
  func.func @transform_8(%arg0: i32) -> (i32, i32) {
    %c0_i32 = arith.constant 0 : i32
    %c0_i32_0 = arith.constant 0 : i32
    return %arg0, %c0_i32 : i32, i32
  }
}

module attributes {stable_mosaic.version = 14 : i64} {
  func.func @_gru_body(%arg0: i32, %arg1: memref<2x128x128xf32, #tpu.memory_space<vmem>>, %arg2: memref<128x128xf32, #tpu.memory_space<vmem>>, %arg3: memref<384x128xf32, #tpu.memory_space<vmem>>, %arg4: memref<384x128xf32, #tpu.memory_space<vmem>>, %arg5: memref<1x384xf32, #tpu.memory_space<vmem>>, %arg6: memref<1x384xf32, #tpu.memory_space<vmem>>, %arg7: memref<128x128xf32, #tpu.memory_space<vmem>>, %arg8: memref<128x128xf32, #tpu.memory_space<vmem>>, %arg9: memref<128x128xf32, #tpu.memory_space<vmem>>) attributes {dimension_semantics = [#tpu.dimension_semantics<arbitrary>], iteration_bounds = array<i64: 79>, scalar_prefetch = 0 : i64, scratch_operands = 0 : i64, tpu.core_type = #tpu.core_type<tc>, window_params = [{transform_indices = @transform_0, window_bounds = array<i64: 2, 128, 128>}, {transform_indices = @transform_1, window_bounds = array<i64: 128, 128>}, {pipeline_mode = #tpu.pipeline_mode<synchronous>, transform_indices = @transform_2, window_bounds = array<i64: 384, 128>}, {pipeline_mode = #tpu.pipeline_mode<synchronous>, transform_indices = @transform_3, window_bounds = array<i64: 384, 128>}, {pipeline_mode = #tpu.pipeline_mode<synchronous>, transform_indices = @transform_4, window_bounds = array<i64: 1, 384>}, {pipeline_mode = #tpu.pipeline_mode<synchronous>, transform_indices = @transform_5, window_bounds = array<i64: 1, 384>}, {pipeline_mode = #tpu.pipeline_mode<synchronous>, transform_indices = @transform_6, window_bounds = array<i64: 128, 128>}, {transform_indices = @transform_7, window_bounds = array<i64: 128, 128>}, {transform_indices = @transform_8, window_bounds = array<i64: 128, 128>}]} {
    %get3A = arith.constant 0 : index
    %get3A_0 = arith.constant 0 : index
    %get3A_1 = arith.constant 0 : index
    %get3A_2 = vector.load %arg1[%get3A, %get3A_0, %get3A_1] : memref<2x128x128xf32, #tpu.memory_space<vmem>>, vector<1x128x128xf32>
    %get3A_3 = vector.shape_cast %get3A_2 : vector<1x128x128xf32> to vector<128x128xf32>
    %get3A_4 = arith.constant 1 : index
    %get3A_5 = arith.constant 0 : index
    %get3A_6 = arith.constant 0 : index
    %get3A_7 = vector.load %arg1[%get3A_4, %get3A_5, %get3A_6] : memref<2x128x128xf32, #tpu.memory_space<vmem>>, vector<1x128x128xf32>
    %get3A_8 = vector.shape_cast %get3A_7 : vector<1x128x128xf32> to vector<128x128xf32>
    %add3A = arith.addf %get3A_3, %get3A_8 : vector<128x128xf32>
    %get3A_9 = arith.constant 0 : index
    %get3A_10 = arith.constant 0 : index
    %get3A_11 = vector.load %arg2[%get3A_9, %get3A_10] : memref<128x128xf32, #tpu.memory_space<vmem>>, vector<128x128xf32>
    %get3A_12 = arith.constant 0 : index
    %get3A_13 = arith.constant 0 : index
    %get3A_14 = vector.load %arg3[%get3A_12, %get3A_13] : memref<384x128xf32, #tpu.memory_space<vmem>>, vector<384x128xf32>
    %dot_general3A = arith.constant dense<0.000000e+00> : vector<128x384xf32>
    %dot_general3A_15 = tpu.matmul %add3A, %get3A_14, %dot_general3A {dimension_numbers = #tpu.dot_dimension_numbers<[1], [1], [0], [0], [0, 0, 1, 0], [], []>, transpose_lhs_hint = false} : vector<128x128xf32>, vector<384x128xf32>, vector<128x384xf32> -> vector<128x384xf32>
    %get3A_16 = arith.constant 0 : index
    %get3A_17 = arith.constant 0 : index
    %get3A_18 = vector.load %arg5[%get3A_16, %get3A_17] : memref<1x384xf32, #tpu.memory_space<vmem>>, vector<1x384xf32>
    %add3A_19 = vector.broadcast %get3A_18 : vector<1x384xf32> to vector<128x384xf32>
    %add3A_20 = arith.addf %dot_general3A_15, %add3A_19 : vector<128x384xf32>
    %get3A_21 = arith.constant 0 : index
    %get3A_22 = arith.constant 0 : index
    %get3A_23 = vector.load %arg4[%get3A_21, %get3A_22] : memref<384x128xf32, #tpu.memory_space<vmem>>, vector<384x128xf32>
    %dot_general3A_24 = arith.constant dense<0.000000e+00> : vector<128x384xf32>
    %dot_general3A_25 = tpu.matmul %get3A_11, %get3A_23, %dot_general3A_24 {dimension_numbers = #tpu.dot_dimension_numbers<[1], [1], [0], [0], [0, 0, 1, 0], [], []>, transpose_lhs_hint = false} : vector<128x128xf32>, vector<384x128xf32>, vector<128x384xf32> -> vector<128x384xf32>
    %get3A_26 = arith.constant 0 : index
    %get3A_27 = arith.constant 0 : index
    %get3A_28 = vector.load %arg6[%get3A_26, %get3A_27] : memref<1x384xf32, #tpu.memory_space<vmem>>, vector<1x384xf32>
    %add3A_29 = vector.broadcast %get3A_28 : vector<1x384xf32> to vector<128x384xf32>
    %add3A_30 = arith.addf %dot_general3A_25, %add3A_29 : vector<128x384xf32>
    %slice3A = vector.extract_strided_slice %add3A_20 {offsets = [0, 0], sizes = [128, 128], strides = [1, 1]} : vector<128x384xf32> to vector<128x128xf32>
    %slice3A_31 = vector.extract_strided_slice %add3A_30 {offsets = [0, 0], sizes = [128, 128], strides = [1, 1]} : vector<128x384xf32> to vector<128x128xf32>
    %add3A_32 = arith.addf %slice3A, %slice3A_31 : vector<128x128xf32>
    %logistic3A = arith.negf %add3A_32 : vector<128x128xf32>
    %logistic3A_33 = math.exp %logistic3A : vector<128x128xf32>
    %logistic3A_34 = arith.constant 1.000000e+00 : f32
    %logistic3A_35 = vector.broadcast %logistic3A_34 : f32 to vector<128x128xf32>
    %logistic3A_36 = arith.addf %logistic3A_35, %logistic3A_33 : vector<128x128xf32>
    %logistic3A_37 = arith.divf %logistic3A_35, %logistic3A_36 : vector<128x128xf32>
    %slice3A_38 = vector.extract_strided_slice %add3A_20 {offsets = [0, 128], sizes = [128, 128], strides = [1, 1]} : vector<128x384xf32> to vector<128x128xf32>
    %slice3A_39 = vector.extract_strided_slice %add3A_30 {offsets = [0, 128], sizes = [128, 128], strides = [1, 1]} : vector<128x384xf32> to vector<128x128xf32>
    %add3A_40 = arith.addf %slice3A_38, %slice3A_39 : vector<128x128xf32>
    %logistic3A_41 = arith.negf %add3A_40 : vector<128x128xf32>
    %logistic3A_42 = math.exp %logistic3A_41 : vector<128x128xf32>
    %logistic3A_43 = arith.constant 1.000000e+00 : f32
    %logistic3A_44 = vector.broadcast %logistic3A_43 : f32 to vector<128x128xf32>
    %logistic3A_45 = arith.addf %logistic3A_44, %logistic3A_42 : vector<128x128xf32>
    %logistic3A_46 = arith.divf %logistic3A_44, %logistic3A_45 : vector<128x128xf32>
    %slice3A_47 = vector.extract_strided_slice %add3A_20 {offsets = [0, 256], sizes = [128, 128], strides = [1, 1]} : vector<128x384xf32> to vector<128x128xf32>
    %slice3A_48 = vector.extract_strided_slice %add3A_30 {offsets = [0, 256], sizes = [128, 128], strides = [1, 1]} : vector<128x384xf32> to vector<128x128xf32>
    %mul3A = arith.mulf %logistic3A_37, %slice3A_48 : vector<128x128xf32>
    %add3A_49 = arith.addf %slice3A_47, %mul3A : vector<128x128xf32>
    %tanh3A = math.tanh %add3A_49 : vector<128x128xf32>
    %sub3A = arith.constant 1.000000e+00 : f32
    %sub3A_50 = vector.broadcast %sub3A : f32 to vector<128x128xf32>
    %sub3A_51 = arith.subf %sub3A_50, %logistic3A_46 : vector<128x128xf32>
    %mul3A_52 = arith.mulf %sub3A_51, %tanh3A : vector<128x128xf32>
    %mul3A_53 = arith.mulf %logistic3A_46, %get3A_11 : vector<128x128xf32>
    %add3A_54 = arith.addf %mul3A_52, %mul3A_53 : vector<128x128xf32>
    %mul3A_55 = arith.constant 128 : i32
    %mul3A_56 = arith.muli %arg0, %mul3A_55 : i32
    %iota3A = tpu.iota {dimensions = array<i32: 0>} : vector<128x1xi32>
    %add3A_57 = vector.broadcast %mul3A_56 : i32 to vector<128x1xi32>
    %add3A_58 = arith.addi %add3A_57, %iota3A : vector<128x1xi32>
    %lt3A = arith.constant 10000 : i32
    %lt3A_59 = vector.broadcast %lt3A : i32 to vector<128x1xi32>
    %lt3A_60 = arith.cmpi slt, %add3A_58, %lt3A_59 : vector<128x1xi32>
    %jit3A = arith.constant 0.000000e+00 : f32
    %broadcast_in_dim3A = vector.shape_cast %lt3A_60 : vector<128x1xi1> to vector<128x1xi1>
    %broadcast_in_dim3A_61 = vector.broadcast %broadcast_in_dim3A : vector<128x1xi1> to vector<128x128xi1>
    %broadcast_in_dim3A_62 = vector.broadcast %jit3A : f32 to vector<128x128xf32>
    %select_n3A = arith.select %broadcast_in_dim3A_61, %add3A_54, %broadcast_in_dim3A_62 : vector<128x128xi1>, vector<128x128xf32>
    %swap3A = arith.constant 0 : index
    %swap3A_63 = arith.constant 0 : index
    %swap3A_64 = vector.load %arg8[%swap3A, %swap3A_63] : memref<128x128xf32, #tpu.memory_space<vmem>>, vector<128x128xf32>
    tpu.vector_store %arg8[%swap3A, %swap3A_63], %select_n3A {strides = array<i32>} : memref<128x128xf32, #tpu.memory_space<vmem>>, vector<128x128xf32>,
    %get3A_65 = arith.constant 0 : index
    %get3A_66 = arith.constant 0 : index
    %get3A_67 = vector.load %arg7[%get3A_65, %get3A_66] : memref<128x128xf32, #tpu.memory_space<vmem>>, vector<128x128xf32>
    %dot_general3A_68 = arith.constant dense<0.000000e+00> : vector<128x128xf32>
    %dot_general3A_69 = tpu.matmul %select_n3A, %get3A_67, %dot_general3A_68 {dimension_numbers = #tpu.dot_dimension_numbers<[1], [0], [0], [1], [0, 0, 1, 1], [], []>, transpose_lhs_hint = false} : vector<128x128xf32>, vector<128x128xf32>, vector<128x128xf32> -> vector<128x128xf32>
    %swap3A_70 = arith.constant 0 : index
    %swap3A_71 = arith.constant 0 : index
    %swap3A_72 = vector.load %arg9[%swap3A_70, %swap3A_71] : memref<128x128xf32, #tpu.memory_space<vmem>>, vector<128x128xf32>
    tpu.vector_store %arg9[%swap3A_70, %swap3A_71], %dot_general3A_69 {strides = array<i32>} : memref<128x128xf32, #tpu.memory_space<vmem>>, vector<128x128xf32>,
    return
  }
  func.func @transform_0(%arg0: i32) -> (i32, i32, i32) {
    %c0_i32 = arith.constant 0 : i32
    %c0_i32_0 = arith.constant 0 : i32
    %c0_i32_1 = arith.constant 0 : i32
    return %c0_i32, %arg0, %c0_i32_0 : i32, i32, i32
  }
  func.func @transform_1(%arg0: i32) -> (i32, i32) {
    %c0_i32 = arith.constant 0 : i32
    %c0_i32_0 = arith.constant 0 : i32
    return %arg0, %c0_i32 : i32, i32
  }
  func.func @transform_2(%arg0: i32) -> (i32, i32) {
    %c0_i32 = arith.constant 0 : i32
    %c0_i32_0 = arith.constant 0 : i32
    %c0_i32_1 = arith.constant 0 : i32
    return %c0_i32, %c0_i32_0 : i32, i32
  }
  func.func @transform_3(%arg0: i32) -> (i32, i32) {
    %c0_i32 = arith.constant 0 : i32
    %c0_i32_0 = arith.constant 0 : i32
    %c0_i32_1 = arith.constant 0 : i32
    return %c0_i32, %c0_i32_0 : i32, i32
  }
  func.func @transform_4(%arg0: i32) -> (i32, i32) {
    %c0_i32 = arith.constant 0 : i32
    %c0_i32_0 = arith.constant 0 : i32
    %c0_i32_1 = arith.constant 0 : i32
    return %c0_i32, %c0_i32_0 : i32, i32
  }
  func.func @transform_5(%arg0: i32) -> (i32, i32) {
    %c0_i32 = arith.constant 0 : i32
    %c0_i32_0 = arith.constant 0 : i32
    %c0_i32_1 = arith.constant 0 : i32
    return %c0_i32, %c0_i32_0 : i32, i32
  }
  func.func @transform_6(%arg0: i32) -> (i32, i32) {
    %c0_i32 = arith.constant 0 : i32
    %c0_i32_0 = arith.constant 0 : i32
    %c0_i32_1 = arith.constant 0 : i32
    return %c0_i32, %c0_i32_0 : i32, i32
  }
  func.func @transform_7(%arg0: i32) -> (i32, i32) {
    %c0_i32 = arith.constant 0 : i32
    %c0_i32_0 = arith.constant 0 : i32
    return %arg0, %c0_i32 : i32, i32
  }
  func.func @transform_8(%arg0: i32) -> (i32, i32) {
    %c0_i32 = arith.constant 0 : i32
    %c0_i32_0 = arith.constant 0 : i32
    return %arg0, %c0_i32 : i32, i32
  }
}

module attributes {stable_mosaic.version = 14 : i64} {
  func.func @_pool_body(%arg0: i32, %arg1: memref<1x1x128xi32, #tpu.memory_space<vmem>>, %arg2: memref<128x128xf32, #tpu.memory_space<vmem>>, %arg3: memref<128x128xf32, #tpu.memory_space<vmem>>, %arg4: memref<1x128xf32, #tpu.memory_space<vmem>>, %arg5: memref<128x128xf32, #tpu.memory_space<vmem>>, %arg6: memref<1x128xf32, #tpu.memory_space<vmem>>, %arg7: memref<256x128xf32, #tpu.memory_space<vmem>>, %arg8: memref<256x128xf32, #tpu.memory_space<vmem>>, %arg9: memref<256x1xf32, #tpu.memory_space<vmem>>) attributes {dimension_semantics = [#tpu.dimension_semantics<arbitrary>], iteration_bounds = array<i64: 79>, scalar_prefetch = 0 : i64, scratch_operands = 2 : i64, tpu.core_type = #tpu.core_type<tc>, window_params = [{transform_indices = @transform_0, window_bounds = array<i64: 1, 1, 128>}, {transform_indices = @transform_1, window_bounds = array<i64: 128, 128>}, {pipeline_mode = #tpu.pipeline_mode<synchronous>, transform_indices = @transform_2, window_bounds = array<i64: 128, 128>}, {pipeline_mode = #tpu.pipeline_mode<synchronous>, transform_indices = @transform_3, window_bounds = array<i64: 1, 128>}, {pipeline_mode = #tpu.pipeline_mode<synchronous>, transform_indices = @transform_4, window_bounds = array<i64: 128, 128>}, {pipeline_mode = #tpu.pipeline_mode<synchronous>, transform_indices = @transform_5, window_bounds = array<i64: 1, 128>}, {pipeline_mode = #tpu.pipeline_mode<synchronous>, transform_indices = @transform_6, window_bounds = array<i64: 256, 128>}]} {
    %eq3A = arith.constant 0 : i32
    %eq3A_0 = arith.cmpi eq, %arg0, %eq3A : i32
    %convert_element_type3A = arith.extui %eq3A_0 : i1 to i32
    %cond3A = arith.constant 0 : i32
    %cond3A_1 = arith.cmpi ne, %convert_element_type3A, %cond3A : i32
    scf.if %cond3A_1 {
      %broadcast_in_dim3A_33 = arith.constant 0.000000e+00 : f32
      %broadcast_in_dim3A_34 = vector.broadcast %broadcast_in_dim3A_33 : f32 to vector<256x128xf32>
      %swap3A_35 = arith.constant 0 : index
      %swap3A_36 = arith.constant 0 : index
      %swap3A_37 = vector.load %arg8[%swap3A_35, %swap3A_36] : memref<256x128xf32, #tpu.memory_space<vmem>>, vector<256x128xf32>
      tpu.vector_store %arg8[%swap3A_35, %swap3A_36], %broadcast_in_dim3A_34 {strides = array<i32>} : memref<256x128xf32, #tpu.memory_space<vmem>>, vector<256x128xf32>,
      %broadcast_in_dim3A_38 = arith.constant 0.000000e+00 : f32
      %broadcast_in_dim3A_39 = vector.broadcast %broadcast_in_dim3A_38 : f32 to vector<256x1xf32>
      %swap3A_40 = arith.constant 0 : index
      %swap3A_41 = arith.constant 0 : index
      %swap3A_42 = vector.load %arg9[%swap3A_40, %swap3A_41] : memref<256x1xf32, #tpu.memory_space<vmem>>, vector<256x1xf32>
      tpu.vector_store %arg9[%swap3A_40, %swap3A_41], %broadcast_in_dim3A_39 {strides = array<i32>} : memref<256x1xf32, #tpu.memory_space<vmem>>, vector<256x1xf32>,
    } else {
    }
    %get3A = arith.constant 0 : index
    %get3A_2 = arith.constant 0 : index
    %get3A_3 = arith.constant 0 : index
    %get3A_4 = vector.load %arg1[%get3A, %get3A_2, %get3A_3] : memref<1x1x128xi32, #tpu.memory_space<vmem>>, vector<1x1x128xi32>
    %get3A_5 = vector.shape_cast %get3A_4 : vector<1x1x128xi32> to vector<1x128xi32>
    %iota3A = tpu.iota {dimensions = array<i32: 0>} : vector<256x1xi32>
    %eq3A_6 = vector.broadcast %get3A_5 : vector<1x128xi32> to vector<256x128xi32>
    %eq3A_7 = vector.broadcast %iota3A : vector<256x1xi32> to vector<256x128xi32>
    %eq3A_8 = arith.cmpi eq, %eq3A_6, %eq3A_7 : vector<256x128xi32>
    %convert_element_type3A_9 = arith.extui %eq3A_8 : vector<256x128xi1> to vector<256x128xi32>
    %convert_element_type3A_10 = arith.sitofp %convert_element_type3A_9 : vector<256x128xi32> to vector<256x128xf32>
    %get3A_11 = arith.constant 0 : index
    %get3A_12 = arith.constant 0 : index
    %get3A_13 = vector.load %arg2[%get3A_11, %get3A_12] : memref<128x128xf32, #tpu.memory_space<vmem>>, vector<128x128xf32>
    %get3A_14 = arith.constant 0 : index
    %get3A_15 = arith.constant 0 : index
    %get3A_16 = vector.load %arg8[%get3A_14, %get3A_15] : memref<256x128xf32, #tpu.memory_space<vmem>>, vector<256x128xf32>
    %dot_general3A = arith.constant dense<0.000000e+00> : vector<256x128xf32>
    %dot_general3A_17 = tpu.matmul %convert_element_type3A_10, %get3A_13, %dot_general3A {dimension_numbers = #tpu.dot_dimension_numbers<[1], [0], [0], [1], [0, 0, 1, 1], [], []>, transpose_lhs_hint = false} : vector<256x128xf32>, vector<128x128xf32>, vector<256x128xf32> -> vector<256x128xf32>
    %add3A = arith.addf %get3A_16, %dot_general3A_17 : vector<256x128xf32>
    %swap3A = arith.constant 0 : index
    %swap3A_18 = arith.constant 0 : index
    %swap3A_19 = vector.load %arg8[%swap3A, %swap3A_18] : memref<256x128xf32, #tpu.memory_space<vmem>>, vector<256x128xf32>
    tpu.vector_store %arg8[%swap3A, %swap3A_18], %add3A {strides = array<i32>} : memref<256x128xf32, #tpu.memory_space<vmem>>, vector<256x128xf32>,
    %get3A_20 = arith.constant 0 : index
    %get3A_21 = arith.constant 0 : index
    %get3A_22 = vector.load %arg9[%get3A_20, %get3A_21] : memref<256x1xf32, #tpu.memory_space<vmem>>, vector<256x1xf32>
    %reduce_sum3A = arith.constant dense<0.000000e+00> : vector<256xf32>
    %reduce_sum3A_23 = vector.multi_reduction <add>, %convert_element_type3A_10, %reduce_sum3A [1] : vector<256x128xf32> to vector<256xf32>
    %broadcast_in_dim3A = vector.shape_cast %reduce_sum3A_23 : vector<256xf32> to vector<256x1xf32>
    %add3A_24 = arith.addf %get3A_22, %broadcast_in_dim3A : vector<256x1xf32>
    %swap3A_25 = arith.constant 0 : index
    %swap3A_26 = arith.constant 0 : index
    %swap3A_27 = vector.load %arg9[%swap3A_25, %swap3A_26] : memref<256x1xf32, #tpu.memory_space<vmem>>, vector<256x1xf32>
    tpu.vector_store %arg9[%swap3A_25, %swap3A_26], %add3A_24 {strides = array<i32>} : memref<256x1xf32, #tpu.memory_space<vmem>>, vector<256x1xf32>,
    %eq3A_28 = arith.constant 78 : i32
    %eq3A_29 = arith.cmpi eq, %arg0, %eq3A_28 : i32
    %convert_element_type3A_30 = arith.extui %eq3A_29 : i1 to i32
    %cond3A_31 = arith.constant 0 : i32
    %cond3A_32 = arith.cmpi ne, %convert_element_type3A_30, %cond3A_31 : i32
    scf.if %cond3A_32 {
      %get3A_33 = arith.constant 0 : index
      %get3A_34 = arith.constant 0 : index
      %get3A_35 = vector.load %arg8[%get3A_33, %get3A_34] : memref<256x128xf32, #tpu.memory_space<vmem>>, vector<256x128xf32>
      %get3A_36 = arith.constant 0 : index
      %get3A_37 = arith.constant 0 : index
      %get3A_38 = vector.load %arg9[%get3A_36, %get3A_37] : memref<256x1xf32, #tpu.memory_space<vmem>>, vector<256x1xf32>
      %max3A = arith.constant 1.000000e+00 : f32
      %max3A_39 = vector.broadcast %max3A : f32 to vector<256x1xf32>
      %max3A_40 = arith.maximumf %get3A_38, %max3A_39 : vector<256x1xf32>
      %div3A = vector.broadcast %max3A_40 : vector<256x1xf32> to vector<256x128xf32>
      %div3A_41 = arith.divf %get3A_35, %div3A : vector<256x128xf32>
      %get3A_42 = arith.constant 0 : index
      %get3A_43 = arith.constant 0 : index
      %get3A_44 = vector.load %arg3[%get3A_42, %get3A_43] : memref<128x128xf32, #tpu.memory_space<vmem>>, vector<128x128xf32>
      %dot_general3A_45 = arith.constant dense<0.000000e+00> : vector<256x128xf32>
      %dot_general3A_46 = tpu.matmul %div3A_41, %get3A_44, %dot_general3A_45 {dimension_numbers = #tpu.dot_dimension_numbers<[1], [1], [0], [0], [0, 0, 1, 0], [], []>, transpose_lhs_hint = false} : vector<256x128xf32>, vector<128x128xf32>, vector<256x128xf32> -> vector<256x128xf32>
      %get3A_47 = arith.constant 0 : index
      %get3A_48 = arith.constant 0 : index
      %get3A_49 = vector.load %arg4[%get3A_47, %get3A_48] : memref<1x128xf32, #tpu.memory_space<vmem>>, vector<1x128xf32>
      %add3A_50 = vector.broadcast %get3A_49 : vector<1x128xf32> to vector<256x128xf32>
      %add3A_51 = arith.addf %dot_general3A_46, %add3A_50 : vector<256x128xf32>
      %max3A_52 = arith.constant 0.000000e+00 : f32
      %max3A_53 = vector.broadcast %max3A_52 : f32 to vector<256x128xf32>
      %max3A_54 = arith.maximumf %add3A_51, %max3A_53 : vector<256x128xf32>
      %get3A_55 = arith.constant 0 : index
      %get3A_56 = arith.constant 0 : index
      %get3A_57 = vector.load %arg5[%get3A_55, %get3A_56] : memref<128x128xf32, #tpu.memory_space<vmem>>, vector<128x128xf32>
      %dot_general3A_58 = arith.constant dense<0.000000e+00> : vector<256x128xf32>
      %dot_general3A_59 = tpu.matmul %max3A_54, %get3A_57, %dot_general3A_58 {dimension_numbers = #tpu.dot_dimension_numbers<[1], [1], [0], [0], [0, 0, 1, 0], [], []>, transpose_lhs_hint = false} : vector<256x128xf32>, vector<128x128xf32>, vector<256x128xf32> -> vector<256x128xf32>
      %get3A_60 = arith.constant 0 : index
      %get3A_61 = arith.constant 0 : index
      %get3A_62 = vector.load %arg6[%get3A_60, %get3A_61] : memref<1x128xf32, #tpu.memory_space<vmem>>, vector<1x128xf32>
      %add3A_63 = vector.broadcast %get3A_62 : vector<1x128xf32> to vector<256x128xf32>
      %add3A_64 = arith.addf %dot_general3A_59, %add3A_63 : vector<256x128xf32>
      %logistic3A = arith.negf %add3A_64 : vector<256x128xf32>
      %logistic3A_65 = math.exp %logistic3A : vector<256x128xf32>
      %logistic3A_66 = arith.constant 1.000000e+00 : f32
      %logistic3A_67 = vector.broadcast %logistic3A_66 : f32 to vector<256x128xf32>
      %logistic3A_68 = arith.addf %logistic3A_67, %logistic3A_65 : vector<256x128xf32>
      %logistic3A_69 = arith.divf %logistic3A_67, %logistic3A_68 : vector<256x128xf32>
      %swap3A_70 = arith.constant 0 : index
      %swap3A_71 = arith.constant 0 : index
      %swap3A_72 = vector.load %arg7[%swap3A_70, %swap3A_71] : memref<256x128xf32, #tpu.memory_space<vmem>>, vector<256x128xf32>
      tpu.vector_store %arg7[%swap3A_70, %swap3A_71], %logistic3A_69 {strides = array<i32>} : memref<256x128xf32, #tpu.memory_space<vmem>>, vector<256x128xf32>,
    } else {
    }
    return
  }
  func.func @transform_0(%arg0: i32) -> (i32, i32, i32) {
    %c0_i32 = arith.constant 0 : i32
    %c0_i32_0 = arith.constant 0 : i32
    %c0_i32_1 = arith.constant 0 : i32
    return %arg0, %c0_i32, %c0_i32_0 : i32, i32, i32
  }
  func.func @transform_1(%arg0: i32) -> (i32, i32) {
    %c0_i32 = arith.constant 0 : i32
    %c0_i32_0 = arith.constant 0 : i32
    return %arg0, %c0_i32 : i32, i32
  }
  func.func @transform_2(%arg0: i32) -> (i32, i32) {
    %c0_i32 = arith.constant 0 : i32
    %c0_i32_0 = arith.constant 0 : i32
    %c0_i32_1 = arith.constant 0 : i32
    return %c0_i32, %c0_i32_0 : i32, i32
  }
  func.func @transform_3(%arg0: i32) -> (i32, i32) {
    %c0_i32 = arith.constant 0 : i32
    %c0_i32_0 = arith.constant 0 : i32
    %c0_i32_1 = arith.constant 0 : i32
    return %c0_i32, %c0_i32_0 : i32, i32
  }
  func.func @transform_4(%arg0: i32) -> (i32, i32) {
    %c0_i32 = arith.constant 0 : i32
    %c0_i32_0 = arith.constant 0 : i32
    %c0_i32_1 = arith.constant 0 : i32
    return %c0_i32, %c0_i32_0 : i32, i32
  }
  func.func @transform_5(%arg0: i32) -> (i32, i32) {
    %c0_i32 = arith.constant 0 : i32
    %c0_i32_0 = arith.constant 0 : i32
    %c0_i32_1 = arith.constant 0 : i32
    return %c0_i32, %c0_i32_0 : i32, i32
  }
  func.func @transform_6(%arg0: i32) -> (i32, i32) {
    %c0_i32 = arith.constant 0 : i32
    %c0_i32_0 = arith.constant 0 : i32
    %c0_i32_1 = arith.constant 0 : i32
    return %c0_i32, %c0_i32_0 : i32, i32
  }
}

</mosaic_0001>

<sc_bundles>
// kernel: kernel.16.cloned.1.call-start
scs
__scs_entry_jumppad:
0x0: {  	(pc) =	sbr.rel $0x88, $3  }
0x1: {  	(tag) =	ssettag $0x0;
	lr =	simm.s32 $0x1  }
0x2: {  	[smem:$0x3F95] =	sst lr;
	_ =	strace $0xD0000000  }
0x3: {  	_ = 	snop  }
0x4: {  	_ = 	snop  }
0x5: {  	_ = 	snop  }
0x6: {  	_ = 	snop  }
0x7: {  	_ = 	snop  }
__scs_overlays_trampoline_lowered:
0x8: {  	[smem:$0x3FA4] =	sst s0  }
0x9: {  	[smem:$0x3FA5] =	sst s1  }
0xa: {  	[smem:$0x3FA6] =	sst s2  }
0xb: {  	[smem:$0x3FA7] =	sst s3  }
0xc: {  	[smem:$0x3FA8] =	sst s4  }
0xd: {  	[smem:$0x3FA9] =	sst s5  }
0xe: {  	[smem:$0x3FAA] =	sst s6  }
0xf: {  	[smem:$0x3FAB] =	sst s7  }
0x10: {  	[smem:$0x3FAC] =	sst s8  }
0x11: {  	[smem:$0x3FAD] =	sst s9;
	s0 =	simm.s32 @!p0 $0x0  }
0x12: {  	s1 =	sld [smem:$0x3F93];
	s0 =	simm.s32 @p0 $0x1  }
0x13: {  	[smem:$0x3FAE] =	sst s0;
	s0 =	simm.s32 @!p1 $0x0  }
0x14: {  	s2 =	sld [smem:$0x3F92];
	s0 =	simm.s32 @p1 $0x1  }
0x15: {  	[smem:$0x3FAF] =	sst s0;
	s0 =	simm.s32 @!p2 $0x0  }
0x16: {  	s3 =	sld [smem:$0x3FDB];
	s0 =	simm.s32 @p2 $0x1  }
0x17: {  	s4 =	simm.s32 $0x1BF5;
	[smem:$0x3FB1] =	sst s0  }
0x18: {  	s0 =	sld [smem:$0x3F94];
	_ =	swait.ge [sflag:s4], $0x0  }
0x19: {  	s7 =	sld [smem:$0x3F95]  }
0x1a: {  	s8 =	sadd.s32 $0xFFFFE003, lr  }
0x1b: {  	s9 =	sadd.s32 $0xFFFFFEF7, lr;
	s5 =	simm.s32 $0xFFFFFFFF;
	p2 =	slt.u32 s8, $0xFFFFF086  }
0x1c: {  	p1 =	slt.u32 s9, $0xF7A;
	s5 =	simm.s32 @!p2 $0x0  }
0x1d: {  	s5 =	simm.s32 @p1 $0x1;
	p0 =	seq.s32 s7, s2  }
0x1e: {  	s7 =	smul.u32 @!p0 $0xF7A, s2;
	p2 =	seq.s32 @!p0 s5, $0x0  }
0x1f: {  	s9 =	smul.u32 $0xF7A, s1;
	s8 =	simm.s32 @!p0 $0x1BF5;
	p2 =	por !p2, p0  }
0x20: {  	[sflag:s8] =	ssyncset.s32 @!p0 $0xFFFFF086;
	s6 =	sadd.s32 @!p0 s3, s7;
	s7 =	simm.s32 @!p0 $0x108  }
0x21: {  	s3 =	sadd.s32 s3, s9;
	s6 =	sadd.s32 @!p0 $0x88, s6;
	s7 =	simm.s32 @p2 $0x1082  }
0x22: {  	[simem:s7], [sflag:s8] =	dma.local @!p0 [hbm:s6], $0xF7A  }
0x23: {  	s9 =	sor.u32 $0xD0000000, s2;
	s6 =	simm.s32 $0x108;
	_ =	swait.ge @!p0 [sflag:s8], $0x0  }
0x24: {  	s3 =	sadd.s32 $0x88, s3;
	s6 =	simm.s32 @!p1 $0x1082;
	[sflag:s4] =	ssyncset.s32 $0xFFFFF086  }
0x25: {  	[simem:s6], [sflag:s4] =	dma.local [hbm:s3], $0xF7A  }
0x26: {  	[smem:$0x3F95] =	sst s1;
	(tag) =	ssettag s2;
	_ =	strace s9  }
0x27: {  	s1 =	sld [smem:$0x3FA5]  }
0x28: {  	s2 =	sld [smem:$0x3FA6]  }
0x29: {  	s4 =	sld [smem:$0x3FA8]  }
0x2a: {  	p0 =	seq.s32 s5, $0x0;
	s5 =	sld [smem:$0x3FA9]  }
0x2b: {  	s6 =	sld [smem:$0x3FAA]  }
0x2c: {  	s7 =	sld [smem:$0x3FAB]  }
0x2d: {  	s3 =	simm.s32 $0x108;
	s8 =	sld [smem:$0x3FAC]  }
0x2e: {  	s3 =	simm.s32 @!p0 $0x1082;
	s9 =	sld [smem:$0x3FAD]  }
0x2f: {  	lr =	sadd.s32 s0, s3;
	s0 =	sld [smem:$0x3FA4]  }
0x30: {  	s3 =	sld [smem:$0x3FA7]  }
0x31: {  	[smem:$0x3FB0] =	sst s10  }
0x32: {  	s10 =	sld [smem:$0x3FAE];
	_ =	sdelay $0x3  }
0x33: {  	p0 =	seq.s32 s10, $0x1;
	s10 =	sld [smem:$0x3FB0];
	_ =	sdelay $0x3  }
0x34: {  	[smem:$0x3FB0] =	sst s10  }
0x35: {  	s10 =	sld [smem:$0x3FAF];
	_ =	sdelay $0x3  }
0x36: {  	p1 =	seq.s32 s10, $0x1;
	s10 =	sld [smem:$0x3FB0];
	_ =	sdelay $0x3  }
0x37: {  	[smem:$0x3FB0] =	sst s10  }
0x38: {  	s10 =	sld [smem:$0x3FB1]  }
0x39: {  	_ = 	snop;
	(pc) =	sbr.ind lr, $3  }
0x3a: {  	_ = 	snop  }
0x3b: {  	_ = 	snop  }
0x3c: {  	p2 =	seq.s32 s10, $0x1;
	s10 =	sld [smem:$0x3FB0]  }
0x3d: {  	_ =	shalt  }
0x3e: {  	_ =	shalt  }
0x3f: {  	_ =	shalt  }
0x40: {  	_ =	shalt  }
0x41: {  	_ =	shalt  }
0x42: {  	_ =	shalt  }
0x43: {  	_ =	shalt  }
0x44: {  	_ =	shalt  }
0x45: {  	_ =	shalt  }
0x46: {  	_ =	shalt  }
0x47: {  	_ =	shalt  }
0x48: {  	_ =	shalt  }
0x49: {  	_ =	shalt  }
0x4a: {  	_ =	shalt  }
0x4b: {  	_ =	shalt  }
0x4c: {  	_ =	shalt  }
0x4d: {  	_ =	shalt  }
0x4e: {  	_ =	shalt  }
0x4f: {  	_ =	shalt  }
0x50: {  	_ =	shalt  }
0x51: {  	_ =	shalt  }
0x52: {  	_ =	shalt  }
0x53: {  	_ =	shalt  }
0x54: {  	_ =	shalt  }
0x55: {  	_ =	shalt  }
0x56: {  	_ =	shalt  }
0x57: {  	_ =	shalt  }
0x58: {  	_ =	shalt  }
0x59: {  	_ =	shalt  }
0x5a: {  	_ =	shalt  }
0x5b: {  	_ =	shalt  }
0x5c: {  	_ =	shalt  }
0x5d: {  	_ =	shalt  }
0x5e: {  	_ =	shalt  }
0x5f: {  	_ =	shalt  }
0x60: {  	_ =	shalt  }
0x61: {  	_ =	shalt  }
0x62: {  	_ =	shalt  }
0x63: {  	_ =	shalt  }
0x64: {  	_ =	shalt  }
0x65: {  	_ =	shalt  }
0x66: {  	_ =	shalt  }
0x67: {  	_ =	shalt  }
0x68: {  	_ =	shalt  }
0x69: {  	_ =	shalt  }
0x6a: {  	_ =	shalt  }
0x6b: {  	_ =	shalt  }
0x6c: {  	_ =	shalt  }
0x6d: {  	_ =	shalt  }
0x6e: {  	_ =	shalt  }
0x6f: {  	_ =	shalt  }
0x70: {  	_ =	shalt  }
0x71: {  	_ =	shalt  }
0x72: {  	_ =	shalt  }
0x73: {  	_ =	shalt  }
0x74: {  	_ =	shalt  }
0x75: {  	_ =	shalt  }
0x76: {  	_ =	shalt  }
0x77: {  	_ =	shalt  }
0x78: {  	_ =	shalt  }
0x79: {  	_ =	shalt  }
0x7a: {  	_ =	shalt  }
0x7b: {  	_ =	shalt  }
0x7c: {  	_ =	shalt  }
0x7d: {  	_ =	shalt  }
0x7e: {  	_ =	shalt  }
0x7f: {  	_ =	shalt  }
0x80: {  	_ =	shalt  }
0x81: {  	_ =	shalt  }
0x82: {  	_ =	shalt  }
0x83: {  	_ =	shalt  }
0x84: {  	_ =	shalt  }
0x85: {  	_ =	shalt  }
0x86: {  	_ =	shalt  }
0x87: {  	_ =	shalt  }
.Lfunc_end0:
.L_simem_size_0:
called_computation_lowered:
.L_overlay_start_0:
0x88: {  	s2 =	sld [smem:$0x3FD9]  }
0x89: {  	s3 =	sld [smem:$0x3FFE];
	_ =	sdelay $0x1  }
0x8a: {  	s1 =	srdreg.scid  }
0x8b: {  	s0 =	sand.u32 $0x1, s1  }
0x8c: {  	s16 =	sshll.u32 s0, $0xA;
	s2 =	sadd.s32 s3, s2  }
0x8d: {  	s2 =	sadd.s32 s2, s16  }
0x8e: {  	[smem:$0x3FBC] =	sst s2  }
0x8f: {  	_ = 	snop  }
0x90: {  	(tm) =	ssettm $0x1  }
0x91: {  	s17 =	sld [smem:$0x3FFB];
	_ =	sdelay $0x3  }
0x92: {  	_ =	strace s17  }
0x93: {  	s2 =	sld [smem:$0x3FFC];
	_ =	sdelay $0x3  }
0x94: {  	_ =	strace s2  }
0x95: {  	s2 =	sld [smem:$0x3FFD];
	_ =	sdelay $0x3  }
0x96: {  	_ =	strace s2  }
0x97: {  	_ =	strace $0x8FFFFFFF  }
0x98: {  	s18 =	sld [smem:$0x3FDB];
	_ =	sdelay $0x1  }
0x99: {  	s19 =	simm.s32 $_scs_section_size  }
0x9a: {  	s4 =	simm.s32 $_size__tile_overlayer_lowered;
	s5 =	simm.s32 $_tile_overlayer_lowered  }
0x9b: {  	s22 =	simm.s32 $0x1BFF;
	s21 =	sshll.u32 s5, $0x1;
	s2 =	sadd.s32 s19, s18  }
0x9c: {  	s6 =	simm.s32 $0x0;
	s20 =	sshll.u32 s4, $0x1;
	s4 =	sadd.s32 s21, s2  }
0x9d: {  	[timem:s6], [sflag:s22] =	dma.local [hbm:s4], s20  }
0x9e: {  	_ =	swait.ge [sflag:s22], s20  }
0x9f: {  	s3 =	ssub.s32 $0x0, s20;
	[sflag:s22] =	ssyncset.done $0x0  }
0xa0: {  	[sflag:s22] =	ssyncadd.s32 s3;
	_ =	sdelay $0x1  }
0xa1: {  	s23 =	simm.s32 $0x1B8B  }
0xa2: {  	_ =	swait.ge [sflag:s23], $0x1  }
0xa3: {  	[sflag:s23] =	ssyncset.done $0x0  }
0xa4: {  	s25 =	simm.s32 $0x1B8E;
	s24 =	sld [smem:$0x3FFE];
	[sflag:s23] =	ssyncadd.s32 $0xFFFFFFFF  }
0xa5: {  	s26 =	simm.s32 $execute0_lowered;
	[smem:$0x3FD2] =	sst s25  }
0xa6: {  	s4 =	sshll.u32 s26, $0x1;
	_ =	strace $0x80000046;
	[dreg:$0x1] =	wrdreg $0xFFFFFFFF  }
0xa7: {  	s28 =	simm.s32 $_size_execute0_lowered;
	s2 =	sadd.s32 s2, s4;
	[dreg:$0x0] =	wrdreg $0x0  }
0xa8: {  	s4 =	sshll.u32 s28, $0x1;
	[dreg:$0x2] =	wrdreg s2  }
0xa9: {  	[dreg:$0x3] =	wrdreg s4  }
0xaa: {  	[dreg:$0x4] =	wrdreg $0xC0  }
0xab: {  	_ =	task [dreg:s6], $0x5FFFF  }
0xac: {  	[dreg:$0x1] =	wrdreg $0xFFFFFFFF  }
0xad: {  	[dreg:$0x0] =	wrdreg $0x60  }
0xae: {  	[dreg:$0x2] =	wrdreg s24  }
0xaf: {  	[dreg:$0x3] =	wrdreg $0x90000  }
0xb0: {  	[dreg:$0x4] =	wrdreg $0x9  }
0xb1: {  	_ =	task.clear_ibuf [dreg:s6], $0x5FFFF;
	_ =	strace $0x90000046  }
0xb2: {  	s29 =	simm.s32 $0x9;
	_ =	strace $0x80000048  }
0xb3: {  	_ =	swait.ge [sflag:s29], $0x1  }
0xb4: {  	[sflag:s29] =	ssyncadd.s32 $0xFFFFFFFF  }
0xb5: {  	_ =	strace $0x90000048  }
0xb6: {  	_ =	sfence  }
0xb7: {  	s30 =	sld [smem:$0x0];
	_ =	sdelay $0x2  }
0xb8: {  	s31 =	sshll.u32 s1, $0xD;
	s1 =	sshrl.u32 s1, $0x2  }
0xb9: {  	s3 =	sand.u32 $0x4000, s31;
	s1 =	sadd.s32 s1, s30  }
0xba: {  	s0 =	sor.u32 s3, s0;
	s1 =	sshll.u32 s1, $0x11  }
0xbb: {  	s0 =	sor.u32 s1, s0  }
0xbc: {  	s0 =	sadd.s32 $0x8F2B, s0  }
0xbd: {  	[sflag:s0] =	ssyncadd.remote.s32 $0x1  }
0xbe: {  	_ =	sfence.sel $0xFFFF  }
0xbf: {  	[dreg:$0x0] =	wrdreg $0xFFFFFFFF;
	(pc) =	sbr.abs _section_cstart, $3  }
0xc0: {  	[dreg:$0x1] =	wrdreg $0xFFFFFFFF  }
0xc1: {  	_ =	task.clear_ibuf [dreg:s6], $0x2FFFF;
	_ =	strace $0x9FFFFFFF  }
0xc2: {  	(tm) =	ssettm $0x7FFFFFFF  }
0xc3: {  	_ =	shalt  }
tec
execute0_lowered:
.L_overlay_start_1:
0x0: {  	(tag) =	ssettag $0x1  }
0x1: {  	s1 =	srdreg.scid;
	s6 =	rddreg [dreg:$0x0]  }
0x2: {  	s0 =	stileid.u32;
	s2 =	rddreg [dreg:$0x1]  }
0x3: {  	s3 =	simm.s32 $0x0;
	s13 =	simm.s32 $0x80;
	s14 =	simm.s32 $0x5000  }
0x4: {  	s15 =	simm.s32 $0x1;
	s5 =	sand.u32 $0x1, s1;
	s16 =	smul.u32 $0x3E80, s0  }
0x5: {  	s30 =	sshll.u32 s0, $0x1;
	[smem:$0x7FF] =	sst s3;
	s9 =	smul.u32 $0x7D000, s0  }
0x6: {  	s4 =	sadd.s32 $0x18800, s6;
	s1 =	sor.u32 s5, s30;
	s8 =	smul.u32 $0x27800, s5  }
0x7: {  	p0 =	sgt.u32 s0, $0x9;
	s5 =	ssub.s32 $0x2, s5;
	s7 =	smul.u32 $0x500, s1  }
0x8: {  	s1 =	rddreg [dreg:$0x2];
	_ =	strace $0x80000047;
	s10 =	sadd.s32 s16, s6  }
0x9: {  	s31 =	sshrl.u32 s5, $0x1;
	s9 =	sshrl.u32 s9, $0x2;
	s8 =	sadd.s32 s8, s6  }
0xa: {  	s11 =	ssub.s32 s5, s31;
	s12 =	sadd.s32 s9, s2;
	s5 =	sadd.s32 $0x40000, s10  }
0xb: {  	s9 =	sshll.u32 @!p0 s0, $0x6;
	s7 =	sadd.s32 s7, s6;
	s17 =	sadd.s32 $0x67200, s8  }
0xc: {  	s8 =	smax.u32 s11, $0x1;
	s9 =	sor.u32 @!p0 $0x1C02, s9;
	s10 =	sshrl.u32 @!p0 s12, $0x3  }
0xd: {  	s11 =	simm.s32 $0x2;
	s12 =	simm.s32 $0x2800;
	s6 =	sadd.s32 $0xE800, s7  }
0xe: {  	s7 =	sadd.s32 $0x4800, s7;
	s16 =	sadd.s32 @!p0 s16, s17;
	s17 =	simm.s32 $0x0  }
.LBB2_1:
0xf: {  	[spmem:s10], [sflag:s9] =	dma.local @!p0 [hbm:s5], $0x3E80  }
0x10: {  	s18 =	simm.s32 @!p0 $0x2  }
0x11: {  	_ =	swait.ge @!p0 [sflag:s18], $0x3E80  }
0x12: {  	[sflag:s18] =	ssyncset.done @!p0 $0x0  }
0x13: {  	[sflag:s18] =	ssyncadd.s32 @!p0 $0xFFFFC180  }
0x14: {  	[tilespmem:s3], [sflag:$0x2] =	stream.linear.gather [hbm4b:s6+s3], $0x2780, $0x38;
	[tilespmem:$0x1C880] =	vst v63  }
0x15: {  	_ =	swait.ge [sflag:s11], $0x2780  }
0x16: {  	[sflag:s11] =	ssyncset.done $0x0  }
0x17: {  	[sflag:s11] =	ssyncadd.s32 $0xFFFFD880  }
0x18: {  	[tilespmem:s12], [sflag:$0x2] =	stream.linear.gather [hbm4b:s7+s3], $0x2780, $0x38;
	[tilespmem:$0x1C880] =	vst v63  }
0x19: {  	_ =	swait.ge [sflag:s11], $0x2780  }
0x1a: {  	[sflag:s11] =	ssyncset.done $0x0  }
0x1b: {  	[sflag:s11] =	ssyncadd.s32 $0xFFFFD880  }
0x1c: {  	s30 =	simm.s32 $0x0;
	[bflag:$0x0] =	sbarrier.arrive $0xFFFF  }
0x1d: {  	[tilespmem:s14], [sflag:$0x1] =	stream.indirect.gather [hbm4b:s4+s13], $0x80, s30, s13, $0xb8;
	[tilespmem:$0x1C880] =	vst v63  }
0x1e: {  	_ =	swait.ge [sflag:s15], $0x4000  }
0x1f: {  	[sflag:s15] =	ssyncset.done $0x0  }
0x20: {  	s31 =	simm.s32 $0x2800;
	[sflag:s15] =	ssyncadd.s32 $0xFFFFC000  }
0x21: {  	[spmem:s2] =	stream.indirect.scatter.add.f32 [tilespmem:s14], [sflag:$0x2], $0x80, s31, s13, $0xb8;
	[tilespmem:$0x1C880] =	vst v63  }
0x22: {  	_ =	swait.ge [sflag:s11], $0x4000  }
0x23: {  	s19 =	simm.s32 $0x400;
	s18 =	simm.s32 $0x200;
	[sflag:s11] =	ssyncset.done $0x0  }
.LBB2_2:
0x24: {  	s20 =	sshra.s32 s18, $0x2  }
0x25: {  	[sflag:s11] =	ssyncadd.s32 $0xFFFFC000;
	s18 =	smov.u32 s19;
	s21 =	sadd.s32 $0x200, s19  }
0x26: {  	[tilespmem:s14], [sflag:$0x1] =	stream.indirect.gather [hbm4b:s4+s13], $0x80, s20, s13, $0xb8;
	[tilespmem:$0x1C880] =	vst v63  }
0x27: {  	p1 =	sne.s32 s19, $0x9C00;
	_ =	swait.ge [sflag:s15], $0x4000  }
.Ltmp0:
0x28: {  	[sflag:s15] =	ssyncset.done $0x0;
	(pc) =	sbr.rel @p1 .LBB2_2-.Ltmp0, $4  }
0x29: {  	s19 =	sadd.s32 $0x2800, s20;
	[sflag:s15] =	ssyncadd.s32 $0xFFFFC000  }
0x2a: {  	[spmem:s2] =	stream.indirect.scatter.add.f32 [tilespmem:s14], [sflag:$0x2], $0x80, s19, s13, $0xb8;
	[tilespmem:$0x1C880] =	vst v63  }
0x2b: {  	_ =	swait.ge [sflag:s11], $0x4000  }
0x2c: {  	s19 =	smov.u32 s21;
	[sflag:s11] =	ssyncset.done $0x0  }
0x2d: {  	s18 =	sshra.s32 s18, $0x2;
	[sflag:s11] =	ssyncadd.s32 $0xFFFFC000  }
0x2e: {  	[tilespmem:s14], [sflag:$0x1] =	stream.indirect.gather [hbm4b:s4+s13], $0x80, s18, s13, $0xb8;
	[tilespmem:$0x1C880] =	vst v63  }
0x2f: {  	_ =	swait.ge [sflag:s15], $0x4000  }
0x30: {  	[sflag:s15] =	ssyncset.done $0x0  }
0x31: {  	s18 =	sadd.s32 $0x2800, s18;
	[sflag:s15] =	ssyncadd.s32 $0xFFFFC000  }
0x32: {  	[spmem:s2] =	stream.indirect.scatter.add.f32 [tilespmem:s14], [sflag:$0x2], $0x80, s18, s13, $0xb8;
	[tilespmem:$0x1C880] =	vst v63  }
0x33: {  	_ =	swait.ge [sflag:s11], $0x4000  }
0x34: {  	s17 =	sadd.s32 $0x1, s17;
	[sflag:s11] =	ssyncset.done $0x0  }
0x35: {  	p1 =	sne.s32 s17, s8;
	[sflag:s11] =	ssyncadd.s32 $0xFFFFC000  }
.Ltmp1:
0x36: {  	s18 =	simm.s32 @!p0 $0x2;
	[bflag:$0x0] =	sbarrier.arrive $0xFFFF;
	(pc) =	sbr.rel @p1 .LBB2_1-.Ltmp1, $4  }
0x37: {  	[hbm:s16], [sflag:s9] =	dma.local @!p0 [spmem:s10], $0x3E80  }
0x38: {  	_ =	swait.ge @!p0 [sflag:s18], $0x3E80  }
0x39: {  	[sflag:s18] =	ssyncset.done @!p0 $0x0  }
0x3a: {  	[sflag:s18] =	ssyncadd.s32 @!p0 $0xFFFFC180  }
0x3b: {  	_ =	sfence.sel $0x180000  }
0x3c: {  	[bflag:$0x0] =	sbarrier.arrive $0xFFFF  }
0x3d: {  	p0 =	sne.s32 s0, $0x0;
	_ =	strace $0x90000047  }
0x3e: {  	s0 =	sadd.s32 @!p0 $0x100000, s1;
	[bflag:$0x2] =	sbarrier.arrive $0xFFFF  }
0x3f: {  	[sflag:s0] =	ssyncadd.tile.s32 @!p0 $0x1;
	_ =	shalt  }
.Lfunc_end2:
_tile_overlayer_lowered:
.L_overlay_start_2:
0x40: {  	(tag) =	ssettag $0x2  }
0x41: {  	s0 =	rddreg [dreg:$0x0];
	s2 =	stileid.u32  }
0x42: {  	s1 =	rddreg [dreg:$0x1];
	p0 =	sne.s32 s2, $0x0  }
0x43: {  	s3 =	rddreg [dreg:$0x2];
	[bflag:$0x3] =	sbarrier.arrive $0xFFFF;
	s2 =	simm.s32 @!p0 $0x1C02  }
0x44: {  	[timem:s3], [sflag:s2] =	dma.local @!p0 [hbm:s0], s1  }
0x45: {  	s0 =	simm.s32 @!p0 $0x2  }
0x46: {  	_ =	swait.ge @!p0 [sflag:s0], s1  }
0x47: {  	s1 =	ssub.s32 @!p0 $0x0, s1;
	[sflag:s0] =	ssyncset.done @!p0 $0x0  }
0x48: {  	[sflag:s0] =	ssyncadd.s32 @!p0 s1  }
0x49: {  	[bflag:$0x3] =	sbarrier.arrive $0xFFFF  }
0x4a: {  	_ =	shalt  }

// kernel: kernel.19.cloned.1.call-start
scs
__scs_entry_jumppad:
0x0: {  	(pc) =	sbr.rel $0x88, $3  }
0x1: {  	(tag) =	ssettag $0x0;
	lr =	simm.s32 $0x1  }
0x2: {  	[smem:$0x3F95] =	sst lr;
	_ =	strace $0xD0000000  }
0x3: {  	_ = 	snop  }
0x4: {  	_ = 	snop  }
0x5: {  	_ = 	snop  }
0x6: {  	_ = 	snop  }
0x7: {  	_ = 	snop  }
__scs_overlays_trampoline_lowered:
0x8: {  	[smem:$0x3FA4] =	sst s0  }
0x9: {  	[smem:$0x3FA5] =	sst s1  }
0xa: {  	[smem:$0x3FA6] =	sst s2  }
0xb: {  	[smem:$0x3FA7] =	sst s3  }
0xc: {  	[smem:$0x3FA8] =	sst s4  }
0xd: {  	[smem:$0x3FA9] =	sst s5  }
0xe: {  	[smem:$0x3FAA] =	sst s6  }
0xf: {  	[smem:$0x3FAB] =	sst s7  }
0x10: {  	[smem:$0x3FAC] =	sst s8  }
0x11: {  	[smem:$0x3FAD] =	sst s9;
	s0 =	simm.s32 @!p0 $0x0  }
0x12: {  	s1 =	sld [smem:$0x3F93];
	s0 =	simm.s32 @p0 $0x1  }
0x13: {  	[smem:$0x3FAE] =	sst s0;
	s0 =	simm.s32 @!p1 $0x0  }
0x14: {  	s2 =	sld [smem:$0x3F92];
	s0 =	simm.s32 @p1 $0x1  }
0x15: {  	[smem:$0x3FAF] =	sst s0;
	s0 =	simm.s32 @!p2 $0x0  }
0x16: {  	s3 =	sld [smem:$0x3FDB];
	s0 =	simm.s32 @p2 $0x1  }
0x17: {  	s4 =	simm.s32 $0x1BF5;
	[smem:$0x3FB1] =	sst s0  }
0x18: {  	s0 =	sld [smem:$0x3F94];
	_ =	swait.ge [sflag:s4], $0x0  }
0x19: {  	s7 =	sld [smem:$0x3F95]  }
0x1a: {  	s8 =	sadd.s32 $0xFFFFE003, lr  }
0x1b: {  	s9 =	sadd.s32 $0xFFFFFEF7, lr;
	s5 =	simm.s32 $0xFFFFFFFF;
	p2 =	slt.u32 s8, $0xFFFFF086  }
0x1c: {  	p1 =	slt.u32 s9, $0xF7A;
	s5 =	simm.s32 @!p2 $0x0  }
0x1d: {  	s5 =	simm.s32 @p1 $0x1;
	p0 =	seq.s32 s7, s2  }
0x1e: {  	s7 =	smul.u32 @!p0 $0xF7A, s2;
	p2 =	seq.s32 @!p0 s5, $0x0  }
0x1f: {  	s9 =	smul.u32 $0xF7A, s1;
	s8 =	simm.s32 @!p0 $0x1BF5;
	p2 =	por !p2, p0  }
0x20: {  	[sflag:s8] =	ssyncset.s32 @!p0 $0xFFFFF086;
	s6 =	sadd.s32 @!p0 s3, s7;
	s7 =	simm.s32 @!p0 $0x108  }
0x21: {  	s3 =	sadd.s32 s3, s9;
	s6 =	sadd.s32 @!p0 $0x88, s6;
	s7 =	simm.s32 @p2 $0x1082  }
0x22: {  	[simem:s7], [sflag:s8] =	dma.local @!p0 [hbm:s6], $0xF7A  }
0x23: {  	s9 =	sor.u32 $0xD0000000, s2;
	s6 =	simm.s32 $0x108;
	_ =	swait.ge @!p0 [sflag:s8], $0x0  }
0x24: {  	s3 =	sadd.s32 $0x88, s3;
	s6 =	simm.s32 @!p1 $0x1082;
	[sflag:s4] =	ssyncset.s32 $0xFFFFF086  }
0x25: {  	[simem:s6], [sflag:s4] =	dma.local [hbm:s3], $0xF7A  }
0x26: {  	[smem:$0x3F95] =	sst s1;
	(tag) =	ssettag s2;
	_ =	strace s9  }
0x27: {  	s1 =	sld [smem:$0x3FA5]  }
0x28: {  	s2 =	sld [smem:$0x3FA6]  }
0x29: {  	s4 =	sld [smem:$0x3FA8]  }
0x2a: {  	p0 =	seq.s32 s5, $0x0;
	s5 =	sld [smem:$0x3FA9]  }
0x2b: {  	s6 =	sld [smem:$0x3FAA]  }
0x2c: {  	s7 =	sld [smem:$0x3FAB]  }
0x2d: {  	s3 =	simm.s32 $0x108;
	s8 =	sld [smem:$0x3FAC]  }
0x2e: {  	s3 =	simm.s32 @!p0 $0x1082;
	s9 =	sld [smem:$0x3FAD]  }
0x2f: {  	lr =	sadd.s32 s0, s3;
	s0 =	sld [smem:$0x3FA4]  }
0x30: {  	s3 =	sld [smem:$0x3FA7]  }
0x31: {  	[smem:$0x3FB0] =	sst s10  }
0x32: {  	s10 =	sld [smem:$0x3FAE];
	_ =	sdelay $0x3  }
0x33: {  	p0 =	seq.s32 s10, $0x1;
	s10 =	sld [smem:$0x3FB0];
	_ =	sdelay $0x3  }
0x34: {  	[smem:$0x3FB0] =	sst s10  }
0x35: {  	s10 =	sld [smem:$0x3FAF];
	_ =	sdelay $0x3  }
0x36: {  	p1 =	seq.s32 s10, $0x1;
	s10 =	sld [smem:$0x3FB0];
	_ =	sdelay $0x3  }
0x37: {  	[smem:$0x3FB0] =	sst s10  }
0x38: {  	s10 =	sld [smem:$0x3FB1]  }
0x39: {  	_ = 	snop;
	(pc) =	sbr.ind lr, $3  }
0x3a: {  	_ = 	snop  }
0x3b: {  	_ = 	snop  }
0x3c: {  	p2 =	seq.s32 s10, $0x1;
	s10 =	sld [smem:$0x3FB0]  }
0x3d: {  	_ =	shalt  }
0x3e: {  	_ =	shalt  }
0x3f: {  	_ =	shalt  }
0x40: {  	_ =	shalt  }
0x41: {  	_ =	shalt  }
0x42: {  	_ =	shalt  }
0x43: {  	_ =	shalt  }
0x44: {  	_ =	shalt  }
0x45: {  	_ =	shalt  }
0x46: {  	_ =	shalt  }
0x47: {  	_ =	shalt  }
0x48: {  	_ =	shalt  }
0x49: {  	_ =	shalt  }
0x4a: {  	_ =	shalt  }
0x4b: {  	_ =	shalt  }
0x4c: {  	_ =	shalt  }
0x4d: {  	_ =	shalt  }
0x4e: {  	_ =	shalt  }
0x4f: {  	_ =	shalt  }
0x50: {  	_ =	shalt  }
0x51: {  	_ =	shalt  }
0x52: {  	_ =	shalt  }
0x53: {  	_ =	shalt  }
0x54: {  	_ =	shalt  }
0x55: {  	_ =	shalt  }
0x56: {  	_ =	shalt  }
0x57: {  	_ =	shalt  }
0x58: {  	_ =	shalt  }
0x59: {  	_ =	shalt  }
0x5a: {  	_ =	shalt  }
0x5b: {  	_ =	shalt  }
0x5c: {  	_ =	shalt  }
0x5d: {  	_ =	shalt  }
0x5e: {  	_ =	shalt  }
0x5f: {  	_ =	shalt  }
0x60: {  	_ =	shalt  }
0x61: {  	_ =	shalt  }
0x62: {  	_ =	shalt  }
0x63: {  	_ =	shalt  }
0x64: {  	_ =	shalt  }
0x65: {  	_ =	shalt  }
0x66: {  	_ =	shalt  }
0x67: {  	_ =	shalt  }
0x68: {  	_ =	shalt  }
0x69: {  	_ =	shalt  }
0x6a: {  	_ =	shalt  }
0x6b: {  	_ =	shalt  }
0x6c: {  	_ =	shalt  }
0x6d: {  	_ =	shalt  }
0x6e: {  	_ =	shalt  }
0x6f: {  	_ =	shalt  }
0x70: {  	_ =	shalt  }
0x71: {  	_ =	shalt  }
0x72: {  	_ =	shalt  }
0x73: {  	_ =	shalt  }
0x74: {  	_ =	shalt  }
0x75: {  	_ =	shalt  }
0x76: {  	_ =	shalt  }
0x77: {  	_ =	shalt  }
0x78: {  	_ =	shalt  }
0x79: {  	_ =	shalt  }
0x7a: {  	_ =	shalt  }
0x7b: {  	_ =	shalt  }
0x7c: {  	_ =	shalt  }
0x7d: {  	_ =	shalt  }
0x7e: {  	_ =	shalt  }
0x7f: {  	_ =	shalt  }
0x80: {  	_ =	shalt  }
0x81: {  	_ =	shalt  }
0x82: {  	_ =	shalt  }
0x83: {  	_ =	shalt  }
0x84: {  	_ =	shalt  }
0x85: {  	_ =	shalt  }
0x86: {  	_ =	shalt  }
0x87: {  	_ =	shalt  }
.Lfunc_end0:
.L_simem_size_0:
called_computation.1_lowered:
.L_overlay_start_0:
0x88: {  	s2 =	sld [smem:$0x3FD9]  }
0x89: {  	s3 =	sld [smem:$0x3FFE];
	_ =	sdelay $0x1  }
0x8a: {  	s1 =	srdreg.scid  }
0x8b: {  	s0 =	sand.u32 $0x1, s1  }
0x8c: {  	s16 =	sshll.u32 s0, $0xA;
	s2 =	sadd.s32 s3, s2  }
0x8d: {  	s2 =	sadd.s32 s2, s16  }
0x8e: {  	[smem:$0x3FBC] =	sst s2  }
0x8f: {  	_ = 	snop  }
0x90: {  	(tm) =	ssettm $0x1  }
0x91: {  	s17 =	sld [smem:$0x3FFB];
	_ =	sdelay $0x3  }
0x92: {  	_ =	strace s17  }
0x93: {  	s2 =	sld [smem:$0x3FFC];
	_ =	sdelay $0x3  }
0x94: {  	_ =	strace s2  }
0x95: {  	s2 =	sld [smem:$0x3FFD];
	_ =	sdelay $0x3  }
0x96: {  	_ =	strace s2  }
0x97: {  	_ =	strace $0x8FFFFFFF  }
0x98: {  	s18 =	sld [smem:$0x3FDB];
	_ =	sdelay $0x1  }
0x99: {  	s19 =	simm.s32 $_scs_section_size  }
0x9a: {  	s4 =	simm.s32 $_size__tile_overlayer_lowered;
	s5 =	simm.s32 $_tile_overlayer_lowered  }
0x9b: {  	s22 =	simm.s32 $0x1BFF;
	s21 =	sshll.u32 s5, $0x1;
	s2 =	sadd.s32 s19, s18  }
0x9c: {  	s6 =	simm.s32 $0x0;
	s20 =	sshll.u32 s4, $0x1;
	s4 =	sadd.s32 s21, s2  }
0x9d: {  	[timem:s6], [sflag:s22] =	dma.local [hbm:s4], s20  }
0x9e: {  	_ =	swait.ge [sflag:s22], s20  }
0x9f: {  	s3 =	ssub.s32 $0x0, s20;
	[sflag:s22] =	ssyncset.done $0x0  }
0xa0: {  	[sflag:s22] =	ssyncadd.s32 s3;
	_ =	sdelay $0x1  }
0xa1: {  	s23 =	simm.s32 $0x1B8B  }
0xa2: {  	_ =	swait.ge [sflag:s23], $0x1  }
0xa3: {  	[sflag:s23] =	ssyncset.done $0x0  }
0xa4: {  	s25 =	simm.s32 $0x1B8E;
	s24 =	sld [smem:$0x3FFE];
	[sflag:s23] =	ssyncadd.s32 $0xFFFFFFFF  }
0xa5: {  	s26 =	simm.s32 $execute0_lowered;
	[smem:$0x3FD2] =	sst s25  }
0xa6: {  	s4 =	sshll.u32 s26, $0x1;
	_ =	strace $0x80000049;
	[dreg:$0x1] =	wrdreg $0xFFFFFFFF  }
0xa7: {  	s28 =	simm.s32 $_size_execute0_lowered;
	s2 =	sadd.s32 s2, s4;
	[dreg:$0x0] =	wrdreg $0x0  }
0xa8: {  	s4 =	sshll.u32 s28, $0x1;
	[dreg:$0x2] =	wrdreg s2  }
0xa9: {  	[dreg:$0x3] =	wrdreg s4  }
0xaa: {  	[dreg:$0x4] =	wrdreg $0xC0  }
0xab: {  	_ =	task [dreg:s6], $0x5FFFF  }
0xac: {  	[dreg:$0x1] =	wrdreg $0xFFFFFFFF  }
0xad: {  	[dreg:$0x0] =	wrdreg $0x60  }
0xae: {  	[dreg:$0x2] =	wrdreg s24  }
0xaf: {  	[dreg:$0x3] =	wrdreg $0x90000  }
0xb0: {  	[dreg:$0x4] =	wrdreg $0x9  }
0xb1: {  	_ =	task.clear_ibuf [dreg:s6], $0x5FFFF;
	_ =	strace $0x90000049  }
0xb2: {  	s29 =	simm.s32 $0x9;
	_ =	strace $0x8000004B  }
0xb3: {  	_ =	swait.ge [sflag:s29], $0x1  }
0xb4: {  	[sflag:s29] =	ssyncadd.s32 $0xFFFFFFFF  }
0xb5: {  	_ =	strace $0x9000004B  }
0xb6: {  	_ =	sfence  }
0xb7: {  	s30 =	sld [smem:$0x0];
	_ =	sdelay $0x2  }
0xb8: {  	s31 =	sshll.u32 s1, $0xD;
	s1 =	sshrl.u32 s1, $0x2  }
0xb9: {  	s3 =	sand.u32 $0x4000, s31;
	s1 =	sadd.s32 s1, s30  }
0xba: {  	s0 =	sor.u32 s3, s0;
	s1 =	sshll.u32 s1, $0x11  }
0xbb: {  	s0 =	sor.u32 s1, s0  }
0xbc: {  	s0 =	sadd.s32 $0x8F2B, s0  }
0xbd: {  	[sflag:s0] =	ssyncadd.remote.s32 $0x1  }
0xbe: {  	_ =	sfence.sel $0xFFFF  }
0xbf: {  	[dreg:$0x0] =	wrdreg $0xFFFFFFFF;
	(pc) =	sbr.abs _section_cstart, $3  }
0xc0: {  	[dreg:$0x1] =	wrdreg $0xFFFFFFFF  }
0xc1: {  	_ =	task.clear_ibuf [dreg:s6], $0x2FFFF;
	_ =	strace $0x9FFFFFFF  }
0xc2: {  	(tm) =	ssettm $0x7FFFFFFF  }
0xc3: {  	_ =	shalt  }
tec
execute0_lowered:
.L_overlay_start_1:
0x0: {  	(tag) =	ssettag $0x1  }
0x1: {  	s1 =	srdreg.scid;
	s6 =	rddreg [dreg:$0x0]  }
0x2: {  	s0 =	stileid.u32;
	s2 =	rddreg [dreg:$0x1]  }
0x3: {  	s3 =	simm.s32 $0x0;
	s13 =	simm.s32 $0x80;
	s14 =	simm.s32 $0x5000  }
0x4: {  	s15 =	simm.s32 $0x1;
	s5 =	sand.u32 $0x1, s1;
	s16 =	smul.u32 $0x3E80, s0  }
0x5: {  	s30 =	sshll.u32 s0, $0x1;
	[smem:$0x7FF] =	sst s3;
	s9 =	smul.u32 $0x7D000, s0  }
0x6: {  	s4 =	sadd.s32 $0x18800, s6;
	s1 =	sor.u32 s5, s30;
	s8 =	smul.u32 $0x27800, s5  }
0x7: {  	p0 =	sgt.u32 s0, $0x9;
	s5 =	ssub.s32 $0x2, s5;
	s7 =	smul.u32 $0x500, s1  }
0x8: {  	s1 =	rddreg [dreg:$0x2];
	_ =	strace $0x8000004A;
	s10 =	sadd.s32 s16, s6  }
0x9: {  	s31 =	sshrl.u32 s5, $0x1;
	s9 =	sshrl.u32 s9, $0x2;
	s8 =	sadd.s32 s8, s6  }
0xa: {  	s11 =	ssub.s32 s5, s31;
	s12 =	sadd.s32 s9, s2;
	s5 =	sadd.s32 $0x40000, s10  }
0xb: {  	s9 =	sshll.u32 @!p0 s0, $0x6;
	s7 =	sadd.s32 s7, s6;
	s17 =	sadd.s32 $0x67200, s8  }
0xc: {  	s8 =	smax.u32 s11, $0x1;
	s9 =	sor.u32 @!p0 $0x1C02, s9;
	s10 =	sshrl.u32 @!p0 s12, $0x3  }
0xd: {  	s11 =	simm.s32 $0x2;
	s12 =	simm.s32 $0x2800;
	s6 =	sadd.s32 $0xE800, s7  }
0xe: {  	s7 =	sadd.s32 $0x4800, s7;
	s16 =	sadd.s32 @!p0 s16, s17;
	s17 =	simm.s32 $0x0  }
.LBB2_1:
0xf: {  	[spmem:s10], [sflag:s9] =	dma.local @!p0 [hbm:s5], $0x3E80  }
0x10: {  	s18 =	simm.s32 @!p0 $0x2  }
0x11: {  	_ =	swait.ge @!p0 [sflag:s18], $0x3E80  }
0x12: {  	[sflag:s18] =	ssyncset.done @!p0 $0x0  }
0x13: {  	[sflag:s18] =	ssyncadd.s32 @!p0 $0xFFFFC180  }
0x14: {  	[tilespmem:s3], [sflag:$0x2] =	stream.linear.gather [hbm4b:s6+s3], $0x2780, $0x38;
	[tilespmem:$0x1C880] =	vst v63  }
0x15: {  	_ =	swait.ge [sflag:s11], $0x2780  }
0x16: {  	[sflag:s11] =	ssyncset.done $0x0  }
0x17: {  	[sflag:s11] =	ssyncadd.s32 $0xFFFFD880  }
0x18: {  	[tilespmem:s12], [sflag:$0x2] =	stream.linear.gather [hbm4b:s7+s3], $0x2780, $0x38;
	[tilespmem:$0x1C880] =	vst v63  }
0x19: {  	_ =	swait.ge [sflag:s11], $0x2780  }
0x1a: {  	[sflag:s11] =	ssyncset.done $0x0  }
0x1b: {  	[sflag:s11] =	ssyncadd.s32 $0xFFFFD880  }
0x1c: {  	s30 =	simm.s32 $0x0;
	[bflag:$0x0] =	sbarrier.arrive $0xFFFF  }
0x1d: {  	[tilespmem:s14], [sflag:$0x1] =	stream.indirect.gather [hbm4b:s4+s13], $0x80, s30, s13, $0xb8;
	[tilespmem:$0x1C880] =	vst v63  }
0x1e: {  	_ =	swait.ge [sflag:s15], $0x4000  }
0x1f: {  	[sflag:s15] =	ssyncset.done $0x0  }
0x20: {  	s31 =	simm.s32 $0x2800;
	[sflag:s15] =	ssyncadd.s32 $0xFFFFC000  }
0x21: {  	[spmem:s2] =	stream.indirect.scatter.add.f32 [tilespmem:s14], [sflag:$0x2], $0x80, s31, s13, $0xb8;
	[tilespmem:$0x1C880] =	vst v63  }
0x22: {  	_ =	swait.ge [sflag:s11], $0x4000  }
0x23: {  	s19 =	simm.s32 $0x400;
	s18 =	simm.s32 $0x200;
	[sflag:s11] =	ssyncset.done $0x0  }
.LBB2_2:
0x24: {  	s20 =	sshra.s32 s18, $0x2  }
0x25: {  	[sflag:s11] =	ssyncadd.s32 $0xFFFFC000;
	s18 =	smov.u32 s19;
	s21 =	sadd.s32 $0x200, s19  }
0x26: {  	[tilespmem:s14], [sflag:$0x1] =	stream.indirect.gather [hbm4b:s4+s13], $0x80, s20, s13, $0xb8;
	[tilespmem:$0x1C880] =	vst v63  }
0x27: {  	p1 =	sne.s32 s19, $0x9C00;
	_ =	swait.ge [sflag:s15], $0x4000  }
.Ltmp0:
0x28: {  	[sflag:s15] =	ssyncset.done $0x0;
	(pc) =	sbr.rel @p1 .LBB2_2-.Ltmp0, $4  }
0x29: {  	s19 =	sadd.s32 $0x2800, s20;
	[sflag:s15] =	ssyncadd.s32 $0xFFFFC000  }
0x2a: {  	[spmem:s2] =	stream.indirect.scatter.add.f32 [tilespmem:s14], [sflag:$0x2], $0x80, s19, s13, $0xb8;
	[tilespmem:$0x1C880] =	vst v63  }
0x2b: {  	_ =	swait.ge [sflag:s11], $0x4000  }
0x2c: {  	s19 =	smov.u32 s21;
	[sflag:s11] =	ssyncset.done $0x0  }
0x2d: {  	s18 =	sshra.s32 s18, $0x2;
	[sflag:s11] =	ssyncadd.s32 $0xFFFFC000  }
0x2e: {  	[tilespmem:s14], [sflag:$0x1] =	stream.indirect.gather [hbm4b:s4+s13], $0x80, s18, s13, $0xb8;
	[tilespmem:$0x1C880] =	vst v63  }
0x2f: {  	_ =	swait.ge [sflag:s15], $0x4000  }
0x30: {  	[sflag:s15] =	ssyncset.done $0x0  }
0x31: {  	s18 =	sadd.s32 $0x2800, s18;
	[sflag:s15] =	ssyncadd.s32 $0xFFFFC000  }
0x32: {  	[spmem:s2] =	stream.indirect.scatter.add.f32 [tilespmem:s14], [sflag:$0x2], $0x80, s18, s13, $0xb8;
	[tilespmem:$0x1C880] =	vst v63  }
0x33: {  	_ =	swait.ge [sflag:s11], $0x4000  }
0x34: {  	s17 =	sadd.s32 $0x1, s17;
	[sflag:s11] =	ssyncset.done $0x0  }
0x35: {  	p1 =	sne.s32 s17, s8;
	[sflag:s11] =	ssyncadd.s32 $0xFFFFC000  }
.Ltmp1:
0x36: {  	s18 =	simm.s32 @!p0 $0x2;
	[bflag:$0x0] =	sbarrier.arrive $0xFFFF;
	(pc) =	sbr.rel @p1 .LBB2_1-.Ltmp1, $4  }
0x37: {  	[hbm:s16], [sflag:s9] =	dma.local @!p0 [spmem:s10], $0x3E80  }
0x38: {  	_ =	swait.ge @!p0 [sflag:s18], $0x3E80  }
0x39: {  	[sflag:s18] =	ssyncset.done @!p0 $0x0  }
0x3a: {  	[sflag:s18] =	ssyncadd.s32 @!p0 $0xFFFFC180  }
0x3b: {  	_ =	sfence.sel $0x180000  }
0x3c: {  	[bflag:$0x0] =	sbarrier.arrive $0xFFFF  }
0x3d: {  	p0 =	sne.s32 s0, $0x0;
	_ =	strace $0x9000004A  }
0x3e: {  	s0 =	sadd.s32 @!p0 $0x100000, s1;
	[bflag:$0x2] =	sbarrier.arrive $0xFFFF  }
0x3f: {  	[sflag:s0] =	ssyncadd.tile.s32 @!p0 $0x1;
	_ =	shalt  }
.Lfunc_end2:
_tile_overlayer_lowered:
.L_overlay_start_2:
0x40: {  	(tag) =	ssettag $0x2  }
0x41: {  	s0 =	rddreg [dreg:$0x0];
	s2 =	stileid.u32  }
0x42: {  	s1 =	rddreg [dreg:$0x1];
	p0 =	sne.s32 s2, $0x0  }
0x43: {  	s3 =	rddreg [dreg:$0x2];
	[bflag:$0x3] =	sbarrier.arrive $0xFFFF;
	s2 =	simm.s32 @!p0 $0x1C02  }
0x44: {  	[timem:s3], [sflag:s2] =	dma.local @!p0 [hbm:s0], s1  }
0x45: {  	s0 =	simm.s32 @!p0 $0x2  }
0x46: {  	_ =	swait.ge @!p0 [sflag:s0], s1  }
0x47: {  	s1 =	ssub.s32 @!p0 $0x0, s1;
	[sflag:s0] =	ssyncset.done @!p0 $0x0  }
0x48: {  	[sflag:s0] =	ssyncadd.s32 @!p0 s1  }
0x49: {  	[bflag:$0x3] =	sbarrier.arrive $0xFFFF  }
0x4a: {  	_ =	shalt  }

// kernel: kernel.22.cloned.1.call-start
scs
__scs_entry_jumppad:
0x0: {  	(pc) =	sbr.rel $0x88, $3  }
0x1: {  	(tag) =	ssettag $0x0;
	lr =	simm.s32 $0x1  }
0x2: {  	[smem:$0x3F95] =	sst lr;
	_ =	strace $0xD0000000  }
0x3: {  	_ = 	snop  }
0x4: {  	_ = 	snop  }
0x5: {  	_ = 	snop  }
0x6: {  	_ = 	snop  }
0x7: {  	_ = 	snop  }
__scs_overlays_trampoline_lowered:
0x8: {  	[smem:$0x3FA4] =	sst s0  }
0x9: {  	[smem:$0x3FA5] =	sst s1  }
0xa: {  	[smem:$0x3FA6] =	sst s2  }
0xb: {  	[smem:$0x3FA7] =	sst s3  }
0xc: {  	[smem:$0x3FA8] =	sst s4  }
0xd: {  	[smem:$0x3FA9] =	sst s5  }
0xe: {  	[smem:$0x3FAA] =	sst s6  }
0xf: {  	[smem:$0x3FAB] =	sst s7  }
0x10: {  	[smem:$0x3FAC] =	sst s8  }
0x11: {  	[smem:$0x3FAD] =	sst s9;
	s0 =	simm.s32 @!p0 $0x0  }
0x12: {  	s1 =	sld [smem:$0x3F93];
	s0 =	simm.s32 @p0 $0x1  }
0x13: {  	[smem:$0x3FAE] =	sst s0;
	s0 =	simm.s32 @!p1 $0x0  }
0x14: {  	s2 =	sld [smem:$0x3F92];
	s0 =	simm.s32 @p1 $0x1  }
0x15: {  	[smem:$0x3FAF] =	sst s0;
	s0 =	simm.s32 @!p2 $0x0  }
0x16: {  	s3 =	sld [smem:$0x3FDB];
	s0 =	simm.s32 @p2 $0x1  }
0x17: {  	s4 =	simm.s32 $0x1BF5;
	[smem:$0x3FB1] =	sst s0  }
0x18: {  	s0 =	sld [smem:$0x3F94];
	_ =	swait.ge [sflag:s4], $0x0  }
0x19: {  	s7 =	sld [smem:$0x3F95]  }
0x1a: {  	s8 =	sadd.s32 $0xFFFFE003, lr  }
0x1b: {  	s9 =	sadd.s32 $0xFFFFFEF7, lr;
	s5 =	simm.s32 $0xFFFFFFFF;
	p2 =	slt.u32 s8, $0xFFFFF086  }
0x1c: {  	p1 =	slt.u32 s9, $0xF7A;
	s5 =	simm.s32 @!p2 $0x0  }
0x1d: {  	s5 =	simm.s32 @p1 $0x1;
	p0 =	seq.s32 s7, s2  }
0x1e: {  	s7 =	smul.u32 @!p0 $0xF7A, s2;
	p2 =	seq.s32 @!p0 s5, $0x0  }
0x1f: {  	s9 =	smul.u32 $0xF7A, s1;
	s8 =	simm.s32 @!p0 $0x1BF5;
	p2 =	por !p2, p0  }
0x20: {  	[sflag:s8] =	ssyncset.s32 @!p0 $0xFFFFF086;
	s6 =	sadd.s32 @!p0 s3, s7;
	s7 =	simm.s32 @!p0 $0x108  }
0x21: {  	s3 =	sadd.s32 s3, s9;
	s6 =	sadd.s32 @!p0 $0x88, s6;
	s7 =	simm.s32 @p2 $0x1082  }
0x22: {  	[simem:s7], [sflag:s8] =	dma.local @!p0 [hbm:s6], $0xF7A  }
0x23: {  	s9 =	sor.u32 $0xD0000000, s2;
	s6 =	simm.s32 $0x108;
	_ =	swait.ge @!p0 [sflag:s8], $0x0  }
0x24: {  	s3 =	sadd.s32 $0x88, s3;
	s6 =	simm.s32 @!p1 $0x1082;
	[sflag:s4] =	ssyncset.s32 $0xFFFFF086  }
0x25: {  	[simem:s6], [sflag:s4] =	dma.local [hbm:s3], $0xF7A  }
0x26: {  	[smem:$0x3F95] =	sst s1;
	(tag) =	ssettag s2;
	_ =	strace s9  }
0x27: {  	s1 =	sld [smem:$0x3FA5]  }
0x28: {  	s2 =	sld [smem:$0x3FA6]  }
0x29: {  	s4 =	sld [smem:$0x3FA8]  }
0x2a: {  	p0 =	seq.s32 s5, $0x0;
	s5 =	sld [smem:$0x3FA9]  }
0x2b: {  	s6 =	sld [smem:$0x3FAA]  }
0x2c: {  	s7 =	sld [smem:$0x3FAB]  }
0x2d: {  	s3 =	simm.s32 $0x108;
	s8 =	sld [smem:$0x3FAC]  }
0x2e: {  	s3 =	simm.s32 @!p0 $0x1082;
	s9 =	sld [smem:$0x3FAD]  }
0x2f: {  	lr =	sadd.s32 s0, s3;
	s0 =	sld [smem:$0x3FA4]  }
0x30: {  	s3 =	sld [smem:$0x3FA7]  }
0x31: {  	[smem:$0x3FB0] =	sst s10  }
0x32: {  	s10 =	sld [smem:$0x3FAE];
	_ =	sdelay $0x3  }
0x33: {  	p0 =	seq.s32 s10, $0x1;
	s10 =	sld [smem:$0x3FB0];
	_ =	sdelay $0x3  }
0x34: {  	[smem:$0x3FB0] =	sst s10  }
0x35: {  	s10 =	sld [smem:$0x3FAF];
	_ =	sdelay $0x3  }
0x36: {  	p1 =	seq.s32 s10, $0x1;
	s10 =	sld [smem:$0x3FB0];
	_ =	sdelay $0x3  }
0x37: {  	[smem:$0x3FB0] =	sst s10  }
0x38: {  	s10 =	sld [smem:$0x3FB1]  }
0x39: {  	_ = 	snop;
	(pc) =	sbr.ind lr, $3  }
0x3a: {  	_ = 	snop  }
0x3b: {  	_ = 	snop  }
0x3c: {  	p2 =	seq.s32 s10, $0x1;
	s10 =	sld [smem:$0x3FB0]  }
0x3d: {  	_ =	shalt  }
0x3e: {  	_ =	shalt  }
0x3f: {  	_ =	shalt  }
0x40: {  	_ =	shalt  }
0x41: {  	_ =	shalt  }
0x42: {  	_ =	shalt  }
0x43: {  	_ =	shalt  }
0x44: {  	_ =	shalt  }
0x45: {  	_ =	shalt  }
0x46: {  	_ =	shalt  }
0x47: {  	_ =	shalt  }
0x48: {  	_ =	shalt  }
0x49: {  	_ =	shalt  }
0x4a: {  	_ =	shalt  }
0x4b: {  	_ =	shalt  }
0x4c: {  	_ =	shalt  }
0x4d: {  	_ =	shalt  }
0x4e: {  	_ =	shalt  }
0x4f: {  	_ =	shalt  }
0x50: {  	_ =	shalt  }
0x51: {  	_ =	shalt  }
0x52: {  	_ =	shalt  }
0x53: {  	_ =	shalt  }
0x54: {  	_ =	shalt  }
0x55: {  	_ =	shalt  }
0x56: {  	_ =	shalt  }
0x57: {  	_ =	shalt  }
0x58: {  	_ =	shalt  }
0x59: {  	_ =	shalt  }
0x5a: {  	_ =	shalt  }
0x5b: {  	_ =	shalt  }
0x5c: {  	_ =	shalt  }
0x5d: {  	_ =	shalt  }
0x5e: {  	_ =	shalt  }
0x5f: {  	_ =	shalt  }
0x60: {  	_ =	shalt  }
0x61: {  	_ =	shalt  }
0x62: {  	_ =	shalt  }
0x63: {  	_ =	shalt  }
0x64: {  	_ =	shalt  }
0x65: {  	_ =	shalt  }
0x66: {  	_ =	shalt  }
0x67: {  	_ =	shalt  }
0x68: {  	_ =	shalt  }
0x69: {  	_ =	shalt  }
0x6a: {  	_ =	shalt  }
0x6b: {  	_ =	shalt  }
0x6c: {  	_ =	shalt  }
0x6d: {  	_ =	shalt  }
0x6e: {  	_ =	shalt  }
0x6f: {  	_ =	shalt  }
0x70: {  	_ =	shalt  }
0x71: {  	_ =	shalt  }
0x72: {  	_ =	shalt  }
0x73: {  	_ =	shalt  }
0x74: {  	_ =	shalt  }
0x75: {  	_ =	shalt  }
0x76: {  	_ =	shalt  }
0x77: {  	_ =	shalt  }
0x78: {  	_ =	shalt  }
0x79: {  	_ =	shalt  }
0x7a: {  	_ =	shalt  }
0x7b: {  	_ =	shalt  }
0x7c: {  	_ =	shalt  }
0x7d: {  	_ =	shalt  }
0x7e: {  	_ =	shalt  }
0x7f: {  	_ =	shalt  }
0x80: {  	_ =	shalt  }
0x81: {  	_ =	shalt  }
0x82: {  	_ =	shalt  }
0x83: {  	_ =	shalt  }
0x84: {  	_ =	shalt  }
0x85: {  	_ =	shalt  }
0x86: {  	_ =	shalt  }
0x87: {  	_ =	shalt  }
.Lfunc_end0:
.L_simem_size_0:
called_computation.2_lowered:
.L_overlay_start_0:
0x88: {  	s2 =	sld [smem:$0x3FD9]  }
0x89: {  	s3 =	sld [smem:$0x3FFE];
	_ =	sdelay $0x1  }
0x8a: {  	s1 =	srdreg.scid  }
0x8b: {  	s0 =	sand.u32 $0x1, s1  }
0x8c: {  	s16 =	sshll.u32 s0, $0xA;
	s2 =	sadd.s32 s3, s2  }
0x8d: {  	s2 =	sadd.s32 s2, s16  }
0x8e: {  	[smem:$0x3FBC] =	sst s2  }
0x8f: {  	_ = 	snop  }
0x90: {  	(tm) =	ssettm $0x1  }
0x91: {  	s17 =	sld [smem:$0x3FFB];
	_ =	sdelay $0x3  }
0x92: {  	_ =	strace s17  }
0x93: {  	s2 =	sld [smem:$0x3FFC];
	_ =	sdelay $0x3  }
0x94: {  	_ =	strace s2  }
0x95: {  	s2 =	sld [smem:$0x3FFD];
	_ =	sdelay $0x3  }
0x96: {  	_ =	strace s2  }
0x97: {  	_ =	strace $0x8FFFFFFF  }
0x98: {  	s18 =	sld [smem:$0x3FDB];
	_ =	sdelay $0x1  }
0x99: {  	s19 =	simm.s32 $_scs_section_size  }
0x9a: {  	s4 =	simm.s32 $_size__tile_overlayer_lowered;
	s5 =	simm.s32 $_tile_overlayer_lowered  }
0x9b: {  	s22 =	simm.s32 $0x1BFF;
	s21 =	sshll.u32 s5, $0x1;
	s2 =	sadd.s32 s19, s18  }
0x9c: {  	s6 =	simm.s32 $0x0;
	s20 =	sshll.u32 s4, $0x1;
	s4 =	sadd.s32 s21, s2  }
0x9d: {  	[timem:s6], [sflag:s22] =	dma.local [hbm:s4], s20  }
0x9e: {  	_ =	swait.ge [sflag:s22], s20  }
0x9f: {  	s3 =	ssub.s32 $0x0, s20;
	[sflag:s22] =	ssyncset.done $0x0  }
0xa0: {  	[sflag:s22] =	ssyncadd.s32 s3;
	_ =	sdelay $0x1  }
0xa1: {  	s23 =	simm.s32 $0x1B8B  }
0xa2: {  	_ =	swait.ge [sflag:s23], $0x1  }
0xa3: {  	[sflag:s23] =	ssyncset.done $0x0  }
0xa4: {  	s25 =	simm.s32 $0x1B8E;
	s24 =	sld [smem:$0x3FFE];
	[sflag:s23] =	ssyncadd.s32 $0xFFFFFFFF  }
0xa5: {  	s26 =	simm.s32 $execute0_lowered;
	[smem:$0x3FD2] =	sst s25  }
0xa6: {  	s4 =	sshll.u32 s26, $0x1;
	_ =	strace $0x8000004C;
	[dreg:$0x1] =	wrdreg $0xFFFFFFFF  }
0xa7: {  	s28 =	simm.s32 $_size_execute0_lowered;
	s2 =	sadd.s32 s2, s4;
	[dreg:$0x0] =	wrdreg $0x0  }
0xa8: {  	s4 =	sshll.u32 s28, $0x1;
	[dreg:$0x2] =	wrdreg s2  }
0xa9: {  	[dreg:$0x3] =	wrdreg s4  }
0xaa: {  	[dreg:$0x4] =	wrdreg $0xC0  }
0xab: {  	_ =	task [dreg:s6], $0x5FFFF  }
0xac: {  	[dreg:$0x1] =	wrdreg $0xFFFFFFFF  }
0xad: {  	[dreg:$0x0] =	wrdreg $0x60  }
0xae: {  	[dreg:$0x2] =	wrdreg s24  }
0xaf: {  	[dreg:$0x3] =	wrdreg $0x90000  }
0xb0: {  	[dreg:$0x4] =	wrdreg $0x9  }
0xb1: {  	_ =	task.clear_ibuf [dreg:s6], $0x5FFFF;
	_ =	strace $0x9000004C  }
0xb2: {  	s29 =	simm.s32 $0x9;
	_ =	strace $0x8000004E  }
0xb3: {  	_ =	swait.ge [sflag:s29], $0x1  }
0xb4: {  	[sflag:s29] =	ssyncadd.s32 $0xFFFFFFFF  }
0xb5: {  	_ =	strace $0x9000004E  }
0xb6: {  	_ =	sfence  }
0xb7: {  	s30 =	sld [smem:$0x0];
	_ =	sdelay $0x2  }
0xb8: {  	s31 =	sshll.u32 s1, $0xD;
	s1 =	sshrl.u32 s1, $0x2  }
0xb9: {  	s3 =	sand.u32 $0x4000, s31;
	s1 =	sadd.s32 s1, s30  }
0xba: {  	s0 =	sor.u32 s3, s0;
	s1 =	sshll.u32 s1, $0x11  }
0xbb: {  	s0 =	sor.u32 s1, s0  }
0xbc: {  	s0 =	sadd.s32 $0x8F2B, s0  }
0xbd: {  	[sflag:s0] =	ssyncadd.remote.s32 $0x1  }
0xbe: {  	_ =	sfence.sel $0xFFFF  }
0xbf: {  	[dreg:$0x0] =	wrdreg $0xFFFFFFFF;
	(pc) =	sbr.abs _section_cstart, $3  }
0xc0: {  	[dreg:$0x1] =	wrdreg $0xFFFFFFFF  }
0xc1: {  	_ =	task.clear_ibuf [dreg:s6], $0x2FFFF;
	_ =	strace $0x9FFFFFFF  }
0xc2: {  	(tm) =	ssettm $0x7FFFFFFF  }
0xc3: {  	_ =	shalt  }
tec
execute0_lowered:
.L_overlay_start_1:
0x0: {  	(tag) =	ssettag $0x1  }
0x1: {  	s1 =	srdreg.scid;
	s6 =	rddreg [dreg:$0x0]  }
0x2: {  	s0 =	stileid.u32;
	s2 =	rddreg [dreg:$0x1]  }
0x3: {  	s3 =	simm.s32 $0x0;
	s13 =	simm.s32 $0x80;
	s14 =	simm.s32 $0x5000  }
0x4: {  	s15 =	simm.s32 $0x1;
	s5 =	sand.u32 $0x1, s1;
	s16 =	smul.u32 $0x3E80, s0  }
0x5: {  	s30 =	sshll.u32 s0, $0x1;
	[smem:$0x7FF] =	sst s3;
	s9 =	smul.u32 $0x7D000, s0  }
0x6: {  	s4 =	sadd.s32 $0x18800, s6;
	s1 =	sor.u32 s5, s30;
	s8 =	smul.u32 $0x27800, s5  }
0x7: {  	p0 =	sgt.u32 s0, $0x9;
	s5 =	ssub.s32 $0x2, s5;
	s7 =	smul.u32 $0x500, s1  }
0x8: {  	s1 =	rddreg [dreg:$0x2];
	_ =	strace $0x8000004D;
	s10 =	sadd.s32 s16, s6  }
0x9: {  	s31 =	sshrl.u32 s5, $0x1;
	s9 =	sshrl.u32 s9, $0x2;
	s8 =	sadd.s32 s8, s6  }
0xa: {  	s11 =	ssub.s32 s5, s31;
	s12 =	sadd.s32 s9, s2;
	s5 =	sadd.s32 $0x40000, s10  }
0xb: {  	s9 =	sshll.u32 @!p0 s0, $0x6;
	s7 =	sadd.s32 s7, s6;
	s17 =	sadd.s32 $0x67200, s8  }
0xc: {  	s8 =	smax.u32 s11, $0x1;
	s9 =	sor.u32 @!p0 $0x1C02, s9;
	s10 =	sshrl.u32 @!p0 s12, $0x3  }
0xd: {  	s11 =	simm.s32 $0x2;
	s12 =	simm.s32 $0x2800;
	s6 =	sadd.s32 $0xE800, s7  }
0xe: {  	s7 =	sadd.s32 $0x4800, s7;
	s16 =	sadd.s32 @!p0 s16, s17;
	s17 =	simm.s32 $0x0  }
.LBB2_1:
0xf: {  	[spmem:s10], [sflag:s9] =	dma.local @!p0 [hbm:s5], $0x3E80  }
0x10: {  	s18 =	simm.s32 @!p0 $0x2  }
0x11: {  	_ =	swait.ge @!p0 [sflag:s18], $0x3E80  }
0x12: {  	[sflag:s18] =	ssyncset.done @!p0 $0x0  }
0x13: {  	[sflag:s18] =	ssyncadd.s32 @!p0 $0xFFFFC180  }
0x14: {  	[tilespmem:s3], [sflag:$0x2] =	stream.linear.gather [hbm4b:s6+s3], $0x2780, $0x38;
	[tilespmem:$0x1C880] =	vst v63  }
0x15: {  	_ =	swait.ge [sflag:s11], $0x2780  }
0x16: {  	[sflag:s11] =	ssyncset.done $0x0  }
0x17: {  	[sflag:s11] =	ssyncadd.s32 $0xFFFFD880  }
0x18: {  	[tilespmem:s12], [sflag:$0x2] =	stream.linear.gather [hbm4b:s7+s3], $0x2780, $0x38;
	[tilespmem:$0x1C880] =	vst v63  }
0x19: {  	_ =	swait.ge [sflag:s11], $0x2780  }
0x1a: {  	[sflag:s11] =	ssyncset.done $0x0  }
0x1b: {  	[sflag:s11] =	ssyncadd.s32 $0xFFFFD880  }
0x1c: {  	s30 =	simm.s32 $0x0;
	[bflag:$0x0] =	sbarrier.arrive $0xFFFF  }
0x1d: {  	[tilespmem:s14], [sflag:$0x1] =	stream.indirect.gather [hbm4b:s4+s13], $0x80, s30, s13, $0xb8;
	[tilespmem:$0x1C880] =	vst v63  }
0x1e: {  	_ =	swait.ge [sflag:s15], $0x4000  }
0x1f: {  	[sflag:s15] =	ssyncset.done $0x0  }
0x20: {  	s31 =	simm.s32 $0x2800;
	[sflag:s15] =	ssyncadd.s32 $0xFFFFC000  }
0x21: {  	[spmem:s2] =	stream.indirect.scatter.add.f32 [tilespmem:s14], [sflag:$0x2], $0x80, s31, s13, $0xb8;
	[tilespmem:$0x1C880] =	vst v63  }
0x22: {  	_ =	swait.ge [sflag:s11], $0x4000  }
0x23: {  	s19 =	simm.s32 $0x400;
	s18 =	simm.s32 $0x200;
	[sflag:s11] =	ssyncset.done $0x0  }
.LBB2_2:
0x24: {  	s20 =	sshra.s32 s18, $0x2  }
0x25: {  	[sflag:s11] =	ssyncadd.s32 $0xFFFFC000;
	s18 =	smov.u32 s19;
	s21 =	sadd.s32 $0x200, s19  }
0x26: {  	[tilespmem:s14], [sflag:$0x1] =	stream.indirect.gather [hbm4b:s4+s13], $0x80, s20, s13, $0xb8;
	[tilespmem:$0x1C880] =	vst v63  }
0x27: {  	p1 =	sne.s32 s19, $0x9C00;
	_ =	swait.ge [sflag:s15], $0x4000  }
.Ltmp0:
0x28: {  	[sflag:s15] =	ssyncset.done $0x0;
	(pc) =	sbr.rel @p1 .LBB2_2-.Ltmp0, $4  }
0x29: {  	s19 =	sadd.s32 $0x2800, s20;
	[sflag:s15] =	ssyncadd.s32 $0xFFFFC000  }
0x2a: {  	[spmem:s2] =	stream.indirect.scatter.add.f32 [tilespmem:s14], [sflag:$0x2], $0x80, s19, s13, $0xb8;
	[tilespmem:$0x1C880] =	vst v63  }
0x2b: {  	_ =	swait.ge [sflag:s11], $0x4000  }
0x2c: {  	s19 =	smov.u32 s21;
	[sflag:s11] =	ssyncset.done $0x0  }
0x2d: {  	s18 =	sshra.s32 s18, $0x2;
	[sflag:s11] =	ssyncadd.s32 $0xFFFFC000  }
0x2e: {  	[tilespmem:s14], [sflag:$0x1] =	stream.indirect.gather [hbm4b:s4+s13], $0x80, s18, s13, $0xb8;
	[tilespmem:$0x1C880] =	vst v63  }
0x2f: {  	_ =	swait.ge [sflag:s15], $0x4000  }
0x30: {  	[sflag:s15] =	ssyncset.done $0x0  }
0x31: {  	s18 =	sadd.s32 $0x2800, s18;
	[sflag:s15] =	ssyncadd.s32 $0xFFFFC000  }
0x32: {  	[spmem:s2] =	stream.indirect.scatter.add.f32 [tilespmem:s14], [sflag:$0x2], $0x80, s18, s13, $0xb8;
	[tilespmem:$0x1C880] =	vst v63  }
0x33: {  	_ =	swait.ge [sflag:s11], $0x4000  }
0x34: {  	s17 =	sadd.s32 $0x1, s17;
	[sflag:s11] =	ssyncset.done $0x0  }
0x35: {  	p1 =	sne.s32 s17, s8;
	[sflag:s11] =	ssyncadd.s32 $0xFFFFC000  }
.Ltmp1:
0x36: {  	s18 =	simm.s32 @!p0 $0x2;
	[bflag:$0x0] =	sbarrier.arrive $0xFFFF;
	(pc) =	sbr.rel @p1 .LBB2_1-.Ltmp1, $4  }
0x37: {  	[hbm:s16], [sflag:s9] =	dma.local @!p0 [spmem:s10], $0x3E80  }
0x38: {  	_ =	swait.ge @!p0 [sflag:s18], $0x3E80  }
0x39: {  	[sflag:s18] =	ssyncset.done @!p0 $0x0  }
0x3a: {  	[sflag:s18] =	ssyncadd.s32 @!p0 $0xFFFFC180  }
0x3b: {  	_ =	sfence.sel $0x180000  }
0x3c: {  	[bflag:$0x0] =	sbarrier.arrive $0xFFFF  }
0x3d: {  	p0 =	sne.s32 s0, $0x0;
	_ =	strace $0x9000004D  }
0x3e: {  	s0 =	sadd.s32 @!p0 $0x100000, s1;
	[bflag:$0x2] =	sbarrier.arrive $0xFFFF  }
0x3f: {  	[sflag:s0] =	ssyncadd.tile.s32 @!p0 $0x1;
	_ =	shalt  }
.Lfunc_end2:
_tile_overlayer_lowered:
.L_overlay_start_2:
0x40: {  	(tag) =	ssettag $0x2  }
0x41: {  	s0 =	rddreg [dreg:$0x0];
	s2 =	stileid.u32  }
0x42: {  	s1 =	rddreg [dreg:$0x1];
	p0 =	sne.s32 s2, $0x0  }
0x43: {  	s3 =	rddreg [dreg:$0x2];
	[bflag:$0x3] =	sbarrier.arrive $0xFFFF;
	s2 =	simm.s32 @!p0 $0x1C02  }
0x44: {  	[timem:s3], [sflag:s2] =	dma.local @!p0 [hbm:s0], s1  }
0x45: {  	s0 =	simm.s32 @!p0 $0x2  }
0x46: {  	_ =	swait.ge @!p0 [sflag:s0], s1  }
0x47: {  	s1 =	ssub.s32 @!p0 $0x0, s1;
	[sflag:s0] =	ssyncset.done @!p0 $0x0  }
0x48: {  	[sflag:s0] =	ssyncadd.s32 @!p0 s1  }
0x49: {  	[bflag:$0x3] =	sbarrier.arrive $0xFFFF  }
0x4a: {  	_ =	shalt  }

// kernel: kernel.25.cloned.1.call-start
scs
__scs_entry_jumppad:
0x0: {  	(pc) =	sbr.rel $0x88, $3  }
0x1: {  	(tag) =	ssettag $0x0;
	lr =	simm.s32 $0x1  }
0x2: {  	[smem:$0x3F95] =	sst lr;
	_ =	strace $0xD0000000  }
0x3: {  	_ = 	snop  }
0x4: {  	_ = 	snop  }
0x5: {  	_ = 	snop  }
0x6: {  	_ = 	snop  }
0x7: {  	_ = 	snop  }
__scs_overlays_trampoline_lowered:
0x8: {  	[smem:$0x3FA4] =	sst s0  }
0x9: {  	[smem:$0x3FA5] =	sst s1  }
0xa: {  	[smem:$0x3FA6] =	sst s2  }
0xb: {  	[smem:$0x3FA7] =	sst s3  }
0xc: {  	[smem:$0x3FA8] =	sst s4  }
0xd: {  	[smem:$0x3FA9] =	sst s5  }
0xe: {  	[smem:$0x3FAA] =	sst s6  }
0xf: {  	[smem:$0x3FAB] =	sst s7  }
0x10: {  	[smem:$0x3FAC] =	sst s8  }
0x11: {  	[smem:$0x3FAD] =	sst s9;
	s0 =	simm.s32 @!p0 $0x0  }
0x12: {  	s1 =	sld [smem:$0x3F93];
	s0 =	simm.s32 @p0 $0x1  }
0x13: {  	[smem:$0x3FAE] =	sst s0;
	s0 =	simm.s32 @!p1 $0x0  }
0x14: {  	s2 =	sld [smem:$0x3F92];
	s0 =	simm.s32 @p1 $0x1  }
0x15: {  	[smem:$0x3FAF] =	sst s0;
	s0 =	simm.s32 @!p2 $0x0  }
0x16: {  	s3 =	sld [smem:$0x3FDB];
	s0 =	simm.s32 @p2 $0x1  }
0x17: {  	s4 =	simm.s32 $0x1BF5;
	[smem:$0x3FB1] =	sst s0  }
0x18: {  	s0 =	sld [smem:$0x3F94];
	_ =	swait.ge [sflag:s4], $0x0  }
0x19: {  	s7 =	sld [smem:$0x3F95]  }
0x1a: {  	s8 =	sadd.s32 $0xFFFFE003, lr  }
0x1b: {  	s9 =	sadd.s32 $0xFFFFFEF7, lr;
	s5 =	simm.s32 $0xFFFFFFFF;
	p2 =	slt.u32 s8, $0xFFFFF086  }
0x1c: {  	p1 =	slt.u32 s9, $0xF7A;
	s5 =	simm.s32 @!p2 $0x0  }
0x1d: {  	s5 =	simm.s32 @p1 $0x1;
	p0 =	seq.s32 s7, s2  }
0x1e: {  	s7 =	smul.u32 @!p0 $0xF7A, s2;
	p2 =	seq.s32 @!p0 s5, $0x0  }
0x1f: {  	s9 =	smul.u32 $0xF7A, s1;
	s8 =	simm.s32 @!p0 $0x1BF5;
	p2 =	por !p2, p0  }
0x20: {  	[sflag:s8] =	ssyncset.s32 @!p0 $0xFFFFF086;
	s6 =	sadd.s32 @!p0 s3, s7;
	s7 =	simm.s32 @!p0 $0x108  }
0x21: {  	s3 =	sadd.s32 s3, s9;
	s6 =	sadd.s32 @!p0 $0x88, s6;
	s7 =	simm.s32 @p2 $0x1082  }
0x22: {  	[simem:s7], [sflag:s8] =	dma.local @!p0 [hbm:s6], $0xF7A  }
0x23: {  	s9 =	sor.u32 $0xD0000000, s2;
	s6 =	simm.s32 $0x108;
	_ =	swait.ge @!p0 [sflag:s8], $0x0  }
0x24: {  	s3 =	sadd.s32 $0x88, s3;
	s6 =	simm.s32 @!p1 $0x1082;
	[sflag:s4] =	ssyncset.s32 $0xFFFFF086  }
0x25: {  	[simem:s6], [sflag:s4] =	dma.local [hbm:s3], $0xF7A  }
0x26: {  	[smem:$0x3F95] =	sst s1;
	(tag) =	ssettag s2;
	_ =	strace s9  }
0x27: {  	s1 =	sld [smem:$0x3FA5]  }
0x28: {  	s2 =	sld [smem:$0x3FA6]  }
0x29: {  	s4 =	sld [smem:$0x3FA8]  }
0x2a: {  	p0 =	seq.s32 s5, $0x0;
	s5 =	sld [smem:$0x3FA9]  }
0x2b: {  	s6 =	sld [smem:$0x3FAA]  }
0x2c: {  	s7 =	sld [smem:$0x3FAB]  }
0x2d: {  	s3 =	simm.s32 $0x108;
	s8 =	sld [smem:$0x3FAC]  }
0x2e: {  	s3 =	simm.s32 @!p0 $0x1082;
	s9 =	sld [smem:$0x3FAD]  }
0x2f: {  	lr =	sadd.s32 s0, s3;
	s0 =	sld [smem:$0x3FA4]  }
0x30: {  	s3 =	sld [smem:$0x3FA7]  }
0x31: {  	[smem:$0x3FB0] =	sst s10  }
0x32: {  	s10 =	sld [smem:$0x3FAE];
	_ =	sdelay $0x3  }
0x33: {  	p0 =	seq.s32 s10, $0x1;
	s10 =	sld [smem:$0x3FB0];
	_ =	sdelay $0x3  }
0x34: {  	[smem:$0x3FB0] =	sst s10  }
0x35: {  	s10 =	sld [smem:$0x3FAF];
	_ =	sdelay $0x3  }
0x36: {  	p1 =	seq.s32 s10, $0x1;
	s10 =	sld [smem:$0x3FB0];
	_ =	sdelay $0x3  }
0x37: {  	[smem:$0x3FB0] =	sst s10  }
0x38: {  	s10 =	sld [smem:$0x3FB1]  }
0x39: {  	_ = 	snop;
	(pc) =	sbr.ind lr, $3  }
0x3a: {  	_ = 	snop  }
0x3b: {  	_ = 	snop  }
0x3c: {  	p2 =	seq.s32 s10, $0x1;
	s10 =	sld [smem:$0x3FB0]  }
0x3d: {  	_ =	shalt  }
0x3e: {  	_ =	shalt  }
0x3f: {  	_ =	shalt  }
0x40: {  	_ =	shalt  }
0x41: {  	_ =	shalt  }
0x42: {  	_ =	shalt  }
0x43: {  	_ =	shalt  }
0x44: {  	_ =	shalt  }
0x45: {  	_ =	shalt  }
0x46: {  	_ =	shalt  }
0x47: {  	_ =	shalt  }
0x48: {  	_ =	shalt  }
0x49: {  	_ =	shalt  }
0x4a: {  	_ =	shalt  }
0x4b: {  	_ =	shalt  }
0x4c: {  	_ =	shalt  }
0x4d: {  	_ =	shalt  }
0x4e: {  	_ =	shalt  }
0x4f: {  	_ =	shalt  }
0x50: {  	_ =	shalt  }
0x51: {  	_ =	shalt  }
0x52: {  	_ =	shalt  }
0x53: {  	_ =	shalt  }
0x54: {  	_ =	shalt  }
0x55: {  	_ =	shalt  }
0x56: {  	_ =	shalt  }
0x57: {  	_ =	shalt  }
0x58: {  	_ =	shalt  }
0x59: {  	_ =	shalt  }
0x5a: {  	_ =	shalt  }
0x5b: {  	_ =	shalt  }
0x5c: {  	_ =	shalt  }
0x5d: {  	_ =	shalt  }
0x5e: {  	_ =	shalt  }
0x5f: {  	_ =	shalt  }
0x60: {  	_ =	shalt  }
0x61: {  	_ =	shalt  }
0x62: {  	_ =	shalt  }
0x63: {  	_ =	shalt  }
0x64: {  	_ =	shalt  }
0x65: {  	_ =	shalt  }
0x66: {  	_ =	shalt  }
0x67: {  	_ =	shalt  }
0x68: {  	_ =	shalt  }
0x69: {  	_ =	shalt  }
0x6a: {  	_ =	shalt  }
0x6b: {  	_ =	shalt  }
0x6c: {  	_ =	shalt  }
0x6d: {  	_ =	shalt  }
0x6e: {  	_ =	shalt  }
0x6f: {  	_ =	shalt  }
0x70: {  	_ =	shalt  }
0x71: {  	_ =	shalt  }
0x72: {  	_ =	shalt  }
0x73: {  	_ =	shalt  }
0x74: {  	_ =	shalt  }
0x75: {  	_ =	shalt  }
0x76: {  	_ =	shalt  }
0x77: {  	_ =	shalt  }
0x78: {  	_ =	shalt  }
0x79: {  	_ =	shalt  }
0x7a: {  	_ =	shalt  }
0x7b: {  	_ =	shalt  }
0x7c: {  	_ =	shalt  }
0x7d: {  	_ =	shalt  }
0x7e: {  	_ =	shalt  }
0x7f: {  	_ =	shalt  }
0x80: {  	_ =	shalt  }
0x81: {  	_ =	shalt  }
0x82: {  	_ =	shalt  }
0x83: {  	_ =	shalt  }
0x84: {  	_ =	shalt  }
0x85: {  	_ =	shalt  }
0x86: {  	_ =	shalt  }
0x87: {  	_ =	shalt  }
.Lfunc_end0:
.L_simem_size_0:
called_computation.3_lowered:
.L_overlay_start_0:
0x88: {  	s2 =	sld [smem:$0x3FD9]  }
0x89: {  	s3 =	sld [smem:$0x3FFE];
	_ =	sdelay $0x1  }
0x8a: {  	s1 =	srdreg.scid  }
0x8b: {  	s0 =	sand.u32 $0x1, s1  }
0x8c: {  	s16 =	sshll.u32 s0, $0xA;
	s2 =	sadd.s32 s3, s2  }
0x8d: {  	s2 =	sadd.s32 s2, s16  }
0x8e: {  	[smem:$0x3FBC] =	sst s2  }
0x8f: {  	_ = 	snop  }
0x90: {  	(tm) =	ssettm $0x1  }
0x91: {  	s17 =	sld [smem:$0x3FFB];
	_ =	sdelay $0x3  }
0x92: {  	_ =	strace s17  }
0x93: {  	s2 =	sld [smem:$0x3FFC];
	_ =	sdelay $0x3  }
0x94: {  	_ =	strace s2  }
0x95: {  	s2 =	sld [smem:$0x3FFD];
	_ =	sdelay $0x3  }
0x96: {  	_ =	strace s2  }
0x97: {  	_ =	strace $0x8FFFFFFF  }
0x98: {  	s18 =	sld [smem:$0x3FDB];
	_ =	sdelay $0x1  }
0x99: {  	s19 =	simm.s32 $_scs_section_size  }
0x9a: {  	s4 =	simm.s32 $_size__tile_overlayer_lowered;
	s5 =	simm.s32 $_tile_overlayer_lowered  }
0x9b: {  	s22 =	simm.s32 $0x1BFF;
	s21 =	sshll.u32 s5, $0x1;
	s2 =	sadd.s32 s19, s18  }
0x9c: {  	s6 =	simm.s32 $0x0;
	s20 =	sshll.u32 s4, $0x1;
	s4 =	sadd.s32 s21, s2  }
0x9d: {  	[timem:s6], [sflag:s22] =	dma.local [hbm:s4], s20  }
0x9e: {  	_ =	swait.ge [sflag:s22], s20  }
0x9f: {  	s3 =	ssub.s32 $0x0, s20;
	[sflag:s22] =	ssyncset.done $0x0  }
0xa0: {  	[sflag:s22] =	ssyncadd.s32 s3;
	_ =	sdelay $0x1  }
0xa1: {  	s23 =	simm.s32 $0x1B8B  }
0xa2: {  	_ =	swait.ge [sflag:s23], $0x1  }
0xa3: {  	[sflag:s23] =	ssyncset.done $0x0  }
0xa4: {  	s25 =	simm.s32 $0x1B8E;
	s24 =	sld [smem:$0x3FFE];
	[sflag:s23] =	ssyncadd.s32 $0xFFFFFFFF  }
0xa5: {  	s26 =	simm.s32 $execute0_lowered;
	[smem:$0x3FD2] =	sst s25  }
0xa6: {  	s4 =	sshll.u32 s26, $0x1;
	_ =	strace $0x8000004F;
	[dreg:$0x1] =	wrdreg $0xFFFFFFFF  }
0xa7: {  	s28 =	simm.s32 $_size_execute0_lowered;
	s2 =	sadd.s32 s2, s4;
	[dreg:$0x0] =	wrdreg $0x0  }
0xa8: {  	s4 =	sshll.u32 s28, $0x1;
	[dreg:$0x2] =	wrdreg s2  }
0xa9: {  	[dreg:$0x3] =	wrdreg s4  }
0xaa: {  	[dreg:$0x4] =	wrdreg $0xC0  }
0xab: {  	_ =	task [dreg:s6], $0x5FFFF  }
0xac: {  	[dreg:$0x1] =	wrdreg $0xFFFFFFFF  }
0xad: {  	[dreg:$0x0] =	wrdreg $0x60  }
0xae: {  	[dreg:$0x2] =	wrdreg s24  }
0xaf: {  	[dreg:$0x3] =	wrdreg $0x90000  }
0xb0: {  	[dreg:$0x4] =	wrdreg $0x9  }
0xb1: {  	_ =	task.clear_ibuf [dreg:s6], $0x5FFFF;
	_ =	strace $0x9000004F  }
0xb2: {  	s29 =	simm.s32 $0x9;
	_ =	strace $0x80000051  }
0xb3: {  	_ =	swait.ge [sflag:s29], $0x1  }
0xb4: {  	[sflag:s29] =	ssyncadd.s32 $0xFFFFFFFF  }
0xb5: {  	_ =	strace $0x90000051  }
0xb6: {  	_ =	sfence  }
0xb7: {  	s30 =	sld [smem:$0x0];
	_ =	sdelay $0x2  }
0xb8: {  	s31 =	sshll.u32 s1, $0xD;
	s1 =	sshrl.u32 s1, $0x2  }
0xb9: {  	s3 =	sand.u32 $0x4000, s31;
	s1 =	sadd.s32 s1, s30  }
0xba: {  	s0 =	sor.u32 s3, s0;
	s1 =	sshll.u32 s1, $0x11  }
0xbb: {  	s0 =	sor.u32 s1, s0  }
0xbc: {  	s0 =	sadd.s32 $0x8F2B, s0  }
0xbd: {  	[sflag:s0] =	ssyncadd.remote.s32 $0x1  }
0xbe: {  	_ =	sfence.sel $0xFFFF  }
0xbf: {  	[dreg:$0x0] =	wrdreg $0xFFFFFFFF;
	(pc) =	sbr.abs _section_cstart, $3  }
0xc0: {  	[dreg:$0x1] =	wrdreg $0xFFFFFFFF  }
0xc1: {  	_ =	task.clear_ibuf [dreg:s6], $0x2FFFF;
	_ =	strace $0x9FFFFFFF  }
0xc2: {  	(tm) =	ssettm $0x7FFFFFFF  }
0xc3: {  	_ =	shalt  }
tec
execute0_lowered:
.L_overlay_start_1:
0x0: {  	(tag) =	ssettag $0x1  }
0x1: {  	s1 =	srdreg.scid;
	s6 =	rddreg [dreg:$0x0]  }
0x2: {  	s0 =	stileid.u32;
	s2 =	rddreg [dreg:$0x1]  }
0x3: {  	s3 =	simm.s32 $0x0;
	s13 =	simm.s32 $0x80;
	s14 =	simm.s32 $0x5000  }
0x4: {  	s15 =	simm.s32 $0x1;
	s5 =	sand.u32 $0x1, s1;
	s16 =	smul.u32 $0x3E80, s0  }
0x5: {  	s30 =	sshll.u32 s0, $0x1;
	[smem:$0x7FF] =	sst s3;
	s9 =	smul.u32 $0x7D000, s0  }
0x6: {  	s4 =	sadd.s32 $0x18800, s6;
	s1 =	sor.u32 s5, s30;
	s8 =	smul.u32 $0x27800, s5  }
0x7: {  	p0 =	sgt.u32 s0, $0x9;
	s5 =	ssub.s32 $0x2, s5;
	s7 =	smul.u32 $0x500, s1  }
0x8: {  	s1 =	rddreg [dreg:$0x2];
	_ =	strace $0x80000050;
	s10 =	sadd.s32 s16, s6  }
0x9: {  	s31 =	sshrl.u32 s5, $0x1;
	s9 =	sshrl.u32 s9, $0x2;
	s8 =	sadd.s32 s8, s6  }
0xa: {  	s11 =	ssub.s32 s5, s31;
	s12 =	sadd.s32 s9, s2;
	s5 =	sadd.s32 $0x40000, s10  }
0xb: {  	s9 =	sshll.u32 @!p0 s0, $0x6;
	s7 =	sadd.s32 s7, s6;
	s17 =	sadd.s32 $0x67200, s8  }
0xc: {  	s8 =	smax.u32 s11, $0x1;
	s9 =	sor.u32 @!p0 $0x1C02, s9;
	s10 =	sshrl.u32 @!p0 s12, $0x3  }
0xd: {  	s11 =	simm.s32 $0x2;
	s12 =	simm.s32 $0x2800;
	s6 =	sadd.s32 $0xE800, s7  }
0xe: {  	s7 =	sadd.s32 $0x4800, s7;
	s16 =	sadd.s32 @!p0 s16, s17;
	s17 =	simm.s32 $0x0  }
.LBB2_1:
0xf: {  	[spmem:s10], [sflag:s9] =	dma.local @!p0 [hbm:s5], $0x3E80  }
0x10: {  	s18 =	simm.s32 @!p0 $0x2  }
0x11: {  	_ =	swait.ge @!p0 [sflag:s18], $0x3E80  }
0x12: {  	[sflag:s18] =	ssyncset.done @!p0 $0x0  }
0x13: {  	[sflag:s18] =	ssyncadd.s32 @!p0 $0xFFFFC180  }
0x14: {  	[tilespmem:s3], [sflag:$0x2] =	stream.linear.gather [hbm4b:s6+s3], $0x2780, $0x38;
	[tilespmem:$0x1C880] =	vst v63  }
0x15: {  	_ =	swait.ge [sflag:s11], $0x2780  }
0x16: {  	[sflag:s11] =	ssyncset.done $0x0  }
0x17: {  	[sflag:s11] =	ssyncadd.s32 $0xFFFFD880  }
0x18: {  	[tilespmem:s12], [sflag:$0x2] =	stream.linear.gather [hbm4b:s7+s3], $0x2780, $0x38;
	[tilespmem:$0x1C880] =	vst v63  }
0x19: {  	_ =	swait.ge [sflag:s11], $0x2780  }
0x1a: {  	[sflag:s11] =	ssyncset.done $0x0  }
0x1b: {  	[sflag:s11] =	ssyncadd.s32 $0xFFFFD880  }
0x1c: {  	s30 =	simm.s32 $0x0;
	[bflag:$0x0] =	sbarrier.arrive $0xFFFF  }
0x1d: {  	[tilespmem:s14], [sflag:$0x1] =	stream.indirect.gather [hbm4b:s4+s13], $0x80, s30, s13, $0xb8;
	[tilespmem:$0x1C880] =	vst v63  }
0x1e: {  	_ =	swait.ge [sflag:s15], $0x4000  }
0x1f: {  	[sflag:s15] =	ssyncset.done $0x0  }
0x20: {  	s31 =	simm.s32 $0x2800;
	[sflag:s15] =	ssyncadd.s32 $0xFFFFC000  }
0x21: {  	[spmem:s2] =	stream.indirect.scatter.add.f32 [tilespmem:s14], [sflag:$0x2], $0x80, s31, s13, $0xb8;
	[tilespmem:$0x1C880] =	vst v63  }
0x22: {  	_ =	swait.ge [sflag:s11], $0x4000  }
0x23: {  	s19 =	simm.s32 $0x400;
	s18 =	simm.s32 $0x200;
	[sflag:s11] =	ssyncset.done $0x0  }
.LBB2_2:
0x24: {  	s20 =	sshra.s32 s18, $0x2  }
0x25: {  	[sflag:s11] =	ssyncadd.s32 $0xFFFFC000;
	s18 =	smov.u32 s19;
	s21 =	sadd.s32 $0x200, s19  }
0x26: {  	[tilespmem:s14], [sflag:$0x1] =	stream.indirect.gather [hbm4b:s4+s13], $0x80, s20, s13, $0xb8;
	[tilespmem:$0x1C880] =	vst v63  }
0x27: {  	p1 =	sne.s32 s19, $0x9C00;
	_ =	swait.ge [sflag:s15], $0x4000  }
.Ltmp0:
0x28: {  	[sflag:s15] =	ssyncset.done $0x0;
	(pc) =	sbr.rel @p1 .LBB2_2-.Ltmp0, $4  }
0x29: {  	s19 =	sadd.s32 $0x2800, s20;
	[sflag:s15] =	ssyncadd.s32 $0xFFFFC000  }
0x2a: {  	[spmem:s2] =	stream.indirect.scatter.add.f32 [tilespmem:s14], [sflag:$0x2], $0x80, s19, s13, $0xb8;
	[tilespmem:$0x1C880] =	vst v63  }
0x2b: {  	_ =	swait.ge [sflag:s11], $0x4000  }
0x2c: {  	s19 =	smov.u32 s21;
	[sflag:s11] =	ssyncset.done $0x0  }
0x2d: {  	s18 =	sshra.s32 s18, $0x2;
	[sflag:s11] =	ssyncadd.s32 $0xFFFFC000  }
0x2e: {  	[tilespmem:s14], [sflag:$0x1] =	stream.indirect.gather [hbm4b:s4+s13], $0x80, s18, s13, $0xb8;
	[tilespmem:$0x1C880] =	vst v63  }
0x2f: {  	_ =	swait.ge [sflag:s15], $0x4000  }
0x30: {  	[sflag:s15] =	ssyncset.done $0x0  }
0x31: {  	s18 =	sadd.s32 $0x2800, s18;
	[sflag:s15] =	ssyncadd.s32 $0xFFFFC000  }
0x32: {  	[spmem:s2] =	stream.indirect.scatter.add.f32 [tilespmem:s14], [sflag:$0x2], $0x80, s18, s13, $0xb8;
	[tilespmem:$0x1C880] =	vst v63  }
0x33: {  	_ =	swait.ge [sflag:s11], $0x4000  }
0x34: {  	s17 =	sadd.s32 $0x1, s17;
	[sflag:s11] =	ssyncset.done $0x0  }
0x35: {  	p1 =	sne.s32 s17, s8;
	[sflag:s11] =	ssyncadd.s32 $0xFFFFC000  }
.Ltmp1:
0x36: {  	s18 =	simm.s32 @!p0 $0x2;
	[bflag:$0x0] =	sbarrier.arrive $0xFFFF;
	(pc) =	sbr.rel @p1 .LBB2_1-.Ltmp1, $4  }
0x37: {  	[hbm:s16], [sflag:s9] =	dma.local @!p0 [spmem:s10], $0x3E80  }
0x38: {  	_ =	swait.ge @!p0 [sflag:s18], $0x3E80  }
0x39: {  	[sflag:s18] =	ssyncset.done @!p0 $0x0  }
0x3a: {  	[sflag:s18] =	ssyncadd.s32 @!p0 $0xFFFFC180  }
0x3b: {  	_ =	sfence.sel $0x180000  }
0x3c: {  	[bflag:$0x0] =	sbarrier.arrive $0xFFFF  }
0x3d: {  	p0 =	sne.s32 s0, $0x0;
	_ =	strace $0x90000050  }
0x3e: {  	s0 =	sadd.s32 @!p0 $0x100000, s1;
	[bflag:$0x2] =	sbarrier.arrive $0xFFFF  }
0x3f: {  	[sflag:s0] =	ssyncadd.tile.s32 @!p0 $0x1;
	_ =	shalt  }
.Lfunc_end2:
_tile_overlayer_lowered:
.L_overlay_start_2:
0x40: {  	(tag) =	ssettag $0x2  }
0x41: {  	s0 =	rddreg [dreg:$0x0];
	s2 =	stileid.u32  }
0x42: {  	s1 =	rddreg [dreg:$0x1];
	p0 =	sne.s32 s2, $0x0  }
0x43: {  	s3 =	rddreg [dreg:$0x2];
	[bflag:$0x3] =	sbarrier.arrive $0xFFFF;
	s2 =	simm.s32 @!p0 $0x1C02  }
0x44: {  	[timem:s3], [sflag:s2] =	dma.local @!p0 [hbm:s0], s1  }
0x45: {  	s0 =	simm.s32 @!p0 $0x2  }
0x46: {  	_ =	swait.ge @!p0 [sflag:s0], s1  }
0x47: {  	s1 =	ssub.s32 @!p0 $0x0, s1;
	[sflag:s0] =	ssyncset.done @!p0 $0x0  }
0x48: {  	[sflag:s0] =	ssyncadd.s32 @!p0 s1  }
0x49: {  	[bflag:$0x3] =	sbarrier.arrive $0xFFFF  }
0x4a: {  	_ =	shalt  }

// kernel: kernel.28.cloned.1.call-start
scs
__scs_entry_jumppad:
0x0: {  	(pc) =	sbr.rel $0x88, $3  }
0x1: {  	(tag) =	ssettag $0x0;
	lr =	simm.s32 $0x1  }
0x2: {  	[smem:$0x3F95] =	sst lr;
	_ =	strace $0xD0000000  }
0x3: {  	_ = 	snop  }
0x4: {  	_ = 	snop  }
0x5: {  	_ = 	snop  }
0x6: {  	_ = 	snop  }
0x7: {  	_ = 	snop  }
__scs_overlays_trampoline_lowered:
0x8: {  	[smem:$0x3FA4] =	sst s0  }
0x9: {  	[smem:$0x3FA5] =	sst s1  }
0xa: {  	[smem:$0x3FA6] =	sst s2  }
0xb: {  	[smem:$0x3FA7] =	sst s3  }
0xc: {  	[smem:$0x3FA8] =	sst s4  }
0xd: {  	[smem:$0x3FA9] =	sst s5  }
0xe: {  	[smem:$0x3FAA] =	sst s6  }
0xf: {  	[smem:$0x3FAB] =	sst s7  }
0x10: {  	[smem:$0x3FAC] =	sst s8  }
0x11: {  	[smem:$0x3FAD] =	sst s9;
	s0 =	simm.s32 @!p0 $0x0  }
0x12: {  	s1 =	sld [smem:$0x3F93];
	s0 =	simm.s32 @p0 $0x1  }
0x13: {  	[smem:$0x3FAE] =	sst s0;
	s0 =	simm.s32 @!p1 $0x0  }
0x14: {  	s2 =	sld [smem:$0x3F92];
	s0 =	simm.s32 @p1 $0x1  }
0x15: {  	[smem:$0x3FAF] =	sst s0;
	s0 =	simm.s32 @!p2 $0x0  }
0x16: {  	s3 =	sld [smem:$0x3FDB];
	s0 =	simm.s32 @p2 $0x1  }
0x17: {  	s4 =	simm.s32 $0x1BF5;
	[smem:$0x3FB1] =	sst s0  }
0x18: {  	s0 =	sld [smem:$0x3F94];
	_ =	swait.ge [sflag:s4], $0x0  }
0x19: {  	s7 =	sld [smem:$0x3F95]  }
0x1a: {  	s8 =	sadd.s32 $0xFFFFE003, lr  }
0x1b: {  	s9 =	sadd.s32 $0xFFFFFEF7, lr;
	s5 =	simm.s32 $0xFFFFFFFF;
	p2 =	slt.u32 s8, $0xFFFFF086  }
0x1c: {  	p1 =	slt.u32 s9, $0xF7A;
	s5 =	simm.s32 @!p2 $0x0  }
0x1d: {  	s5 =	simm.s32 @p1 $0x1;
	p0 =	seq.s32 s7, s2  }
0x1e: {  	s7 =	smul.u32 @!p0 $0xF7A, s2;
	p2 =	seq.s32 @!p0 s5, $0x0  }
0x1f: {  	s9 =	smul.u32 $0xF7A, s1;
	s8 =	simm.s32 @!p0 $0x1BF5;
	p2 =	por !p2, p0  }
0x20: {  	[sflag:s8] =	ssyncset.s32 @!p0 $0xFFFFF086;
	s6 =	sadd.s32 @!p0 s3, s7;
	s7 =	simm.s32 @!p0 $0x108  }
0x21: {  	s3 =	sadd.s32 s3, s9;
	s6 =	sadd.s32 @!p0 $0x88, s6;
	s7 =	simm.s32 @p2 $0x1082  }
0x22: {  	[simem:s7], [sflag:s8] =	dma.local @!p0 [hbm:s6], $0xF7A  }
0x23: {  	s9 =	sor.u32 $0xD0000000, s2;
	s6 =	simm.s32 $0x108;
	_ =	swait.ge @!p0 [sflag:s8], $0x0  }
0x24: {  	s3 =	sadd.s32 $0x88, s3;
	s6 =	simm.s32 @!p1 $0x1082;
	[sflag:s4] =	ssyncset.s32 $0xFFFFF086  }
0x25: {  	[simem:s6], [sflag:s4] =	dma.local [hbm:s3], $0xF7A  }
0x26: {  	[smem:$0x3F95] =	sst s1;
	(tag) =	ssettag s2;
	_ =	strace s9  }
0x27: {  	s1 =	sld [smem:$0x3FA5]  }
0x28: {  	s2 =	sld [smem:$0x3FA6]  }
0x29: {  	s4 =	sld [smem:$0x3FA8]  }
0x2a: {  	p0 =	seq.s32 s5, $0x0;
	s5 =	sld [smem:$0x3FA9]  }
0x2b: {  	s6 =	sld [smem:$0x3FAA]  }
0x2c: {  	s7 =	sld [smem:$0x3FAB]  }
0x2d: {  	s3 =	simm.s32 $0x108;
	s8 =	sld [smem:$0x3FAC]  }
0x2e: {  	s3 =	simm.s32 @!p0 $0x1082;
	s9 =	sld [smem:$0x3FAD]  }
0x2f: {  	lr =	sadd.s32 s0, s3;
	s0 =	sld [smem:$0x3FA4]  }
0x30: {  	s3 =	sld [smem:$0x3FA7]  }
0x31: {  	[smem:$0x3FB0] =	sst s10  }
0x32: {  	s10 =	sld [smem:$0x3FAE];
	_ =	sdelay $0x3  }
0x33: {  	p0 =	seq.s32 s10, $0x1;
	s10 =	sld [smem:$0x3FB0];
	_ =	sdelay $0x3  }
0x34: {  	[smem:$0x3FB0] =	sst s10  }
0x35: {  	s10 =	sld [smem:$0x3FAF];
	_ =	sdelay $0x3  }
0x36: {  	p1 =	seq.s32 s10, $0x1;
	s10 =	sld [smem:$0x3FB0];
	_ =	sdelay $0x3  }
0x37: {  	[smem:$0x3FB0] =	sst s10  }
0x38: {  	s10 =	sld [smem:$0x3FB1]  }
0x39: {  	_ = 	snop;
	(pc) =	sbr.ind lr, $3  }
0x3a: {  	_ = 	snop  }
0x3b: {  	_ = 	snop  }
0x3c: {  	p2 =	seq.s32 s10, $0x1;
	s10 =	sld [smem:$0x3FB0]  }
0x3d: {  	_ =	shalt  }
0x3e: {  	_ =	shalt  }
0x3f: {  	_ =	shalt  }
0x40: {  	_ =	shalt  }
0x41: {  	_ =	shalt  }
0x42: {  	_ =	shalt  }
0x43: {  	_ =	shalt  }
0x44: {  	_ =	shalt  }
0x45: {  	_ =	shalt  }
0x46: {  	_ =	shalt  }
0x47: {  	_ =	shalt  }
0x48: {  	_ =	shalt  }
0x49: {  	_ =	shalt  }
0x4a: {  	_ =	shalt  }
0x4b: {  	_ =	shalt  }
0x4c: {  	_ =	shalt  }
0x4d: {  	_ =	shalt  }
0x4e: {  	_ =	shalt  }
0x4f: {  	_ =	shalt  }
0x50: {  	_ =	shalt  }
0x51: {  	_ =	shalt  }
0x52: {  	_ =	shalt  }
0x53: {  	_ =	shalt  }
0x54: {  	_ =	shalt  }
0x55: {  	_ =	shalt  }
0x56: {  	_ =	shalt  }
0x57: {  	_ =	shalt  }
0x58: {  	_ =	shalt  }
0x59: {  	_ =	shalt  }
0x5a: {  	_ =	shalt  }
0x5b: {  	_ =	shalt  }
0x5c: {  	_ =	shalt  }
0x5d: {  	_ =	shalt  }
0x5e: {  	_ =	shalt  }
0x5f: {  	_ =	shalt  }
0x60: {  	_ =	shalt  }
0x61: {  	_ =	shalt  }
0x62: {  	_ =	shalt  }
0x63: {  	_ =	shalt  }
0x64: {  	_ =	shalt  }
0x65: {  	_ =	shalt  }
0x66: {  	_ =	shalt  }
0x67: {  	_ =	shalt  }
0x68: {  	_ =	shalt  }
0x69: {  	_ =	shalt  }
0x6a: {  	_ =	shalt  }
0x6b: {  	_ =	shalt  }
0x6c: {  	_ =	shalt  }
0x6d: {  	_ =	shalt  }
0x6e: {  	_ =	shalt  }
0x6f: {  	_ =	shalt  }
0x70: {  	_ =	shalt  }
0x71: {  	_ =	shalt  }
0x72: {  	_ =	shalt  }
0x73: {  	_ =	shalt  }
0x74: {  	_ =	shalt  }
0x75: {  	_ =	shalt  }
0x76: {  	_ =	shalt  }
0x77: {  	_ =	shalt  }
0x78: {  	_ =	shalt  }
0x79: {  	_ =	shalt  }
0x7a: {  	_ =	shalt  }
0x7b: {  	_ =	shalt  }
0x7c: {  	_ =	shalt  }
0x7d: {  	_ =	shalt  }
0x7e: {  	_ =	shalt  }
0x7f: {  	_ =	shalt  }
0x80: {  	_ =	shalt  }
0x81: {  	_ =	shalt  }
0x82: {  	_ =	shalt  }
0x83: {  	_ =	shalt  }
0x84: {  	_ =	shalt  }
0x85: {  	_ =	shalt  }
0x86: {  	_ =	shalt  }
0x87: {  	_ =	shalt  }
.Lfunc_end0:
.L_simem_size_0:
called_computation.4_lowered:
.L_overlay_start_0:
0x88: {  	s2 =	sld [smem:$0x3FD9]  }
0x89: {  	s3 =	sld [smem:$0x3FFE];
	_ =	sdelay $0x1  }
0x8a: {  	s1 =	srdreg.scid  }
0x8b: {  	s0 =	sand.u32 $0x1, s1  }
0x8c: {  	s16 =	sshll.u32 s0, $0xA;
	s2 =	sadd.s32 s3, s2  }
0x8d: {  	s2 =	sadd.s32 s2, s16  }
0x8e: {  	[smem:$0x3FBC] =	sst s2  }
0x8f: {  	_ = 	snop  }
0x90: {  	(tm) =	ssettm $0x1  }
0x91: {  	s17 =	sld [smem:$0x3FFB];
	_ =	sdelay $0x3  }
0x92: {  	_ =	strace s17  }
0x93: {  	s2 =	sld [smem:$0x3FFC];
	_ =	sdelay $0x3  }
0x94: {  	_ =	strace s2  }
0x95: {  	s2 =	sld [smem:$0x3FFD];
	_ =	sdelay $0x3  }
0x96: {  	_ =	strace s2  }
0x97: {  	_ =	strace $0x8FFFFFFF  }
0x98: {  	s18 =	sld [smem:$0x3FDB];
	_ =	sdelay $0x1  }
0x99: {  	s19 =	simm.s32 $_scs_section_size  }
0x9a: {  	s4 =	simm.s32 $_size__tile_overlayer_lowered;
	s5 =	simm.s32 $_tile_overlayer_lowered  }
0x9b: {  	s22 =	simm.s32 $0x1BFF;
	s21 =	sshll.u32 s5, $0x1;
	s2 =	sadd.s32 s19, s18  }
0x9c: {  	s6 =	simm.s32 $0x0;
	s20 =	sshll.u32 s4, $0x1;
	s4 =	sadd.s32 s21, s2  }
0x9d: {  	[timem:s6], [sflag:s22] =	dma.local [hbm:s4], s20  }
0x9e: {  	_ =	swait.ge [sflag:s22], s20  }
0x9f: {  	s3 =	ssub.s32 $0x0, s20;
	[sflag:s22] =	ssyncset.done $0x0  }
0xa0: {  	[sflag:s22] =	ssyncadd.s32 s3;
	_ =	sdelay $0x1  }
0xa1: {  	s23 =	simm.s32 $0x1B8B  }
0xa2: {  	_ =	swait.ge [sflag:s23], $0x1  }
0xa3: {  	[sflag:s23] =	ssyncset.done $0x0  }
0xa4: {  	s25 =	simm.s32 $0x1B8E;
	s24 =	sld [smem:$0x3FFE];
	[sflag:s23] =	ssyncadd.s32 $0xFFFFFFFF  }
0xa5: {  	s26 =	simm.s32 $execute0_lowered;
	[smem:$0x3FD2] =	sst s25  }
0xa6: {  	s4 =	sshll.u32 s26, $0x1;
	_ =	strace $0x80000052;
	[dreg:$0x1] =	wrdreg $0xFFFFFFFF  }
0xa7: {  	s28 =	simm.s32 $_size_execute0_lowered;
	s2 =	sadd.s32 s2, s4;
	[dreg:$0x0] =	wrdreg $0x0  }
0xa8: {  	s4 =	sshll.u32 s28, $0x1;
	[dreg:$0x2] =	wrdreg s2  }
0xa9: {  	[dreg:$0x3] =	wrdreg s4  }
0xaa: {  	[dreg:$0x4] =	wrdreg $0xC0  }
0xab: {  	_ =	task [dreg:s6], $0x5FFFF  }
0xac: {  	[dreg:$0x1] =	wrdreg $0xFFFFFFFF  }
0xad: {  	[dreg:$0x0] =	wrdreg $0x60  }
0xae: {  	[dreg:$0x2] =	wrdreg s24  }
0xaf: {  	[dreg:$0x3] =	wrdreg $0x90000  }
0xb0: {  	[dreg:$0x4] =	wrdreg $0x9  }
0xb1: {  	_ =	task.clear_ibuf [dreg:s6], $0x5FFFF;
	_ =	strace $0x90000052  }
0xb2: {  	s29 =	simm.s32 $0x9;
	_ =	strace $0x80000054  }
0xb3: {  	_ =	swait.ge [sflag:s29], $0x1  }
0xb4: {  	[sflag:s29] =	ssyncadd.s32 $0xFFFFFFFF  }
0xb5: {  	_ =	strace $0x90000054  }
0xb6: {  	_ =	sfence  }
0xb7: {  	s30 =	sld [smem:$0x0];
	_ =	sdelay $0x2  }
0xb8: {  	s31 =	sshll.u32 s1, $0xD;
	s1 =	sshrl.u32 s1, $0x2  }
0xb9: {  	s3 =	sand.u32 $0x4000, s31;
	s1 =	sadd.s32 s1, s30  }
0xba: {  	s0 =	sor.u32 s3, s0;
	s1 =	sshll.u32 s1, $0x11  }
0xbb: {  	s0 =	sor.u32 s1, s0  }
0xbc: {  	s0 =	sadd.s32 $0x8F2B, s0  }
0xbd: {  	[sflag:s0] =	ssyncadd.remote.s32 $0x1  }
0xbe: {  	_ =	sfence.sel $0xFFFF  }
0xbf: {  	[dreg:$0x0] =	wrdreg $0xFFFFFFFF;
	(pc) =	sbr.abs _section_cstart, $3  }
0xc0: {  	[dreg:$0x1] =	wrdreg $0xFFFFFFFF  }
0xc1: {  	_ =	task.clear_ibuf [dreg:s6], $0x2FFFF;
	_ =	strace $0x9FFFFFFF  }
0xc2: {  	(tm) =	ssettm $0x7FFFFFFF  }
0xc3: {  	_ =	shalt  }
tec
execute0_lowered:
.L_overlay_start_1:
0x0: {  	(tag) =	ssettag $0x1  }
0x1: {  	s1 =	srdreg.scid;
	s6 =	rddreg [dreg:$0x0]  }
0x2: {  	s0 =	stileid.u32;
	s2 =	rddreg [dreg:$0x1]  }
0x3: {  	s3 =	simm.s32 $0x0;
	s13 =	simm.s32 $0x80;
	s14 =	simm.s32 $0x5000  }
0x4: {  	s15 =	simm.s32 $0x1;
	s5 =	sand.u32 $0x1, s1;
	s16 =	smul.u32 $0x3E80, s0  }
0x5: {  	s30 =	sshll.u32 s0, $0x1;
	[smem:$0x7FF] =	sst s3;
	s9 =	smul.u32 $0x7D000, s0  }
0x6: {  	s4 =	sadd.s32 $0x18800, s6;
	s1 =	sor.u32 s5, s30;
	s8 =	smul.u32 $0x27800, s5  }
0x7: {  	p0 =	sgt.u32 s0, $0x9;
	s5 =	ssub.s32 $0x2, s5;
	s7 =	smul.u32 $0x500, s1  }
0x8: {  	s1 =	rddreg [dreg:$0x2];
	_ =	strace $0x80000053;
	s10 =	sadd.s32 s16, s6  }
0x9: {  	s31 =	sshrl.u32 s5, $0x1;
	s9 =	sshrl.u32 s9, $0x2;
	s8 =	sadd.s32 s8, s6  }
0xa: {  	s11 =	ssub.s32 s5, s31;
	s12 =	sadd.s32 s9, s2;
	s5 =	sadd.s32 $0x40000, s10  }
0xb: {  	s9 =	sshll.u32 @!p0 s0, $0x6;
	s7 =	sadd.s32 s7, s6;
	s17 =	sadd.s32 $0x67200, s8  }
0xc: {  	s8 =	smax.u32 s11, $0x1;
	s9 =	sor.u32 @!p0 $0x1C02, s9;
	s10 =	sshrl.u32 @!p0 s12, $0x3  }
0xd: {  	s11 =	simm.s32 $0x2;
	s12 =	simm.s32 $0x2800;
	s6 =	sadd.s32 $0xE800, s7  }
0xe: {  	s7 =	sadd.s32 $0x4800, s7;
	s16 =	sadd.s32 @!p0 s16, s17;
	s17 =	simm.s32 $0x0  }
.LBB2_1:
0xf: {  	[spmem:s10], [sflag:s9] =	dma.local @!p0 [hbm:s5], $0x3E80  }
0x10: {  	s18 =	simm.s32 @!p0 $0x2  }
0x11: {  	_ =	swait.ge @!p0 [sflag:s18], $0x3E80  }
0x12: {  	[sflag:s18] =	ssyncset.done @!p0 $0x0  }
0x13: {  	[sflag:s18] =	ssyncadd.s32 @!p0 $0xFFFFC180  }
0x14: {  	[tilespmem:s3], [sflag:$0x2] =	stream.linear.gather [hbm4b:s6+s3], $0x2780, $0x38;
	[tilespmem:$0x1C880] =	vst v63  }
0x15: {  	_ =	swait.ge [sflag:s11], $0x2780  }
0x16: {  	[sflag:s11] =	ssyncset.done $0x0  }
0x17: {  	[sflag:s11] =	ssyncadd.s32 $0xFFFFD880  }
0x18: {  	[tilespmem:s12], [sflag:$0x2] =	stream.linear.gather [hbm4b:s7+s3], $0x2780, $0x38;
	[tilespmem:$0x1C880] =	vst v63  }
0x19: {  	_ =	swait.ge [sflag:s11], $0x2780  }
0x1a: {  	[sflag:s11] =	ssyncset.done $0x0  }
0x1b: {  	[sflag:s11] =	ssyncadd.s32 $0xFFFFD880  }
0x1c: {  	s30 =	simm.s32 $0x0;
	[bflag:$0x0] =	sbarrier.arrive $0xFFFF  }
0x1d: {  	[tilespmem:s14], [sflag:$0x1] =	stream.indirect.gather [hbm4b:s4+s13], $0x80, s30, s13, $0xb8;
	[tilespmem:$0x1C880] =	vst v63  }
0x1e: {  	_ =	swait.ge [sflag:s15], $0x4000  }
0x1f: {  	[sflag:s15] =	ssyncset.done $0x0  }
0x20: {  	s31 =	simm.s32 $0x2800;
	[sflag:s15] =	ssyncadd.s32 $0xFFFFC000  }
0x21: {  	[spmem:s2] =	stream.indirect.scatter.add.f32 [tilespmem:s14], [sflag:$0x2], $0x80, s31, s13, $0xb8;
	[tilespmem:$0x1C880] =	vst v63  }
0x22: {  	_ =	swait.ge [sflag:s11], $0x4000  }
0x23: {  	s19 =	simm.s32 $0x400;
	s18 =	simm.s32 $0x200;
	[sflag:s11] =	ssyncset.done $0x0  }
.LBB2_2:
0x24: {  	s20 =	sshra.s32 s18, $0x2  }
0x25: {  	[sflag:s11] =	ssyncadd.s32 $0xFFFFC000;
	s18 =	smov.u32 s19;
	s21 =	sadd.s32 $0x200, s19  }
0x26: {  	[tilespmem:s14], [sflag:$0x1] =	stream.indirect.gather [hbm4b:s4+s13], $0x80, s20, s13, $0xb8;
	[tilespmem:$0x1C880] =	vst v63  }
0x27: {  	p1 =	sne.s32 s19, $0x9C00;
	_ =	swait.ge [sflag:s15], $0x4000  }
.Ltmp0:
0x28: {  	[sflag:s15] =	ssyncset.done $0x0;
	(pc) =	sbr.rel @p1 .LBB2_2-.Ltmp0, $4  }
0x29: {  	s19 =	sadd.s32 $0x2800, s20;
	[sflag:s15] =	ssyncadd.s32 $0xFFFFC000  }
0x2a: {  	[spmem:s2] =	stream.indirect.scatter.add.f32 [tilespmem:s14], [sflag:$0x2], $0x80, s19, s13, $0xb8;
	[tilespmem:$0x1C880] =	vst v63  }
0x2b: {  	_ =	swait.ge [sflag:s11], $0x4000  }
0x2c: {  	s19 =	smov.u32 s21;
	[sflag:s11] =	ssyncset.done $0x0  }
0x2d: {  	s18 =	sshra.s32 s18, $0x2;
	[sflag:s11] =	ssyncadd.s32 $0xFFFFC000  }
0x2e: {  	[tilespmem:s14], [sflag:$0x1] =	stream.indirect.gather [hbm4b:s4+s13], $0x80, s18, s13, $0xb8;
	[tilespmem:$0x1C880] =	vst v63  }
0x2f: {  	_ =	swait.ge [sflag:s15], $0x4000  }
0x30: {  	[sflag:s15] =	ssyncset.done $0x0  }
0x31: {  	s18 =	sadd.s32 $0x2800, s18;
	[sflag:s15] =	ssyncadd.s32 $0xFFFFC000  }
0x32: {  	[spmem:s2] =	stream.indirect.scatter.add.f32 [tilespmem:s14], [sflag:$0x2], $0x80, s18, s13, $0xb8;
	[tilespmem:$0x1C880] =	vst v63  }
0x33: {  	_ =	swait.ge [sflag:s11], $0x4000  }
0x34: {  	s17 =	sadd.s32 $0x1, s17;
	[sflag:s11] =	ssyncset.done $0x0  }
0x35: {  	p1 =	sne.s32 s17, s8;
	[sflag:s11] =	ssyncadd.s32 $0xFFFFC000  }
.Ltmp1:
0x36: {  	s18 =	simm.s32 @!p0 $0x2;
	[bflag:$0x0] =	sbarrier.arrive $0xFFFF;
	(pc) =	sbr.rel @p1 .LBB2_1-.Ltmp1, $4  }
0x37: {  	[hbm:s16], [sflag:s9] =	dma.local @!p0 [spmem:s10], $0x3E80  }
0x38: {  	_ =	swait.ge @!p0 [sflag:s18], $0x3E80  }
0x39: {  	[sflag:s18] =	ssyncset.done @!p0 $0x0  }
0x3a: {  	[sflag:s18] =	ssyncadd.s32 @!p0 $0xFFFFC180  }
0x3b: {  	_ =	sfence.sel $0x180000  }
0x3c: {  	[bflag:$0x0] =	sbarrier.arrive $0xFFFF  }
0x3d: {  	p0 =	sne.s32 s0, $0x0;
	_ =	strace $0x90000053  }
0x3e: {  	s0 =	sadd.s32 @!p0 $0x100000, s1;
	[bflag:$0x2] =	sbarrier.arrive $0xFFFF  }
0x3f: {  	[sflag:s0] =	ssyncadd.tile.s32 @!p0 $0x1;
	_ =	shalt  }
.Lfunc_end2:
_tile_overlayer_lowered:
.L_overlay_start_2:
0x40: {  	(tag) =	ssettag $0x2  }
0x41: {  	s0 =	rddreg [dreg:$0x0];
	s2 =	stileid.u32  }
0x42: {  	s1 =	rddreg [dreg:$0x1];
	p0 =	sne.s32 s2, $0x0  }
0x43: {  	s3 =	rddreg [dreg:$0x2];
	[bflag:$0x3] =	sbarrier.arrive $0xFFFF;
	s2 =	simm.s32 @!p0 $0x1C02  }
0x44: {  	[timem:s3], [sflag:s2] =	dma.local @!p0 [hbm:s0], s1  }
0x45: {  	s0 =	simm.s32 @!p0 $0x2  }
0x46: {  	_ =	swait.ge @!p0 [sflag:s0], s1  }
0x47: {  	s1 =	ssub.s32 @!p0 $0x0, s1;
	[sflag:s0] =	ssyncset.done @!p0 $0x0  }
0x48: {  	[sflag:s0] =	ssyncadd.s32 @!p0 s1  }
0x49: {  	[bflag:$0x3] =	sbarrier.arrive $0xFFFF  }
0x4a: {  	_ =	shalt  }

// kernel: kernel.31.cloned.1.call-start
scs
__scs_entry_jumppad:
0x0: {  	(pc) =	sbr.rel $0x88, $3  }
0x1: {  	(tag) =	ssettag $0x0;
	lr =	simm.s32 $0x1  }
0x2: {  	[smem:$0x3F95] =	sst lr;
	_ =	strace $0xD0000000  }
0x3: {  	_ = 	snop  }
0x4: {  	_ = 	snop  }
0x5: {  	_ = 	snop  }
0x6: {  	_ = 	snop  }
0x7: {  	_ = 	snop  }
__scs_overlays_trampoline_lowered:
0x8: {  	[smem:$0x3FA4] =	sst s0  }
0x9: {  	[smem:$0x3FA5] =	sst s1  }
0xa: {  	[smem:$0x3FA6] =	sst s2  }
0xb: {  	[smem:$0x3FA7] =	sst s3  }
0xc: {  	[smem:$0x3FA8] =	sst s4  }
0xd: {  	[smem:$0x3FA9] =	sst s5  }
0xe: {  	[smem:$0x3FAA] =	sst s6  }
0xf: {  	[smem:$0x3FAB] =	sst s7  }
0x10: {  	[smem:$0x3FAC] =	sst s8  }
0x11: {  	[smem:$0x3FAD] =	sst s9;
	s0 =	simm.s32 @!p0 $0x0  }
0x12: {  	s1 =	sld [smem:$0x3F93];
	s0 =	simm.s32 @p0 $0x1  }
0x13: {  	[smem:$0x3FAE] =	sst s0;
	s0 =	simm.s32 @!p1 $0x0  }
0x14: {  	s2 =	sld [smem:$0x3F92];
	s0 =	simm.s32 @p1 $0x1  }
0x15: {  	[smem:$0x3FAF] =	sst s0;
	s0 =	simm.s32 @!p2 $0x0  }
0x16: {  	s3 =	sld [smem:$0x3FDB];
	s0 =	simm.s32 @p2 $0x1  }
0x17: {  	s4 =	simm.s32 $0x1BF5;
	[smem:$0x3FB1] =	sst s0  }
0x18: {  	s0 =	sld [smem:$0x3F94];
	_ =	swait.ge [sflag:s4], $0x0  }
0x19: {  	s7 =	sld [smem:$0x3F95]  }
0x1a: {  	s8 =	sadd.s32 $0xFFFFE003, lr  }
0x1b: {  	s9 =	sadd.s32 $0xFFFFFEF7, lr;
	s5 =	simm.s32 $0xFFFFFFFF;
	p2 =	slt.u32 s8, $0xFFFFF086  }
0x1c: {  	p1 =	slt.u32 s9, $0xF7A;
	s5 =	simm.s32 @!p2 $0x0  }
0x1d: {  	s5 =	simm.s32 @p1 $0x1;
	p0 =	seq.s32 s7, s2  }
0x1e: {  	s7 =	smul.u32 @!p0 $0xF7A, s2;
	p2 =	seq.s32 @!p0 s5, $0x0  }
0x1f: {  	s9 =	smul.u32 $0xF7A, s1;
	s8 =	simm.s32 @!p0 $0x1BF5;
	p2 =	por !p2, p0  }
0x20: {  	[sflag:s8] =	ssyncset.s32 @!p0 $0xFFFFF086;
	s6 =	sadd.s32 @!p0 s3, s7;
	s7 =	simm.s32 @!p0 $0x108  }
0x21: {  	s3 =	sadd.s32 s3, s9;
	s6 =	sadd.s32 @!p0 $0x88, s6;
	s7 =	simm.s32 @p2 $0x1082  }
0x22: {  	[simem:s7], [sflag:s8] =	dma.local @!p0 [hbm:s6], $0xF7A  }
0x23: {  	s9 =	sor.u32 $0xD0000000, s2;
	s6 =	simm.s32 $0x108;
	_ =	swait.ge @!p0 [sflag:s8], $0x0  }
0x24: {  	s3 =	sadd.s32 $0x88, s3;
	s6 =	simm.s32 @!p1 $0x1082;
	[sflag:s4] =	ssyncset.s32 $0xFFFFF086  }
0x25: {  	[simem:s6], [sflag:s4] =	dma.local [hbm:s3], $0xF7A  }
0x26: {  	[smem:$0x3F95] =	sst s1;
	(tag) =	ssettag s2;
	_ =	strace s9  }
0x27: {  	s1 =	sld [smem:$0x3FA5]  }
0x28: {  	s2 =	sld [smem:$0x3FA6]  }
0x29: {  	s4 =	sld [smem:$0x3FA8]  }
0x2a: {  	p0 =	seq.s32 s5, $0x0;
	s5 =	sld [smem:$0x3FA9]  }
0x2b: {  	s6 =	sld [smem:$0x3FAA]  }
0x2c: {  	s7 =	sld [smem:$0x3FAB]  }
0x2d: {  	s3 =	simm.s32 $0x108;
	s8 =	sld [smem:$0x3FAC]  }
0x2e: {  	s3 =	simm.s32 @!p0 $0x1082;
	s9 =	sld [smem:$0x3FAD]  }
0x2f: {  	lr =	sadd.s32 s0, s3;
	s0 =	sld [smem:$0x3FA4]  }
0x30: {  	s3 =	sld [smem:$0x3FA7]  }
0x31: {  	[smem:$0x3FB0] =	sst s10  }
0x32: {  	s10 =	sld [smem:$0x3FAE];
	_ =	sdelay $0x3  }
0x33: {  	p0 =	seq.s32 s10, $0x1;
	s10 =	sld [smem:$0x3FB0];
	_ =	sdelay $0x3  }
0x34: {  	[smem:$0x3FB0] =	sst s10  }
0x35: {  	s10 =	sld [smem:$0x3FAF];
	_ =	sdelay $0x3  }
0x36: {  	p1 =	seq.s32 s10, $0x1;
	s10 =	sld [smem:$0x3FB0];
	_ =	sdelay $0x3  }
0x37: {  	[smem:$0x3FB0] =	sst s10  }
0x38: {  	s10 =	sld [smem:$0x3FB1]  }
0x39: {  	_ = 	snop;
	(pc) =	sbr.ind lr, $3  }
0x3a: {  	_ = 	snop  }
0x3b: {  	_ = 	snop  }
0x3c: {  	p2 =	seq.s32 s10, $0x1;
	s10 =	sld [smem:$0x3FB0]  }
0x3d: {  	_ =	shalt  }
0x3e: {  	_ =	shalt  }
0x3f: {  	_ =	shalt  }
0x40: {  	_ =	shalt  }
0x41: {  	_ =	shalt  }
0x42: {  	_ =	shalt  }
0x43: {  	_ =	shalt  }
0x44: {  	_ =	shalt  }
0x45: {  	_ =	shalt  }
0x46: {  	_ =	shalt  }
0x47: {  	_ =	shalt  }
0x48: {  	_ =	shalt  }
0x49: {  	_ =	shalt  }
0x4a: {  	_ =	shalt  }
0x4b: {  	_ =	shalt  }
0x4c: {  	_ =	shalt  }
0x4d: {  	_ =	shalt  }
0x4e: {  	_ =	shalt  }
0x4f: {  	_ =	shalt  }
0x50: {  	_ =	shalt  }
0x51: {  	_ =	shalt  }
0x52: {  	_ =	shalt  }
0x53: {  	_ =	shalt  }
0x54: {  	_ =	shalt  }
0x55: {  	_ =	shalt  }
0x56: {  	_ =	shalt  }
0x57: {  	_ =	shalt  }
0x58: {  	_ =	shalt  }
0x59: {  	_ =	shalt  }
0x5a: {  	_ =	shalt  }
0x5b: {  	_ =	shalt  }
0x5c: {  	_ =	shalt  }
0x5d: {  	_ =	shalt  }
0x5e: {  	_ =	shalt  }
0x5f: {  	_ =	shalt  }
0x60: {  	_ =	shalt  }
0x61: {  	_ =	shalt  }
0x62: {  	_ =	shalt  }
0x63: {  	_ =	shalt  }
0x64: {  	_ =	shalt  }
0x65: {  	_ =	shalt  }
0x66: {  	_ =	shalt  }
0x67: {  	_ =	shalt  }
0x68: {  	_ =	shalt  }
0x69: {  	_ =	shalt  }
0x6a: {  	_ =	shalt  }
0x6b: {  	_ =	shalt  }
0x6c: {  	_ =	shalt  }
0x6d: {  	_ =	shalt  }
0x6e: {  	_ =	shalt  }
0x6f: {  	_ =	shalt  }
0x70: {  	_ =	shalt  }
0x71: {  	_ =	shalt  }
0x72: {  	_ =	shalt  }
0x73: {  	_ =	shalt  }
0x74: {  	_ =	shalt  }
0x75: {  	_ =	shalt  }
0x76: {  	_ =	shalt  }
0x77: {  	_ =	shalt  }
0x78: {  	_ =	shalt  }
0x79: {  	_ =	shalt  }
0x7a: {  	_ =	shalt  }
0x7b: {  	_ =	shalt  }
0x7c: {  	_ =	shalt  }
0x7d: {  	_ =	shalt  }
0x7e: {  	_ =	shalt  }
0x7f: {  	_ =	shalt  }
0x80: {  	_ =	shalt  }
0x81: {  	_ =	shalt  }
0x82: {  	_ =	shalt  }
0x83: {  	_ =	shalt  }
0x84: {  	_ =	shalt  }
0x85: {  	_ =	shalt  }
0x86: {  	_ =	shalt  }
0x87: {  	_ =	shalt  }
.Lfunc_end0:
.L_simem_size_0:
called_computation.5_lowered:
.L_overlay_start_0:
0x88: {  	s2 =	sld [smem:$0x3FD9]  }
0x89: {  	s3 =	sld [smem:$0x3FFE];
	_ =	sdelay $0x1  }
0x8a: {  	s1 =	srdreg.scid  }
0x8b: {  	s0 =	sand.u32 $0x1, s1  }
0x8c: {  	s16 =	sshll.u32 s0, $0xA;
	s2 =	sadd.s32 s3, s2  }
0x8d: {  	s2 =	sadd.s32 s2, s16  }
0x8e: {  	[smem:$0x3FBC] =	sst s2  }
0x8f: {  	_ = 	snop  }
0x90: {  	(tm) =	ssettm $0x1  }
0x91: {  	s17 =	sld [smem:$0x3FFB];
	_ =	sdelay $0x3  }
0x92: {  	_ =	strace s17  }
0x93: {  	s2 =	sld [smem:$0x3FFC];
	_ =	sdelay $0x3  }
0x94: {  	_ =	strace s2  }
0x95: {  	s2 =	sld [smem:$0x3FFD];
	_ =	sdelay $0x3  }
0x96: {  	_ =	strace s2  }
0x97: {  	_ =	strace $0x8FFFFFFF  }
0x98: {  	s18 =	sld [smem:$0x3FDB];
	_ =	sdelay $0x1  }
0x99: {  	s19 =	simm.s32 $_scs_section_size  }
0x9a: {  	s4 =	simm.s32 $_size__tile_overlayer_lowered;
	s5 =	simm.s32 $_tile_overlayer_lowered  }
0x9b: {  	s22 =	simm.s32 $0x1BFF;
	s21 =	sshll.u32 s5, $0x1;
	s2 =	sadd.s32 s19, s18  }
0x9c: {  	s6 =	simm.s32 $0x0;
	s20 =	sshll.u32 s4, $0x1;
	s4 =	sadd.s32 s21, s2  }
0x9d: {  	[timem:s6], [sflag:s22] =	dma.local [hbm:s4], s20  }
0x9e: {  	_ =	swait.ge [sflag:s22], s20  }
0x9f: {  	s3 =	ssub.s32 $0x0, s20;
	[sflag:s22] =	ssyncset.done $0x0  }
0xa0: {  	[sflag:s22] =	ssyncadd.s32 s3;
	_ =	sdelay $0x1  }
0xa1: {  	s23 =	simm.s32 $0x1B8B  }
0xa2: {  	_ =	swait.ge [sflag:s23], $0x1  }
0xa3: {  	[sflag:s23] =	ssyncset.done $0x0  }
0xa4: {  	s25 =	simm.s32 $0x1B8E;
	s24 =	sld [smem:$0x3FFE];
	[sflag:s23] =	ssyncadd.s32 $0xFFFFFFFF  }
0xa5: {  	s26 =	simm.s32 $execute0_lowered;
	[smem:$0x3FD2] =	sst s25  }
0xa6: {  	s4 =	sshll.u32 s26, $0x1;
	_ =	strace $0x80000055;
	[dreg:$0x1] =	wrdreg $0xFFFFFFFF  }
0xa7: {  	s28 =	simm.s32 $_size_execute0_lowered;
	s2 =	sadd.s32 s2, s4;
	[dreg:$0x0] =	wrdreg $0x0  }
0xa8: {  	s4 =	sshll.u32 s28, $0x1;
	[dreg:$0x2] =	wrdreg s2  }
0xa9: {  	[dreg:$0x3] =	wrdreg s4  }
0xaa: {  	[dreg:$0x4] =	wrdreg $0xC0  }
0xab: {  	_ =	task [dreg:s6], $0x5FFFF  }
0xac: {  	[dreg:$0x1] =	wrdreg $0xFFFFFFFF  }
0xad: {  	[dreg:$0x0] =	wrdreg $0x60  }
0xae: {  	[dreg:$0x2] =	wrdreg s24  }
0xaf: {  	[dreg:$0x3] =	wrdreg $0x90000  }
0xb0: {  	[dreg:$0x4] =	wrdreg $0x9  }
0xb1: {  	_ =	task.clear_ibuf [dreg:s6], $0x5FFFF;
	_ =	strace $0x90000055  }
0xb2: {  	s29 =	simm.s32 $0x9;
	_ =	strace $0x80000057  }
0xb3: {  	_ =	swait.ge [sflag:s29], $0x1  }
0xb4: {  	[sflag:s29] =	ssyncadd.s32 $0xFFFFFFFF  }
0xb5: {  	_ =	strace $0x90000057  }
0xb6: {  	_ =	sfence  }
0xb7: {  	s30 =	sld [smem:$0x0];
	_ =	sdelay $0x2  }
0xb8: {  	s31 =	sshll.u32 s1, $0xD;
	s1 =	sshrl.u32 s1, $0x2  }
0xb9: {  	s3 =	sand.u32 $0x4000, s31;
	s1 =	sadd.s32 s1, s30  }
0xba: {  	s0 =	sor.u32 s3, s0;
	s1 =	sshll.u32 s1, $0x11  }
0xbb: {  	s0 =	sor.u32 s1, s0  }
0xbc: {  	s0 =	sadd.s32 $0x8F2B, s0  }
0xbd: {  	[sflag:s0] =	ssyncadd.remote.s32 $0x1  }
0xbe: {  	_ =	sfence.sel $0xFFFF  }
0xbf: {  	[dreg:$0x0] =	wrdreg $0xFFFFFFFF;
	(pc) =	sbr.abs _section_cstart, $3  }
0xc0: {  	[dreg:$0x1] =	wrdreg $0xFFFFFFFF  }
0xc1: {  	_ =	task.clear_ibuf [dreg:s6], $0x2FFFF;
	_ =	strace $0x9FFFFFFF  }
0xc2: {  	(tm) =	ssettm $0x7FFFFFFF  }
0xc3: {  	_ =	shalt  }
tec
execute0_lowered:
.L_overlay_start_1:
0x0: {  	(tag) =	ssettag $0x1  }
0x1: {  	s1 =	srdreg.scid;
	s6 =	rddreg [dreg:$0x0]  }
0x2: {  	s0 =	stileid.u32;
	s2 =	rddreg [dreg:$0x1]  }
0x3: {  	s3 =	simm.s32 $0x0;
	s13 =	simm.s32 $0x80;
	s14 =	simm.s32 $0x5000  }
0x4: {  	s15 =	simm.s32 $0x1;
	s5 =	sand.u32 $0x1, s1;
	s16 =	smul.u32 $0x3E80, s0  }
0x5: {  	s30 =	sshll.u32 s0, $0x1;
	[smem:$0x7FF] =	sst s3;
	s9 =	smul.u32 $0x7D000, s0  }
0x6: {  	s4 =	sadd.s32 $0x18800, s6;
	s1 =	sor.u32 s5, s30;
	s8 =	smul.u32 $0x27800, s5  }
0x7: {  	p0 =	sgt.u32 s0, $0x9;
	s5 =	ssub.s32 $0x2, s5;
	s7 =	smul.u32 $0x500, s1  }
0x8: {  	s1 =	rddreg [dreg:$0x2];
	_ =	strace $0x80000056;
	s10 =	sadd.s32 s16, s6  }
0x9: {  	s31 =	sshrl.u32 s5, $0x1;
	s9 =	sshrl.u32 s9, $0x2;
	s8 =	sadd.s32 s8, s6  }
0xa: {  	s11 =	ssub.s32 s5, s31;
	s12 =	sadd.s32 s9, s2;
	s5 =	sadd.s32 $0x40000, s10  }
0xb: {  	s9 =	sshll.u32 @!p0 s0, $0x6;
	s7 =	sadd.s32 s7, s6;
	s17 =	sadd.s32 $0x67200, s8  }
0xc: {  	s8 =	smax.u32 s11, $0x1;
	s9 =	sor.u32 @!p0 $0x1C02, s9;
	s10 =	sshrl.u32 @!p0 s12, $0x3  }
0xd: {  	s11 =	simm.s32 $0x2;
	s12 =	simm.s32 $0x2800;
	s6 =	sadd.s32 $0xE800, s7  }
0xe: {  	s7 =	sadd.s32 $0x4800, s7;
	s16 =	sadd.s32 @!p0 s16, s17;
	s17 =	simm.s32 $0x0  }
.LBB2_1:
0xf: {  	[spmem:s10], [sflag:s9] =	dma.local @!p0 [hbm:s5], $0x3E80  }
0x10: {  	s18 =	simm.s32 @!p0 $0x2  }
0x11: {  	_ =	swait.ge @!p0 [sflag:s18], $0x3E80  }
0x12: {  	[sflag:s18] =	ssyncset.done @!p0 $0x0  }
0x13: {  	[sflag:s18] =	ssyncadd.s32 @!p0 $0xFFFFC180  }
0x14: {  	[tilespmem:s3], [sflag:$0x2] =	stream.linear.gather [hbm4b:s6+s3], $0x2780, $0x38;
	[tilespmem:$0x1C880] =	vst v63  }
0x15: {  	_ =	swait.ge [sflag:s11], $0x2780  }
0x16: {  	[sflag:s11] =	ssyncset.done $0x0  }
0x17: {  	[sflag:s11] =	ssyncadd.s32 $0xFFFFD880  }
0x18: {  	[tilespmem:s12], [sflag:$0x2] =	stream.linear.gather [hbm4b:s7+s3], $0x2780, $0x38;
	[tilespmem:$0x1C880] =	vst v63  }
0x19: {  	_ =	swait.ge [sflag:s11], $0x2780  }
0x1a: {  	[sflag:s11] =	ssyncset.done $0x0  }
0x1b: {  	[sflag:s11] =	ssyncadd.s32 $0xFFFFD880  }
0x1c: {  	s30 =	simm.s32 $0x0;
	[bflag:$0x0] =	sbarrier.arrive $0xFFFF  }
0x1d: {  	[tilespmem:s14], [sflag:$0x1] =	stream.indirect.gather [hbm4b:s4+s13], $0x80, s30, s13, $0xb8;
	[tilespmem:$0x1C880] =	vst v63  }
0x1e: {  	_ =	swait.ge [sflag:s15], $0x4000  }
0x1f: {  	[sflag:s15] =	ssyncset.done $0x0  }
0x20: {  	s31 =	simm.s32 $0x2800;
	[sflag:s15] =	ssyncadd.s32 $0xFFFFC000  }
0x21: {  	[spmem:s2] =	stream.indirect.scatter.add.f32 [tilespmem:s14], [sflag:$0x2], $0x80, s31, s13, $0xb8;
	[tilespmem:$0x1C880] =	vst v63  }
0x22: {  	_ =	swait.ge [sflag:s11], $0x4000  }
0x23: {  	s19 =	simm.s32 $0x400;
	s18 =	simm.s32 $0x200;
	[sflag:s11] =	ssyncset.done $0x0  }
.LBB2_2:
0x24: {  	s20 =	sshra.s32 s18, $0x2  }
0x25: {  	[sflag:s11] =	ssyncadd.s32 $0xFFFFC000;
	s18 =	smov.u32 s19;
	s21 =	sadd.s32 $0x200, s19  }
0x26: {  	[tilespmem:s14], [sflag:$0x1] =	stream.indirect.gather [hbm4b:s4+s13], $0x80, s20, s13, $0xb8;
	[tilespmem:$0x1C880] =	vst v63  }
0x27: {  	p1 =	sne.s32 s19, $0x9C00;
	_ =	swait.ge [sflag:s15], $0x4000  }
.Ltmp0:
0x28: {  	[sflag:s15] =	ssyncset.done $0x0;
	(pc) =	sbr.rel @p1 .LBB2_2-.Ltmp0, $4  }
0x29: {  	s19 =	sadd.s32 $0x2800, s20;
	[sflag:s15] =	ssyncadd.s32 $0xFFFFC000  }
0x2a: {  	[spmem:s2] =	stream.indirect.scatter.add.f32 [tilespmem:s14], [sflag:$0x2], $0x80, s19, s13, $0xb8;
	[tilespmem:$0x1C880] =	vst v63  }
0x2b: {  	_ =	swait.ge [sflag:s11], $0x4000  }
0x2c: {  	s19 =	smov.u32 s21;
	[sflag:s11] =	ssyncset.done $0x0  }
0x2d: {  	s18 =	sshra.s32 s18, $0x2;
	[sflag:s11] =	ssyncadd.s32 $0xFFFFC000  }
0x2e: {  	[tilespmem:s14], [sflag:$0x1] =	stream.indirect.gather [hbm4b:s4+s13], $0x80, s18, s13, $0xb8;
	[tilespmem:$0x1C880] =	vst v63  }
0x2f: {  	_ =	swait.ge [sflag:s15], $0x4000  }
0x30: {  	[sflag:s15] =	ssyncset.done $0x0  }
0x31: {  	s18 =	sadd.s32 $0x2800, s18;
	[sflag:s15] =	ssyncadd.s32 $0xFFFFC000  }
0x32: {  	[spmem:s2] =	stream.indirect.scatter.add.f32 [tilespmem:s14], [sflag:$0x2], $0x80, s18, s13, $0xb8;
	[tilespmem:$0x1C880] =	vst v63  }
0x33: {  	_ =	swait.ge [sflag:s11], $0x4000  }
0x34: {  	s17 =	sadd.s32 $0x1, s17;
	[sflag:s11] =	ssyncset.done $0x0  }
0x35: {  	p1 =	sne.s32 s17, s8;
	[sflag:s11] =	ssyncadd.s32 $0xFFFFC000  }
.Ltmp1:
0x36: {  	s18 =	simm.s32 @!p0 $0x2;
	[bflag:$0x0] =	sbarrier.arrive $0xFFFF;
	(pc) =	sbr.rel @p1 .LBB2_1-.Ltmp1, $4  }
0x37: {  	[hbm:s16], [sflag:s9] =	dma.local @!p0 [spmem:s10], $0x3E80  }
0x38: {  	_ =	swait.ge @!p0 [sflag:s18], $0x3E80  }
0x39: {  	[sflag:s18] =	ssyncset.done @!p0 $0x0  }
0x3a: {  	[sflag:s18] =	ssyncadd.s32 @!p0 $0xFFFFC180  }
0x3b: {  	_ =	sfence.sel $0x180000  }
0x3c: {  	[bflag:$0x0] =	sbarrier.arrive $0xFFFF  }
0x3d: {  	p0 =	sne.s32 s0, $0x0;
	_ =	strace $0x90000056  }
0x3e: {  	s0 =	sadd.s32 @!p0 $0x100000, s1;
	[bflag:$0x2] =	sbarrier.arrive $0xFFFF  }
0x3f: {  	[sflag:s0] =	ssyncadd.tile.s32 @!p0 $0x1;
	_ =	shalt  }
.Lfunc_end2:
_tile_overlayer_lowered:
.L_overlay_start_2:
0x40: {  	(tag) =	ssettag $0x2  }
0x41: {  	s0 =	rddreg [dreg:$0x0];
	s2 =	stileid.u32  }
0x42: {  	s1 =	rddreg [dreg:$0x1];
	p0 =	sne.s32 s2, $0x0  }
0x43: {  	s3 =	rddreg [dreg:$0x2];
	[bflag:$0x3] =	sbarrier.arrive $0xFFFF;
	s2 =	simm.s32 @!p0 $0x1C02  }
0x44: {  	[timem:s3], [sflag:s2] =	dma.local @!p0 [hbm:s0], s1  }
0x45: {  	s0 =	simm.s32 @!p0 $0x2  }
0x46: {  	_ =	swait.ge @!p0 [sflag:s0], s1  }
0x47: {  	s1 =	ssub.s32 @!p0 $0x0, s1;
	[sflag:s0] =	ssyncset.done @!p0 $0x0  }
0x48: {  	[sflag:s0] =	ssyncadd.s32 @!p0 s1  }
0x49: {  	[bflag:$0x3] =	sbarrier.arrive $0xFFFF  }
0x4a: {  	_ =	shalt  }

</sc_bundles>
